<compile_context>
chip_gen: v7x
topology: tpu7x:2x2x1
jax: 0.10.2.dev20260603
libtpu: 0.0.44.dev20260713+nightly
codegen_flags: <defaults>
</compile_context>

<pallas_src>
import functools

import jax
import jax.numpy as jnp
from jax import lax
from jax.experimental import pallas as pl
from jax.experimental.pallas import tpu as pltpu
from jax.experimental.pallas import tpu_sc as plsc

N_ROWS = 327680
D = 128
N_COND = 26
L = 16
NW = 32
ROWS_PER_W = N_ROWS // NW
CHUNK = 128
CHUNKS_PER_W = ROWS_PER_W // CHUNK
PAIRS = CHUNKS_PER_W // 2
CHUNK_BYTES = CHUNK * D * 4

_MAGIC = 0x5F3759DF


def _splat(s):
    return jnp.full((L,), s, dtype=jnp.float32)


def _sc_kernel(x_hbm, c_hbm, w_hbm, out_hbm, part_hbm,
               w_tmp, c_all, xb, mb, ob, pbuf, w_shared,
               sx0, sx1, sm0, sm1, so0, so1, sc_sem):
    cid = lax.axis_index("c")
    sid = lax.axis_index("s")
    wid = sid * 2 + cid
    base_chunk = wid * CHUNKS_PER_W

    @pl.when(sid == 0)
    def _stage_w():
        pltpu.async_copy(w_hbm, w_tmp, sc_sem).wait()

        def relu_row(r, _):
            for k in range(D // L):
                w_tmp[r, pl.ds(k * L, L)] = jnp.maximum(
                    w_tmp[r, pl.ds(k * L, L)], 0.0)
            return 0

        lax.fori_loop(0, N_COND, relu_row, 0)
        pltpu.async_copy(w_tmp, w_shared, sc_sem).wait()

    pltpu.async_copy(c_hbm.at[pl.ds(base_chunk, CHUNKS_PER_W)], c_all,
                     sc_sem).wait()
    plsc.subcore_barrier()

    def issue_in(i, x_slot, m_slot, xsem, msem):
        ci = jnp.minimum(i, CHUNKS_PER_W - 1)
        row0 = (base_chunk + ci) * CHUNK
        pltpu.async_copy(x_hbm.at[pl.ds(row0, CHUNK)], x_slot, xsem)
        pltpu.async_copy(w_shared.at[c_all.at[ci]], m_slot, msem)

    def wait_in(x_slot, m_slot, xsem, msem):
        pltpu.make_async_copy(x_hbm.at[pl.ds(0, CHUNK)], x_slot, xsem).wait()
        pltpu.make_async_copy(w_shared.at[c_all.at[0]], m_slot, msem).wait()

    def issue_out(i, o_slot, osem):
        row0 = (base_chunk + i) * CHUNK
        pltpu.async_copy(o_slot, out_hbm.at[pl.ds(row0, CHUNK)], osem)

    def wait_out(o_slot, osem):
        pltpu.make_async_copy(o_slot, out_hbm.at[pl.ds(0, CHUNK)], osem).wait()

    lane = lax.iota(jnp.int32, L)
    perms = [(lane ^ sh).reshape(L, 1) for sh in (8, 4, 2, 1)]
    _dnums = lax.GatherDimensionNumbers(
        offset_dims=(), collapsed_slice_dims=(0,), start_index_map=(0,))

    def allsum(v):
        for p in perms:
            v = v + lax.gather(
                v, p, _dnums, slice_sizes=(1,), unique_indices=True,
                indices_are_sorted=False,
                mode=lax.GatherScatterMode.PROMISE_IN_BOUNDS)
        return v

    def one_row(x_slot, m_slot, o_slot, r, acc_x2, acc_m, acc_n):
        vs = []
        sq = None
        for k in range(D // L):
            xk = x_slot[r, pl.ds(k * L, L)]
            mk = m_slot[r, pl.ds(k * L, L)]
            vk = xk * mk
            vs.append(vk)
            sq = vk * vk if sq is None else sq + vk * vk
            acc_x2 = acc_x2 + xk * xk
            acc_m = acc_m + mk
        sv = allsum(sq)
        hv = sv * 0.5
        iy = jnp.int32(_MAGIC) - (lax.bitcast_convert_type(sv, jnp.int32) >> 1)
        y = lax.bitcast_convert_type(iy, jnp.float32)
        y = y * (1.5 - hv * y * y)
        y = y * (1.5 - hv * y * y)
        for k in range(D // L):
            o_slot[r, pl.ds(k * L, L)] = vs[k] * y
        acc_n = acc_n + sv * y * y
        return acc_x2, acc_m, acc_n

    def compute_chunk(i, x_slot, m_slot, o_slot, carry):
        def row_body(r2, carry):
            x2a, x2b, ma, mb_, na, nb = carry
            r = 2 * r2
            x2a, ma, na = one_row(x_slot, m_slot, o_slot, r, x2a, ma, na)
            x2b, mb_, nb = one_row(x_slot, m_slot, o_slot, r + 1, x2b, mb_, nb)
            return x2a, x2b, ma, mb_, na, nb

        return lax.fori_loop(0, CHUNK // 2, row_body, carry)

    issue_in(0, xb.at[0], mb.at[0], sx0, sm0)

    def pair_body(j, carry):
        a = 2 * j
        issue_in(a + 1, xb.at[1], mb.at[1], sx1, sm1)
        wait_in(xb.at[0], mb.at[0], sx0, sm0)

        @pl.when(j > 0)
        def _():
            wait_out(ob.at[0], so0)

        carry = compute_chunk(a, xb.at[0], mb.at[0], ob.at[0], carry)
        issue_out(a, ob.at[0], so0)
        issue_in(a + 2, xb.at[0], mb.at[0], sx0, sm0)
        wait_in(xb.at[1], mb.at[1], sx1, sm1)

        @pl.when(j > 0)
        def _():
            wait_out(ob.at[1], so1)

        carry = compute_chunk(a + 1, xb.at[1], mb.at[1], ob.at[1], carry)
        issue_out(a + 1, ob.at[1], so1)
        return carry

    zeros = jnp.zeros((L,), jnp.float32)
    x2a, x2b, ma, mb_, na, nb = lax.fori_loop(
        0, PAIRS, pair_body, (zeros,) * 6)
    acc_x2 = x2a + x2b
    acc_m = ma + mb_
    acc_n = na + nb

    wait_in(xb.at[0], mb.at[0], sx0, sm0)
    wait_out(ob.at[0], so0)
    wait_out(ob.at[1], so1)

    pbuf[pl.ds(0, L)] = acc_m
    pbuf[pl.ds(L, L)] = acc_x2
    pbuf[pl.ds(2 * L, L)] = acc_n
    pltpu.async_copy(pbuf, part_hbm.at[wid], sc_sem).wait()


@jax.jit
def kernel(x, c, W):
    c2d = c.reshape(N_ROWS // CHUNK, CHUNK)
    mesh = plsc.VectorSubcoreMesh(core_axis_name="c", subcore_axis_name="s")
    run = pl.kernel(
        _sc_kernel,
        mesh=mesh,
        out_type=[
            jax.ShapeDtypeStruct((N_ROWS, D), jnp.float32),
            jax.ShapeDtypeStruct((NW, 3 * L), jnp.float32),
        ],
        scratch_types=[
            pltpu.VMEM((N_COND, D), jnp.float32),
            pltpu.VMEM((CHUNKS_PER_W, CHUNK), jnp.int32),
            pltpu.VMEM((2, CHUNK, D), jnp.float32),
            pltpu.VMEM((2, CHUNK, D), jnp.float32),
            pltpu.VMEM((2, CHUNK, D), jnp.float32),
            pltpu.VMEM((3 * L,), jnp.float32),
            pltpu.VMEM_SHARED((N_COND, D), jnp.float32),
            pltpu.SemaphoreType.DMA,
            pltpu.SemaphoreType.DMA,
            pltpu.SemaphoreType.DMA,
            pltpu.SemaphoreType.DMA,
            pltpu.SemaphoreType.DMA,
            pltpu.SemaphoreType.DMA,
            pltpu.SemaphoreType.DMA,
        ],
    )
    masked, parts = run(x, c2d, W)
    b = jnp.float32(N_ROWS)
    mask_norm = jnp.sum(parts[:, 0:L]) / b
    embed_norm = jnp.sqrt(jnp.sum(parts[:, L:2 * L])) / b
    masked_embed_norm = jnp.sqrt(jnp.sum(parts[:, 2 * L:3 * L]) / L) / b
    return masked, mask_norm, embed_norm, masked_embed_norm

# --- scband reference (transcript-rebuilt; emitter-appended) ---
"""Pipeline reference for scband-conditional-sim-net-55525337202987 (READ-ONLY COPY).

The authoritative reference and input builder live on the scoring server;
editing this copy changes nothing except your own understanding.
"""

import jax, jax.numpy as jnp
import numpy as np

N_ROWS = 327680
EMBED_DIM = 128
N_COND = 26

def setup_inputs(seed: int = 0) -> dict:
    key = jax.random.key(seed)
    k1, k2, k3 = jax.random.split(key, 3)
    x = jax.random.normal(k1, (N_ROWS, EMBED_DIM), dtype=jnp.float32)
    c = jax.random.randint(k2, (N_ROWS,), 0, N_COND, dtype=jnp.int32)
    # learnedmask=True, prein=False -> normal init mean=0.9 std=0.7
    W = 0.9 + 0.7 * jax.random.normal(k3, (N_COND, EMBED_DIM), dtype=jnp.float32)
    return {"x": x, "c": c, "W": W}

def reference(x, c, W):
    B_L = x.shape[0]
    mask = jnp.take(W, c, axis=0)            # embedding lookup [B_L, D]
    mask = jax.nn.relu(mask)                  # learnedmask=True path
    masked_embedding = x * mask
    norm = jnp.linalg.norm(masked_embedding, ord=2, axis=-1, keepdims=True) + 1e-10
    masked_embedding = masked_embedding / norm
    mask_norm = jnp.sum(jnp.abs(jax.lax.stop_gradient(mask))) / B_L   # L1 norm of detached mask
    embed_norm = jnp.linalg.norm(x) / B_L                             # Frobenius norm
    masked_embed_norm = jnp.linalg.norm(masked_embedding) / B_L
    return (masked_embedding, mask_norm, embed_norm, masked_embed_norm)

if __name__ == "__main__":
    import jax
    _d = setup_inputs()
    print(jax.jit(kernel)(*tuple(_d.values())))

</pallas_src>

<mosaic_0001>
#map = affine_map<(d0, d1) -> (0, 0)>
module attributes {stable_mosaic.version = 14 : i64} {
  func.func @_sc_kernel(%arg0: i32, %arg1: i32, %arg2: memref<327680x128xf32, #tpu.memory_space<hbm>>, %arg3: memref<2560x128xi32, #tpu.memory_space<hbm>>, %arg4: memref<26x128xf32, #tpu.memory_space<hbm>>, %arg5: memref<327680x128xf32, #tpu.memory_space<hbm>>, %arg6: memref<32x48xf32, #tpu.memory_space<hbm>>, %arg7: memref<26x128xf32, #tpu.memory_space<vmem>>, %arg8: memref<80x128xi32, #tpu.memory_space<vmem>>, %arg9: memref<2x128x128xf32, #tpu.memory_space<vmem>>, %arg10: memref<2x128x128xf32, #tpu.memory_space<vmem>>, %arg11: memref<2x128x128xf32, #tpu.memory_space<vmem>>, %arg12: memref<48xf32, #tpu.memory_space<vmem>>, %arg13: memref<26x128xf32, #tpu.memory_space<vmem_shared>>, %arg14: memref<!tpu.dma_semaphore, #tpu.memory_space<semaphore_mem>>, %arg15: memref<!tpu.dma_semaphore, #tpu.memory_space<semaphore_mem>>, %arg16: memref<!tpu.dma_semaphore, #tpu.memory_space<semaphore_mem>>, %arg17: memref<!tpu.dma_semaphore, #tpu.memory_space<semaphore_mem>>, %arg18: memref<!tpu.dma_semaphore, #tpu.memory_space<semaphore_mem>>, %arg19: memref<!tpu.dma_semaphore, #tpu.memory_space<semaphore_mem>>, %arg20: memref<!tpu.dma_semaphore, #tpu.memory_space<semaphore_mem>>) attributes {dimension_semantics = [#tpu.dimension_semantics<core_parallel>, #tpu.dimension_semantics<subcore_parallel>], iteration_bounds = array<i64: 2, 16>, scalar_prefetch = 0 : i64, scratch_operands = 14 : i64, tpu.core_type = #tpu.core_type<sc_vector_subcore>, window_params = [{transform_indices = #map}, {transform_indices = #map}, {transform_indices = #map}, {transform_indices = #map}, {transform_indices = #map}]} {
    %mul3A = arith.constant 2 : i32
    %mul3A_0 = arith.muli %arg1, %mul3A : i32
    %add3A = arith.addi %mul3A_0, %arg0 : i32
    %mul3A_1 = arith.constant 80 : i32
    %mul3A_2 = arith.muli %add3A, %mul3A_1 : i32
    %eq3A = arith.constant 0 : i32
    %eq3A_3 = arith.cmpi eq, %arg1, %eq3A : i32
    %convert_element_type3A = arith.extui %eq3A_3 : i1 to i32
    %cond3A = arith.constant 0 : i32
    %cond3A_4 = arith.cmpi ne, %convert_element_type3A, %cond3A : i32
    scf.if %cond3A_4 {
      tpu.enqueue_dma source(%arg4 : memref<26x128xf32, #tpu.memory_space<hbm>>) target(%arg7 : memref<26x128xf32, #tpu.memory_space<vmem>>) target_semaphore(%arg20 : memref<!tpu.dma_semaphore, #tpu.memory_space<semaphore_mem>>)
      tpu.wait_dma2 semaphore(%arg20 : memref<!tpu.dma_semaphore, #tpu.memory_space<semaphore_mem>>) src(%arg4 : memref<26x128xf32, #tpu.memory_space<hbm>>) dst(%arg7 : memref<26x128xf32, #tpu.memory_space<vmem>>)
      %scan3A_143 = arith.constant 0 : i32
      %scan3A_144 = arith.constant 0 : i32
      %scan3A_145 = arith.constant 26 : i32
      %scan3A_146 = arith.addi %scan3A_144, %scan3A_145 : i32
      %scan3A_147 = arith.constant 1 : i32
      %scan3A_148 = scf.for %scan3A_150 = %scan3A_144 to %scan3A_146 step %scan3A_147 iter_args(%scan3A_151 = %scan3A_143) -> (i32)  : i32 {
        %get3A = arith.index_cast %scan3A_150 : i32 to index
        %get3A_152 = arith.constant 0 : index
        %get3A_153 = tpu.vector_load %arg7[%get3A, %get3A_152] {strides = array<i32>} : memref<26x128xf32, #tpu.memory_space<vmem>>, vector<1x16xf32>,
        %get3A_154 = vector.shape_cast %get3A_153 : vector<1x16xf32> to vector<16xf32>
        %max3A = arith.constant 0.000000e+00 : f32
        %max3A_155 = vector.broadcast %max3A : f32 to vector<16xf32>
        %max3A_156 = arith.maximumf %get3A_154, %max3A_155 : vector<16xf32>
        %swap3A_157 = arith.index_cast %scan3A_150 : i32 to index
        %swap3A_158 = arith.constant 0 : index
        %swap3A_159 = tpu.vector_load %arg7[%swap3A_157, %swap3A_158] {strides = array<i32>} : memref<26x128xf32, #tpu.memory_space<vmem>>, vector<1x16xf32>,
        %swap3A_160 = vector.shape_cast %swap3A_159 : vector<1x16xf32> to vector<16xf32>
        %swap3A_161 = vector.shape_cast %max3A_156 : vector<16xf32> to vector<1x16xf32>
        tpu.vector_store %arg7[%swap3A_157, %swap3A_158], %swap3A_161 {strides = array<i32>} : memref<26x128xf32, #tpu.memory_space<vmem>>, vector<1x16xf32>,
        %get3A_162 = arith.index_cast %scan3A_150 : i32 to index
        %get3A_163 = arith.constant 16 : index
        %get3A_164 = tpu.vector_load %arg7[%get3A_162, %get3A_163] {strides = array<i32>} : memref<26x128xf32, #tpu.memory_space<vmem>>, vector<1x16xf32>,
        %get3A_165 = vector.shape_cast %get3A_164 : vector<1x16xf32> to vector<16xf32>
        %max3A_166 = arith.constant 0.000000e+00 : f32
        %max3A_167 = vector.broadcast %max3A_166 : f32 to vector<16xf32>
        %max3A_168 = arith.maximumf %get3A_165, %max3A_167 : vector<16xf32>
        %swap3A_169 = arith.index_cast %scan3A_150 : i32 to index
        %swap3A_170 = arith.constant 16 : index
        %swap3A_171 = tpu.vector_load %arg7[%swap3A_169, %swap3A_170] {strides = array<i32>} : memref<26x128xf32, #tpu.memory_space<vmem>>, vector<1x16xf32>,
        %swap3A_172 = vector.shape_cast %swap3A_171 : vector<1x16xf32> to vector<16xf32>
        %swap3A_173 = vector.shape_cast %max3A_168 : vector<16xf32> to vector<1x16xf32>
        tpu.vector_store %arg7[%swap3A_169, %swap3A_170], %swap3A_173 {strides = array<i32>} : memref<26x128xf32, #tpu.memory_space<vmem>>, vector<1x16xf32>,
        %get3A_174 = arith.index_cast %scan3A_150 : i32 to index
        %get3A_175 = arith.constant 32 : index
        %get3A_176 = tpu.vector_load %arg7[%get3A_174, %get3A_175] {strides = array<i32>} : memref<26x128xf32, #tpu.memory_space<vmem>>, vector<1x16xf32>,
        %get3A_177 = vector.shape_cast %get3A_176 : vector<1x16xf32> to vector<16xf32>
        %max3A_178 = arith.constant 0.000000e+00 : f32
        %max3A_179 = vector.broadcast %max3A_178 : f32 to vector<16xf32>
        %max3A_180 = arith.maximumf %get3A_177, %max3A_179 : vector<16xf32>
        %swap3A_181 = arith.index_cast %scan3A_150 : i32 to index
        %swap3A_182 = arith.constant 32 : index
        %swap3A_183 = tpu.vector_load %arg7[%swap3A_181, %swap3A_182] {strides = array<i32>} : memref<26x128xf32, #tpu.memory_space<vmem>>, vector<1x16xf32>,
        %swap3A_184 = vector.shape_cast %swap3A_183 : vector<1x16xf32> to vector<16xf32>
        %swap3A_185 = vector.shape_cast %max3A_180 : vector<16xf32> to vector<1x16xf32>
        tpu.vector_store %arg7[%swap3A_181, %swap3A_182], %swap3A_185 {strides = array<i32>} : memref<26x128xf32, #tpu.memory_space<vmem>>, vector<1x16xf32>,
        %get3A_186 = arith.index_cast %scan3A_150 : i32 to index
        %get3A_187 = arith.constant 48 : index
        %get3A_188 = tpu.vector_load %arg7[%get3A_186, %get3A_187] {strides = array<i32>} : memref<26x128xf32, #tpu.memory_space<vmem>>, vector<1x16xf32>,
        %get3A_189 = vector.shape_cast %get3A_188 : vector<1x16xf32> to vector<16xf32>
        %max3A_190 = arith.constant 0.000000e+00 : f32
        %max3A_191 = vector.broadcast %max3A_190 : f32 to vector<16xf32>
        %max3A_192 = arith.maximumf %get3A_189, %max3A_191 : vector<16xf32>
        %swap3A_193 = arith.index_cast %scan3A_150 : i32 to index
        %swap3A_194 = arith.constant 48 : index
        %swap3A_195 = tpu.vector_load %arg7[%swap3A_193, %swap3A_194] {strides = array<i32>} : memref<26x128xf32, #tpu.memory_space<vmem>>, vector<1x16xf32>,
        %swap3A_196 = vector.shape_cast %swap3A_195 : vector<1x16xf32> to vector<16xf32>
        %swap3A_197 = vector.shape_cast %max3A_192 : vector<16xf32> to vector<1x16xf32>
        tpu.vector_store %arg7[%swap3A_193, %swap3A_194], %swap3A_197 {strides = array<i32>} : memref<26x128xf32, #tpu.memory_space<vmem>>, vector<1x16xf32>,
        %get3A_198 = arith.index_cast %scan3A_150 : i32 to index
        %get3A_199 = arith.constant 64 : index
        %get3A_200 = tpu.vector_load %arg7[%get3A_198, %get3A_199] {strides = array<i32>} : memref<26x128xf32, #tpu.memory_space<vmem>>, vector<1x16xf32>,
        %get3A_201 = vector.shape_cast %get3A_200 : vector<1x16xf32> to vector<16xf32>
        %max3A_202 = arith.constant 0.000000e+00 : f32
        %max3A_203 = vector.broadcast %max3A_202 : f32 to vector<16xf32>
        %max3A_204 = arith.maximumf %get3A_201, %max3A_203 : vector<16xf32>
        %swap3A_205 = arith.index_cast %scan3A_150 : i32 to index
        %swap3A_206 = arith.constant 64 : index
        %swap3A_207 = tpu.vector_load %arg7[%swap3A_205, %swap3A_206] {strides = array<i32>} : memref<26x128xf32, #tpu.memory_space<vmem>>, vector<1x16xf32>,
        %swap3A_208 = vector.shape_cast %swap3A_207 : vector<1x16xf32> to vector<16xf32>
        %swap3A_209 = vector.shape_cast %max3A_204 : vector<16xf32> to vector<1x16xf32>
        tpu.vector_store %arg7[%swap3A_205, %swap3A_206], %swap3A_209 {strides = array<i32>} : memref<26x128xf32, #tpu.memory_space<vmem>>, vector<1x16xf32>,
        %get3A_210 = arith.index_cast %scan3A_150 : i32 to index
        %get3A_211 = arith.constant 80 : index
        %get3A_212 = tpu.vector_load %arg7[%get3A_210, %get3A_211] {strides = array<i32>} : memref<26x128xf32, #tpu.memory_space<vmem>>, vector<1x16xf32>,
        %get3A_213 = vector.shape_cast %get3A_212 : vector<1x16xf32> to vector<16xf32>
        %max3A_214 = arith.constant 0.000000e+00 : f32
        %max3A_215 = vector.broadcast %max3A_214 : f32 to vector<16xf32>
        %max3A_216 = arith.maximumf %get3A_213, %max3A_215 : vector<16xf32>
        %swap3A_217 = arith.index_cast %scan3A_150 : i32 to index
        %swap3A_218 = arith.constant 80 : index
        %swap3A_219 = tpu.vector_load %arg7[%swap3A_217, %swap3A_218] {strides = array<i32>} : memref<26x128xf32, #tpu.memory_space<vmem>>, vector<1x16xf32>,
        %swap3A_220 = vector.shape_cast %swap3A_219 : vector<1x16xf32> to vector<16xf32>
        %swap3A_221 = vector.shape_cast %max3A_216 : vector<16xf32> to vector<1x16xf32>
        tpu.vector_store %arg7[%swap3A_217, %swap3A_218], %swap3A_221 {strides = array<i32>} : memref<26x128xf32, #tpu.memory_space<vmem>>, vector<1x16xf32>,
        %get3A_222 = arith.index_cast %scan3A_150 : i32 to index
        %get3A_223 = arith.constant 96 : index
        %get3A_224 = tpu.vector_load %arg7[%get3A_222, %get3A_223] {strides = array<i32>} : memref<26x128xf32, #tpu.memory_space<vmem>>, vector<1x16xf32>,
        %get3A_225 = vector.shape_cast %get3A_224 : vector<1x16xf32> to vector<16xf32>
        %max3A_226 = arith.constant 0.000000e+00 : f32
        %max3A_227 = vector.broadcast %max3A_226 : f32 to vector<16xf32>
        %max3A_228 = arith.maximumf %get3A_225, %max3A_227 : vector<16xf32>
        %swap3A_229 = arith.index_cast %scan3A_150 : i32 to index
        %swap3A_230 = arith.constant 96 : index
        %swap3A_231 = tpu.vector_load %arg7[%swap3A_229, %swap3A_230] {strides = array<i32>} : memref<26x128xf32, #tpu.memory_space<vmem>>, vector<1x16xf32>,
        %swap3A_232 = vector.shape_cast %swap3A_231 : vector<1x16xf32> to vector<16xf32>
        %swap3A_233 = vector.shape_cast %max3A_228 : vector<16xf32> to vector<1x16xf32>
        tpu.vector_store %arg7[%swap3A_229, %swap3A_230], %swap3A_233 {strides = array<i32>} : memref<26x128xf32, #tpu.memory_space<vmem>>, vector<1x16xf32>,
        %get3A_234 = arith.index_cast %scan3A_150 : i32 to index
        %get3A_235 = arith.constant 112 : index
        %get3A_236 = tpu.vector_load %arg7[%get3A_234, %get3A_235] {strides = array<i32>} : memref<26x128xf32, #tpu.memory_space<vmem>>, vector<1x16xf32>,
        %get3A_237 = vector.shape_cast %get3A_236 : vector<1x16xf32> to vector<16xf32>
        %max3A_238 = arith.constant 0.000000e+00 : f32
        %max3A_239 = vector.broadcast %max3A_238 : f32 to vector<16xf32>
        %max3A_240 = arith.maximumf %get3A_237, %max3A_239 : vector<16xf32>
        %swap3A_241 = arith.index_cast %scan3A_150 : i32 to index
        %swap3A_242 = arith.constant 112 : index
        %swap3A_243 = tpu.vector_load %arg7[%swap3A_241, %swap3A_242] {strides = array<i32>} : memref<26x128xf32, #tpu.memory_space<vmem>>, vector<1x16xf32>,
        %swap3A_244 = vector.shape_cast %swap3A_243 : vector<1x16xf32> to vector<16xf32>
        %swap3A_245 = vector.shape_cast %max3A_240 : vector<16xf32> to vector<1x16xf32>
        tpu.vector_store %arg7[%swap3A_241, %swap3A_242], %swap3A_245 {strides = array<i32>} : memref<26x128xf32, #tpu.memory_space<vmem>>, vector<1x16xf32>,
        %scan3A_246 = arith.constant 0 : i32
        scf.yield %scan3A_246 : i32
      }
      %scan3A_149 = arith.constant 26 : i32
      tpu.enqueue_dma source(%arg7 : memref<26x128xf32, #tpu.memory_space<vmem>>) target(%arg13 : memref<26x128xf32, #tpu.memory_space<vmem_shared>>) target_semaphore(%arg20 : memref<!tpu.dma_semaphore, #tpu.memory_space<semaphore_mem>>)
      tpu.wait_dma2 semaphore(%arg20 : memref<!tpu.dma_semaphore, #tpu.memory_space<semaphore_mem>>) src(%arg7 : memref<26x128xf32, #tpu.memory_space<vmem>>) dst(%arg13 : memref<26x128xf32, #tpu.memory_space<vmem_shared>>)
    } else {
    }
    %dma_start3A = arith.constant 0 : i32
    %dma_start3A_5 = tpu.memref_slice %arg3[%mul3A_2, %dma_start3A] : memref<2560x128xi32, #tpu.memory_space<hbm>> -> memref<80x128xi32, #tpu.memory_space<hbm>>
    %dma_start3A_6 = arith.constant 0 : i32
    %dma_start3A_7 = tpu.memref_slice %arg3[%mul3A_2, %dma_start3A_6] : memref<2560x128xi32, #tpu.memory_space<hbm>> -> memref<80x128xi32, #tpu.memory_space<hbm>>
    tpu.enqueue_dma source(%dma_start3A_7 : memref<80x128xi32, #tpu.memory_space<hbm>>) target(%arg8 : memref<80x128xi32, #tpu.memory_space<vmem>>) target_semaphore(%arg20 : memref<!tpu.dma_semaphore, #tpu.memory_space<semaphore_mem>>)
    %dma_wait3A = arith.constant 0 : i32
    %dma_wait3A_8 = tpu.memref_slice %arg3[%mul3A_2, %dma_wait3A] : memref<2560x128xi32, #tpu.memory_space<hbm>> -> memref<80x128xi32, #tpu.memory_space<hbm>>
    %dma_wait3A_9 = arith.constant 0 : i32
    %dma_wait3A_10 = tpu.memref_slice %arg3[%mul3A_2, %dma_wait3A_9] : memref<2560x128xi32, #tpu.memory_space<hbm>> -> memref<80x128xi32, #tpu.memory_space<hbm>>
    tpu.wait_dma2 semaphore(%arg20 : memref<!tpu.dma_semaphore, #tpu.memory_space<semaphore_mem>>) src(%dma_wait3A_10 : memref<80x128xi32, #tpu.memory_space<hbm>>) dst(%arg8 : memref<80x128xi32, #tpu.memory_space<vmem>>)
    %barrier3A = arith.constant 0 : index
    tpu.barrier barrier_id(%barrier3A)
    %iota3A = tpu.iota {dimensions = array<i32: 0>} : vector<16xi32>
    %xor3A = arith.constant 8 : i32
    %xor3A_11 = vector.broadcast %xor3A : i32 to vector<16xi32>
    %xor3A_12 = arith.xori %iota3A, %xor3A_11 : vector<16xi32>
    %reshape3A = vector.shape_cast %xor3A_12 : vector<16xi32> to vector<16x1xi32>
    %xor3A_13 = arith.constant 4 : i32
    %xor3A_14 = vector.broadcast %xor3A_13 : i32 to vector<16xi32>
    %xor3A_15 = arith.xori %iota3A, %xor3A_14 : vector<16xi32>
    %reshape3A_16 = vector.shape_cast %xor3A_15 : vector<16xi32> to vector<16x1xi32>
    %xor3A_17 = arith.constant 2 : i32
    %xor3A_18 = vector.broadcast %xor3A_17 : i32 to vector<16xi32>
    %xor3A_19 = arith.xori %iota3A, %xor3A_18 : vector<16xi32>
    %reshape3A_20 = vector.shape_cast %xor3A_19 : vector<16xi32> to vector<16x1xi32>
    %xor3A_21 = arith.constant 1 : i32
    %xor3A_22 = vector.broadcast %xor3A_21 : i32 to vector<16xi32>
    %xor3A_23 = arith.xori %iota3A, %xor3A_22 : vector<16xi32>
    %reshape3A_24 = vector.shape_cast %xor3A_23 : vector<16xi32> to vector<16x1xi32>
    %min3A = arith.constant 0 : i32
    %min3A_25 = arith.constant 79 : i32
    %min3A_26 = arith.minsi %min3A, %min3A_25 : i32
    %add3A_27 = arith.addi %mul3A_2, %min3A_26 : i32
    %mul3A_28 = arith.constant 128 : i32
    %mul3A_29 = arith.muli %add3A_27, %mul3A_28 : i32
    %dma_start3A_30 = arith.constant 0 : i32
    %dma_start3A_31 = arith.constant 0 : i32
    %dma_start3A_32 = arith.constant 0 : i32
    %dma_start3A_33 = tpu.memref_slice %arg9[%dma_start3A_30, %dma_start3A_31, %dma_start3A_32] : memref<2x128x128xf32, #tpu.memory_space<vmem>> -> memref<1x128x128xf32, #tpu.memory_space<vmem>>
    %dma_start3A_34 = tpu.memref_squeeze %dma_start3A_33 : memref<1x128x128xf32, #tpu.memory_space<vmem>> -> memref<128x128xf32, #tpu.memory_space<vmem>>
    %dma_start3A_35 = arith.constant 0 : i32
    %dma_start3A_36 = tpu.memref_slice %arg2[%mul3A_29, %dma_start3A_35] : memref<327680x128xf32, #tpu.memory_space<hbm>> -> memref<128x128xf32, #tpu.memory_space<hbm>>
    %dma_start3A_37 = arith.constant 0 : i32
    %dma_start3A_38 = arith.constant 0 : i32
    %dma_start3A_39 = tpu.memref_slice %arg9[%dma_start3A_30, %dma_start3A_37, %dma_start3A_38] : memref<2x128x128xf32, #tpu.memory_space<vmem>> -> memref<1x128x128xf32, #tpu.memory_space<vmem>>
    %dma_start3A_40 = tpu.memref_squeeze %dma_start3A_39 : memref<1x128x128xf32, #tpu.memory_space<vmem>> -> memref<128x128xf32, #tpu.memory_space<vmem>>
    %dma_start3A_41 = arith.constant 0 : i32
    %dma_start3A_42 = tpu.memref_slice %arg2[%mul3A_29, %dma_start3A_41] : memref<327680x128xf32, #tpu.memory_space<hbm>> -> memref<128x128xf32, #tpu.memory_space<hbm>>
    tpu.enqueue_dma source(%dma_start3A_42 : memref<128x128xf32, #tpu.memory_space<hbm>>) target(%dma_start3A_40 : memref<128x128xf32, #tpu.memory_space<vmem>>) target_semaphore(%arg14 : memref<!tpu.dma_semaphore, #tpu.memory_space<semaphore_mem>>)
    %dma_start3A_43 = arith.constant 0 : i32
    %dma_start3A_44 = arith.constant 0 : i32
    %dma_start3A_45 = arith.constant 0 : i32
    %dma_start3A_46 = tpu.memref_slice %arg10[%dma_start3A_43, %dma_start3A_44, %dma_start3A_45] : memref<2x128x128xf32, #tpu.memory_space<vmem>> -> memref<1x128x128xf32, #tpu.memory_space<vmem>>
    %dma_start3A_47 = tpu.memref_squeeze %dma_start3A_46 : memref<1x128x128xf32, #tpu.memory_space<vmem>> -> memref<128x128xf32, #tpu.memory_space<vmem>>
    %dma_start3A_48 = arith.constant 0 : i32
    %dma_start3A_49 = tpu.memref_slice %arg8[%min3A_26, %dma_start3A_48] : memref<80x128xi32, #tpu.memory_space<vmem>> -> memref<1x128xi32, #tpu.memory_space<vmem>>
    %dma_start3A_50 = tpu.memref_squeeze %dma_start3A_49 : memref<1x128xi32, #tpu.memory_space<vmem>> -> memref<128xi32, #tpu.memory_space<vmem>>
    %dma_start3A_51 = arith.constant 0 : i32
    %dma_start3A_52 = arith.constant 0 : i32
    %dma_start3A_53 = tpu.memref_slice %arg13[%dma_start3A_51, %dma_start3A_52] : memref<26x128xf32, #tpu.memory_space<vmem_shared>> -> memref<26x128xf32, #tpu.memory_space<vmem_shared>>
    tpu.enqueue_indirect_dma source(%dma_start3A_53 : memref<26x128xf32, #tpu.memory_space<vmem_shared>>) target(%dma_start3A_47 : memref<128x128xf32, #tpu.memory_space<vmem>>) offsets(%dma_start3A_50 : memref<128xi32, #tpu.memory_space<vmem>>) semaphore(%arg16 : memref<!tpu.dma_semaphore, #tpu.memory_space<semaphore_mem>>)
    %broadcast_in_dim3A = arith.constant 0.000000e+00 : f32
    %broadcast_in_dim3A_54 = vector.broadcast %broadcast_in_dim3A : f32 to vector<16xf32>
    %scan3A = arith.constant 0 : i32
    %scan3A_55 = arith.constant 40 : i32
    %scan3A_56 = arith.addi %scan3A, %scan3A_55 : i32
    %scan3A_57 = arith.constant 1 : i32
    %scan3A_58:6 = scf.for %scan3A_143 = %scan3A to %scan3A_56 step %scan3A_57 iter_args(%scan3A_144 = %broadcast_in_dim3A_54, %scan3A_145 = %broadcast_in_dim3A_54, %scan3A_146 = %broadcast_in_dim3A_54, %scan3A_147 = %broadcast_in_dim3A_54, %scan3A_148 = %broadcast_in_dim3A_54, %scan3A_149 = %broadcast_in_dim3A_54) -> (vector<16xf32>, vector<16xf32>, vector<16xf32>, vector<16xf32>, vector<16xf32>, vector<16xf32>)  : i32 {
      %mul3A_150 = arith.constant 2 : i32
      %mul3A_151 = arith.muli %mul3A_150, %scan3A_143 : i32
      %add3A_152 = arith.constant 1 : i32
      %add3A_153 = arith.addi %mul3A_151, %add3A_152 : i32
      %min3A_154 = arith.constant 79 : i32
      %min3A_155 = arith.minsi %add3A_153, %min3A_154 : i32
      %add3A_156 = arith.addi %mul3A_2, %min3A_155 : i32
      %mul3A_157 = arith.constant 128 : i32
      %mul3A_158 = arith.muli %add3A_156, %mul3A_157 : i32
      %dma_start3A_159 = arith.constant 1 : i32
      %dma_start3A_160 = arith.constant 0 : i32
      %dma_start3A_161 = arith.constant 0 : i32
      %dma_start3A_162 = tpu.memref_slice %arg9[%dma_start3A_159, %dma_start3A_160, %dma_start3A_161] : memref<2x128x128xf32, #tpu.memory_space<vmem>> -> memref<1x128x128xf32, #tpu.memory_space<vmem>>
      %dma_start3A_163 = tpu.memref_squeeze %dma_start3A_162 : memref<1x128x128xf32, #tpu.memory_space<vmem>> -> memref<128x128xf32, #tpu.memory_space<vmem>>
      %dma_start3A_164 = arith.constant 0 : i32
      %dma_start3A_165 = tpu.memref_slice %arg2[%mul3A_158, %dma_start3A_164] : memref<327680x128xf32, #tpu.memory_space<hbm>> -> memref<128x128xf32, #tpu.memory_space<hbm>>
      %dma_start3A_166 = arith.constant 0 : i32
      %dma_start3A_167 = arith.constant 0 : i32
      %dma_start3A_168 = tpu.memref_slice %arg9[%dma_start3A_159, %dma_start3A_166, %dma_start3A_167] : memref<2x128x128xf32, #tpu.memory_space<vmem>> -> memref<1x128x128xf32, #tpu.memory_space<vmem>>
      %dma_start3A_169 = tpu.memref_squeeze %dma_start3A_168 : memref<1x128x128xf32, #tpu.memory_space<vmem>> -> memref<128x128xf32, #tpu.memory_space<vmem>>
      %dma_start3A_170 = arith.constant 0 : i32
      %dma_start3A_171 = tpu.memref_slice %arg2[%mul3A_158, %dma_start3A_170] : memref<327680x128xf32, #tpu.memory_space<hbm>> -> memref<128x128xf32, #tpu.memory_space<hbm>>
      tpu.enqueue_dma source(%dma_start3A_171 : memref<128x128xf32, #tpu.memory_space<hbm>>) target(%dma_start3A_169 : memref<128x128xf32, #tpu.memory_space<vmem>>) target_semaphore(%arg15 : memref<!tpu.dma_semaphore, #tpu.memory_space<semaphore_mem>>)
      %dma_start3A_172 = arith.constant 1 : i32
      %dma_start3A_173 = arith.constant 0 : i32
      %dma_start3A_174 = arith.constant 0 : i32
      %dma_start3A_175 = tpu.memref_slice %arg10[%dma_start3A_172, %dma_start3A_173, %dma_start3A_174] : memref<2x128x128xf32, #tpu.memory_space<vmem>> -> memref<1x128x128xf32, #tpu.memory_space<vmem>>
      %dma_start3A_176 = tpu.memref_squeeze %dma_start3A_175 : memref<1x128x128xf32, #tpu.memory_space<vmem>> -> memref<128x128xf32, #tpu.memory_space<vmem>>
      %dma_start3A_177 = arith.constant 0 : i32
      %dma_start3A_178 = tpu.memref_slice %arg8[%min3A_155, %dma_start3A_177] : memref<80x128xi32, #tpu.memory_space<vmem>> -> memref<1x128xi32, #tpu.memory_space<vmem>>
      %dma_start3A_179 = tpu.memref_squeeze %dma_start3A_178 : memref<1x128xi32, #tpu.memory_space<vmem>> -> memref<128xi32, #tpu.memory_space<vmem>>
      %dma_start3A_180 = arith.constant 0 : i32
      %dma_start3A_181 = arith.constant 0 : i32
      %dma_start3A_182 = tpu.memref_slice %arg13[%dma_start3A_180, %dma_start3A_181] : memref<26x128xf32, #tpu.memory_space<vmem_shared>> -> memref<26x128xf32, #tpu.memory_space<vmem_shared>>
      tpu.enqueue_indirect_dma source(%dma_start3A_182 : memref<26x128xf32, #tpu.memory_space<vmem_shared>>) target(%dma_start3A_176 : memref<128x128xf32, #tpu.memory_space<vmem>>) offsets(%dma_start3A_179 : memref<128xi32, #tpu.memory_space<vmem>>) semaphore(%arg17 : memref<!tpu.dma_semaphore, #tpu.memory_space<semaphore_mem>>)
      %dma_wait3A_183 = arith.constant 0 : i32
      %dma_wait3A_184 = arith.constant 0 : i32
      %dma_wait3A_185 = arith.constant 0 : i32
      %dma_wait3A_186 = tpu.memref_slice %arg9[%dma_wait3A_183, %dma_wait3A_184, %dma_wait3A_185] : memref<2x128x128xf32, #tpu.memory_space<vmem>> -> memref<1x128x128xf32, #tpu.memory_space<vmem>>
      %dma_wait3A_187 = tpu.memref_squeeze %dma_wait3A_186 : memref<1x128x128xf32, #tpu.memory_space<vmem>> -> memref<128x128xf32, #tpu.memory_space<vmem>>
      %dma_wait3A_188 = arith.constant 0 : i32
      %dma_wait3A_189 = arith.constant 0 : i32
      %dma_wait3A_190 = tpu.memref_slice %arg2[%dma_wait3A_188, %dma_wait3A_189] : memref<327680x128xf32, #tpu.memory_space<hbm>> -> memref<128x128xf32, #tpu.memory_space<hbm>>
      %dma_wait3A_191 = arith.constant 0 : i32
      %dma_wait3A_192 = arith.constant 0 : i32
      %dma_wait3A_193 = tpu.memref_slice %arg9[%dma_wait3A_183, %dma_wait3A_191, %dma_wait3A_192] : memref<2x128x128xf32, #tpu.memory_space<vmem>> -> memref<1x128x128xf32, #tpu.memory_space<vmem>>
      %dma_wait3A_194 = tpu.memref_squeeze %dma_wait3A_193 : memref<1x128x128xf32, #tpu.memory_space<vmem>> -> memref<128x128xf32, #tpu.memory_space<vmem>>
      %dma_wait3A_195 = arith.constant 0 : i32
      %dma_wait3A_196 = arith.constant 0 : i32
      %dma_wait3A_197 = tpu.memref_slice %arg2[%dma_wait3A_195, %dma_wait3A_196] : memref<327680x128xf32, #tpu.memory_space<hbm>> -> memref<128x128xf32, #tpu.memory_space<hbm>>
      tpu.wait_dma2 semaphore(%arg14 : memref<!tpu.dma_semaphore, #tpu.memory_space<semaphore_mem>>) src(%dma_wait3A_197 : memref<128x128xf32, #tpu.memory_space<hbm>>) dst(%dma_wait3A_194 : memref<128x128xf32, #tpu.memory_space<vmem>>)
      %dma_wait3A_198 = arith.constant 0 : i32
      %dma_wait3A_199 = arith.constant 0 : i32
      %dma_wait3A_200 = arith.constant 0 : i32
      %dma_wait3A_201 = arith.constant 0 : i32
      %dma_wait3A_202 = tpu.memref_slice %arg10[%dma_wait3A_199, %dma_wait3A_200, %dma_wait3A_201] : memref<2x128x128xf32, #tpu.memory_space<vmem>> -> memref<1x128x128xf32, #tpu.memory_space<vmem>>
      %dma_wait3A_203 = tpu.memref_squeeze %dma_wait3A_202 : memref<1x128x128xf32, #tpu.memory_space<vmem>> -> memref<128x128xf32, #tpu.memory_space<vmem>>
      %dma_wait3A_204 = arith.constant 0 : i32
      %dma_wait3A_205 = tpu.memref_slice %arg8[%dma_wait3A_198, %dma_wait3A_204] : memref<80x128xi32, #tpu.memory_space<vmem>> -> memref<1x128xi32, #tpu.memory_space<vmem>>
      %dma_wait3A_206 = tpu.memref_squeeze %dma_wait3A_205 : memref<1x128xi32, #tpu.memory_space<vmem>> -> memref<128xi32, #tpu.memory_space<vmem>>
      %dma_wait3A_207 = arith.constant 0 : i32
      %dma_wait3A_208 = arith.constant 0 : i32
      %dma_wait3A_209 = tpu.memref_slice %arg13[%dma_wait3A_207, %dma_wait3A_208] : memref<26x128xf32, #tpu.memory_space<vmem_shared>> -> memref<26x128xf32, #tpu.memory_space<vmem_shared>>
      tpu.wait_indirect_dma semaphore(%arg16 : memref<!tpu.dma_semaphore, #tpu.memory_space<semaphore_mem>>) src(%dma_wait3A_209 : memref<26x128xf32, #tpu.memory_space<vmem_shared>>) dst(%dma_wait3A_203 : memref<128x128xf32, #tpu.memory_space<vmem>>)
      %gt3A = arith.constant 0 : i32
      %gt3A_210 = arith.cmpi sgt, %scan3A_143, %gt3A : i32
      %convert_element_type3A_211 = arith.extui %gt3A_210 : i1 to i32
      %cond3A_212 = arith.constant 0 : i32
      %cond3A_213 = arith.cmpi ne, %convert_element_type3A_211, %cond3A_212 : i32
      scf.if %cond3A_213 {
        %dma_wait3A_331 = arith.constant 0 : i32
        %dma_wait3A_332 = arith.constant 0 : i32
        %dma_wait3A_333 = arith.constant 0 : i32
        %dma_wait3A_334 = tpu.memref_slice %arg11[%dma_wait3A_331, %dma_wait3A_332, %dma_wait3A_333] : memref<2x128x128xf32, #tpu.memory_space<vmem>> -> memref<1x128x128xf32, #tpu.memory_space<vmem>>
        %dma_wait3A_335 = tpu.memref_squeeze %dma_wait3A_334 : memref<1x128x128xf32, #tpu.memory_space<vmem>> -> memref<128x128xf32, #tpu.memory_space<vmem>>
        %dma_wait3A_336 = arith.constant 0 : i32
        %dma_wait3A_337 = arith.constant 0 : i32
        %dma_wait3A_338 = tpu.memref_slice %arg5[%dma_wait3A_336, %dma_wait3A_337] : memref<327680x128xf32, #tpu.memory_space<hbm>> -> memref<128x128xf32, #tpu.memory_space<hbm>>
        %dma_wait3A_339 = arith.constant 0 : i32
        %dma_wait3A_340 = arith.constant 0 : i32
        %dma_wait3A_341 = tpu.memref_slice %arg5[%dma_wait3A_339, %dma_wait3A_340] : memref<327680x128xf32, #tpu.memory_space<hbm>> -> memref<128x128xf32, #tpu.memory_space<hbm>>
        %dma_wait3A_342 = arith.constant 0 : i32
        %dma_wait3A_343 = arith.constant 0 : i32
        %dma_wait3A_344 = tpu.memref_slice %arg11[%dma_wait3A_331, %dma_wait3A_342, %dma_wait3A_343] : memref<2x128x128xf32, #tpu.memory_space<vmem>> -> memref<1x128x128xf32, #tpu.memory_space<vmem>>
        %dma_wait3A_345 = tpu.memref_squeeze %dma_wait3A_344 : memref<1x128x128xf32, #tpu.memory_space<vmem>> -> memref<128x128xf32, #tpu.memory_space<vmem>>
        tpu.wait_dma2 semaphore(%arg18 : memref<!tpu.dma_semaphore, #tpu.memory_space<semaphore_mem>>) src(%dma_wait3A_345 : memref<128x128xf32, #tpu.memory_space<vmem>>) dst(%dma_wait3A_341 : memref<128x128xf32, #tpu.memory_space<hbm>>)
      } else {
      }
      %scan3A_214 = arith.constant 0 : i32
      %scan3A_215 = arith.constant 0 : i32
      %scan3A_216 = arith.constant 0 : i32
      %scan3A_217 = arith.constant 0 : i32
      %scan3A_218 = arith.constant 64 : i32
      %scan3A_219 = arith.addi %scan3A_217, %scan3A_218 : i32
      %scan3A_220 = arith.constant 1 : i32
      %scan3A_221:6 = scf.for %scan3A_331 = %scan3A_217 to %scan3A_219 step %scan3A_220 iter_args(%scan3A_332 = %scan3A_144, %scan3A_333 = %scan3A_145, %scan3A_334 = %scan3A_146, %scan3A_335 = %scan3A_147, %scan3A_336 = %scan3A_148, %scan3A_337 = %scan3A_149) -> (vector<16xf32>, vector<16xf32>, vector<16xf32>, vector<16xf32>, vector<16xf32>, vector<16xf32>)  : i32 {
        %mul3A_338 = arith.constant 2 : i32
        %mul3A_339 = arith.muli %mul3A_338, %scan3A_331 : i32
        %get3A = arith.constant 0 : i32
        %get3A_340 = arith.constant 0 : i32
        %get3A_341 = tpu.memref_slice %arg9[%scan3A_214, %get3A, %get3A_340] : memref<2x128x128xf32, #tpu.memory_space<vmem>> -> memref<1x128x128xf32, #tpu.memory_space<vmem>>
        %get3A_342 = tpu.memref_squeeze %get3A_341 : memref<1x128x128xf32, #tpu.memory_space<vmem>> -> memref<128x128xf32, #tpu.memory_space<vmem>>
        %get3A_343 = arith.index_cast %mul3A_339 : i32 to index
        %get3A_344 = arith.constant 0 : index
        %get3A_345 = tpu.vector_load %get3A_342[%get3A_343, %get3A_344] {strides = array<i32>} : memref<128x128xf32, #tpu.memory_space<vmem>>, vector<1x16xf32>,
        %get3A_346 = vector.shape_cast %get3A_345 : vector<1x16xf32> to vector<16xf32>
        %get3A_347 = arith.constant 0 : i32
        %get3A_348 = arith.constant 0 : i32
        %get3A_349 = tpu.memref_slice %arg10[%scan3A_215, %get3A_347, %get3A_348] : memref<2x128x128xf32, #tpu.memory_space<vmem>> -> memref<1x128x128xf32, #tpu.memory_space<vmem>>
        %get3A_350 = tpu.memref_squeeze %get3A_349 : memref<1x128x128xf32, #tpu.memory_space<vmem>> -> memref<128x128xf32, #tpu.memory_space<vmem>>
        %get3A_351 = arith.index_cast %mul3A_339 : i32 to index
        %get3A_352 = arith.constant 0 : index
        %get3A_353 = tpu.vector_load %get3A_350[%get3A_351, %get3A_352] {strides = array<i32>} : memref<128x128xf32, #tpu.memory_space<vmem>>, vector<1x16xf32>,
        %get3A_354 = vector.shape_cast %get3A_353 : vector<1x16xf32> to vector<16xf32>
        %mul3A_355 = arith.mulf %get3A_346, %get3A_354 : vector<16xf32>
        %mul3A_356 = arith.mulf %mul3A_355, %mul3A_355 : vector<16xf32>
        %mul3A_357 = arith.mulf %get3A_346, %get3A_346 : vector<16xf32>
        %add3A_358 = arith.addf %scan3A_332, %mul3A_357 : vector<16xf32>
        %add3A_359 = arith.addf %scan3A_334, %get3A_354 : vector<16xf32>
        %get3A_360 = arith.constant 0 : i32
        %get3A_361 = arith.constant 0 : i32
        %get3A_362 = tpu.memref_slice %arg9[%scan3A_214, %get3A_360, %get3A_361] : memref<2x128x128xf32, #tpu.memory_space<vmem>> -> memref<1x128x128xf32, #tpu.memory_space<vmem>>
        %get3A_363 = tpu.memref_squeeze %get3A_362 : memref<1x128x128xf32, #tpu.memory_space<vmem>> -> memref<128x128xf32, #tpu.memory_space<vmem>>
        %get3A_364 = arith.index_cast %mul3A_339 : i32 to index
        %get3A_365 = arith.constant 16 : index
        %get3A_366 = tpu.vector_load %get3A_363[%get3A_364, %get3A_365] {strides = array<i32>} : memref<128x128xf32, #tpu.memory_space<vmem>>, vector<1x16xf32>,
        %get3A_367 = vector.shape_cast %get3A_366 : vector<1x16xf32> to vector<16xf32>
        %get3A_368 = arith.constant 0 : i32
        %get3A_369 = arith.constant 0 : i32
        %get3A_370 = tpu.memref_slice %arg10[%scan3A_215, %get3A_368, %get3A_369] : memref<2x128x128xf32, #tpu.memory_space<vmem>> -> memref<1x128x128xf32, #tpu.memory_space<vmem>>
        %get3A_371 = tpu.memref_squeeze %get3A_370 : memref<1x128x128xf32, #tpu.memory_space<vmem>> -> memref<128x128xf32, #tpu.memory_space<vmem>>
        %get3A_372 = arith.index_cast %mul3A_339 : i32 to index
        %get3A_373 = arith.constant 16 : index
        %get3A_374 = tpu.vector_load %get3A_371[%get3A_372, %get3A_373] {strides = array<i32>} : memref<128x128xf32, #tpu.memory_space<vmem>>, vector<1x16xf32>,
        %get3A_375 = vector.shape_cast %get3A_374 : vector<1x16xf32> to vector<16xf32>
        %mul3A_376 = arith.mulf %get3A_367, %get3A_375 : vector<16xf32>
        %mul3A_377 = arith.mulf %mul3A_376, %mul3A_376 : vector<16xf32>
        %add3A_378 = arith.addf %mul3A_356, %mul3A_377 : vector<16xf32>
        %mul3A_379 = arith.mulf %get3A_367, %get3A_367 : vector<16xf32>
        %add3A_380 = arith.addf %add3A_358, %mul3A_379 : vector<16xf32>
        %add3A_381 = arith.addf %add3A_359, %get3A_375 : vector<16xf32>
        %get3A_382 = arith.constant 0 : i32
        %get3A_383 = arith.constant 0 : i32
        %get3A_384 = tpu.memref_slice %arg9[%scan3A_214, %get3A_382, %get3A_383] : memref<2x128x128xf32, #tpu.memory_space<vmem>> -> memref<1x128x128xf32, #tpu.memory_space<vmem>>
        %get3A_385 = tpu.memref_squeeze %get3A_384 : memref<1x128x128xf32, #tpu.memory_space<vmem>> -> memref<128x128xf32, #tpu.memory_space<vmem>>
        %get3A_386 = arith.index_cast %mul3A_339 : i32 to index
        %get3A_387 = arith.constant 32 : index
        %get3A_388 = tpu.vector_load %get3A_385[%get3A_386, %get3A_387] {strides = array<i32>} : memref<128x128xf32, #tpu.memory_space<vmem>>, vector<1x16xf32>,
        %get3A_389 = vector.shape_cast %get3A_388 : vector<1x16xf32> to vector<16xf32>
        %get3A_390 = arith.constant 0 : i32
        %get3A_391 = arith.constant 0 : i32
        %get3A_392 = tpu.memref_slice %arg10[%scan3A_215, %get3A_390, %get3A_391] : memref<2x128x128xf32, #tpu.memory_space<vmem>> -> memref<1x128x128xf32, #tpu.memory_space<vmem>>
        %get3A_393 = tpu.memref_squeeze %get3A_392 : memref<1x128x128xf32, #tpu.memory_space<vmem>> -> memref<128x128xf32, #tpu.memory_space<vmem>>
        %get3A_394 = arith.index_cast %mul3A_339 : i32 to index
        %get3A_395 = arith.constant 32 : index
        %get3A_396 = tpu.vector_load %get3A_393[%get3A_394, %get3A_395] {strides = array<i32>} : memref<128x128xf32, #tpu.memory_space<vmem>>, vector<1x16xf32>,
        %get3A_397 = vector.shape_cast %get3A_396 : vector<1x16xf32> to vector<16xf32>
        %mul3A_398 = arith.mulf %get3A_389, %get3A_397 : vector<16xf32>
        %mul3A_399 = arith.mulf %mul3A_398, %mul3A_398 : vector<16xf32>
        %add3A_400 = arith.addf %add3A_378, %mul3A_399 : vector<16xf32>
        %mul3A_401 = arith.mulf %get3A_389, %get3A_389 : vector<16xf32>
        %add3A_402 = arith.addf %add3A_380, %mul3A_401 : vector<16xf32>
        %add3A_403 = arith.addf %add3A_381, %get3A_397 : vector<16xf32>
        %get3A_404 = arith.constant 0 : i32
        %get3A_405 = arith.constant 0 : i32
        %get3A_406 = tpu.memref_slice %arg9[%scan3A_214, %get3A_404, %get3A_405] : memref<2x128x128xf32, #tpu.memory_space<vmem>> -> memref<1x128x128xf32, #tpu.memory_space<vmem>>
        %get3A_407 = tpu.memref_squeeze %get3A_406 : memref<1x128x128xf32, #tpu.memory_space<vmem>> -> memref<128x128xf32, #tpu.memory_space<vmem>>
        %get3A_408 = arith.index_cast %mul3A_339 : i32 to index
        %get3A_409 = arith.constant 48 : index
        %get3A_410 = tpu.vector_load %get3A_407[%get3A_408, %get3A_409] {strides = array<i32>} : memref<128x128xf32, #tpu.memory_space<vmem>>, vector<1x16xf32>,
        %get3A_411 = vector.shape_cast %get3A_410 : vector<1x16xf32> to vector<16xf32>
        %get3A_412 = arith.constant 0 : i32
        %get3A_413 = arith.constant 0 : i32
        %get3A_414 = tpu.memref_slice %arg10[%scan3A_215, %get3A_412, %get3A_413] : memref<2x128x128xf32, #tpu.memory_space<vmem>> -> memref<1x128x128xf32, #tpu.memory_space<vmem>>
        %get3A_415 = tpu.memref_squeeze %get3A_414 : memref<1x128x128xf32, #tpu.memory_space<vmem>> -> memref<128x128xf32, #tpu.memory_space<vmem>>
        %get3A_416 = arith.index_cast %mul3A_339 : i32 to index
        %get3A_417 = arith.constant 48 : index
        %get3A_418 = tpu.vector_load %get3A_415[%get3A_416, %get3A_417] {strides = array<i32>} : memref<128x128xf32, #tpu.memory_space<vmem>>, vector<1x16xf32>,
        %get3A_419 = vector.shape_cast %get3A_418 : vector<1x16xf32> to vector<16xf32>
        %mul3A_420 = arith.mulf %get3A_411, %get3A_419 : vector<16xf32>
        %mul3A_421 = arith.mulf %mul3A_420, %mul3A_420 : vector<16xf32>
        %add3A_422 = arith.addf %add3A_400, %mul3A_421 : vector<16xf32>
        %mul3A_423 = arith.mulf %get3A_411, %get3A_411 : vector<16xf32>
        %add3A_424 = arith.addf %add3A_402, %mul3A_423 : vector<16xf32>
        %add3A_425 = arith.addf %add3A_403, %get3A_419 : vector<16xf32>
        %get3A_426 = arith.constant 0 : i32
        %get3A_427 = arith.constant 0 : i32
        %get3A_428 = tpu.memref_slice %arg9[%scan3A_214, %get3A_426, %get3A_427] : memref<2x128x128xf32, #tpu.memory_space<vmem>> -> memref<1x128x128xf32, #tpu.memory_space<vmem>>
        %get3A_429 = tpu.memref_squeeze %get3A_428 : memref<1x128x128xf32, #tpu.memory_space<vmem>> -> memref<128x128xf32, #tpu.memory_space<vmem>>
        %get3A_430 = arith.index_cast %mul3A_339 : i32 to index
        %get3A_431 = arith.constant 64 : index
        %get3A_432 = tpu.vector_load %get3A_429[%get3A_430, %get3A_431] {strides = array<i32>} : memref<128x128xf32, #tpu.memory_space<vmem>>, vector<1x16xf32>,
        %get3A_433 = vector.shape_cast %get3A_432 : vector<1x16xf32> to vector<16xf32>
        %get3A_434 = arith.constant 0 : i32
        %get3A_435 = arith.constant 0 : i32
        %get3A_436 = tpu.memref_slice %arg10[%scan3A_215, %get3A_434, %get3A_435] : memref<2x128x128xf32, #tpu.memory_space<vmem>> -> memref<1x128x128xf32, #tpu.memory_space<vmem>>
        %get3A_437 = tpu.memref_squeeze %get3A_436 : memref<1x128x128xf32, #tpu.memory_space<vmem>> -> memref<128x128xf32, #tpu.memory_space<vmem>>
        %get3A_438 = arith.index_cast %mul3A_339 : i32 to index
        %get3A_439 = arith.constant 64 : index
        %get3A_440 = tpu.vector_load %get3A_437[%get3A_438, %get3A_439] {strides = array<i32>} : memref<128x128xf32, #tpu.memory_space<vmem>>, vector<1x16xf32>,
        %get3A_441 = vector.shape_cast %get3A_440 : vector<1x16xf32> to vector<16xf32>
        %mul3A_442 = arith.mulf %get3A_433, %get3A_441 : vector<16xf32>
        %mul3A_443 = arith.mulf %mul3A_442, %mul3A_442 : vector<16xf32>
        %add3A_444 = arith.addf %add3A_422, %mul3A_443 : vector<16xf32>
        %mul3A_445 = arith.mulf %get3A_433, %get3A_433 : vector<16xf32>
        %add3A_446 = arith.addf %add3A_424, %mul3A_445 : vector<16xf32>
        %add3A_447 = arith.addf %add3A_425, %get3A_441 : vector<16xf32>
        %get3A_448 = arith.constant 0 : i32
        %get3A_449 = arith.constant 0 : i32
        %get3A_450 = tpu.memref_slice %arg9[%scan3A_214, %get3A_448, %get3A_449] : memref<2x128x128xf32, #tpu.memory_space<vmem>> -> memref<1x128x128xf32, #tpu.memory_space<vmem>>
        %get3A_451 = tpu.memref_squeeze %get3A_450 : memref<1x128x128xf32, #tpu.memory_space<vmem>> -> memref<128x128xf32, #tpu.memory_space<vmem>>
        %get3A_452 = arith.index_cast %mul3A_339 : i32 to index
        %get3A_453 = arith.constant 80 : index
        %get3A_454 = tpu.vector_load %get3A_451[%get3A_452, %get3A_453] {strides = array<i32>} : memref<128x128xf32, #tpu.memory_space<vmem>>, vector<1x16xf32>,
        %get3A_455 = vector.shape_cast %get3A_454 : vector<1x16xf32> to vector<16xf32>
        %get3A_456 = arith.constant 0 : i32
        %get3A_457 = arith.constant 0 : i32
        %get3A_458 = tpu.memref_slice %arg10[%scan3A_215, %get3A_456, %get3A_457] : memref<2x128x128xf32, #tpu.memory_space<vmem>> -> memref<1x128x128xf32, #tpu.memory_space<vmem>>
        %get3A_459 = tpu.memref_squeeze %get3A_458 : memref<1x128x128xf32, #tpu.memory_space<vmem>> -> memref<128x128xf32, #tpu.memory_space<vmem>>
        %get3A_460 = arith.index_cast %mul3A_339 : i32 to index
        %get3A_461 = arith.constant 80 : index
        %get3A_462 = tpu.vector_load %get3A_459[%get3A_460, %get3A_461] {strides = array<i32>} : memref<128x128xf32, #tpu.memory_space<vmem>>, vector<1x16xf32>,
        %get3A_463 = vector.shape_cast %get3A_462 : vector<1x16xf32> to vector<16xf32>
        %mul3A_464 = arith.mulf %get3A_455, %get3A_463 : vector<16xf32>
        %mul3A_465 = arith.mulf %mul3A_464, %mul3A_464 : vector<16xf32>
        %add3A_466 = arith.addf %add3A_444, %mul3A_465 : vector<16xf32>
        %mul3A_467 = arith.mulf %get3A_455, %get3A_455 : vector<16xf32>
        %add3A_468 = arith.addf %add3A_446, %mul3A_467 : vector<16xf32>
        %add3A_469 = arith.addf %add3A_447, %get3A_463 : vector<16xf32>
        %get3A_470 = arith.constant 0 : i32
        %get3A_471 = arith.constant 0 : i32
        %get3A_472 = tpu.memref_slice %arg9[%scan3A_214, %get3A_470, %get3A_471] : memref<2x128x128xf32, #tpu.memory_space<vmem>> -> memref<1x128x128xf32, #tpu.memory_space<vmem>>
        %get3A_473 = tpu.memref_squeeze %get3A_472 : memref<1x128x128xf32, #tpu.memory_space<vmem>> -> memref<128x128xf32, #tpu.memory_space<vmem>>
        %get3A_474 = arith.index_cast %mul3A_339 : i32 to index
        %get3A_475 = arith.constant 96 : index
        %get3A_476 = tpu.vector_load %get3A_473[%get3A_474, %get3A_475] {strides = array<i32>} : memref<128x128xf32, #tpu.memory_space<vmem>>, vector<1x16xf32>,
        %get3A_477 = vector.shape_cast %get3A_476 : vector<1x16xf32> to vector<16xf32>
        %get3A_478 = arith.constant 0 : i32
        %get3A_479 = arith.constant 0 : i32
        %get3A_480 = tpu.memref_slice %arg10[%scan3A_215, %get3A_478, %get3A_479] : memref<2x128x128xf32, #tpu.memory_space<vmem>> -> memref<1x128x128xf32, #tpu.memory_space<vmem>>
        %get3A_481 = tpu.memref_squeeze %get3A_480 : memref<1x128x128xf32, #tpu.memory_space<vmem>> -> memref<128x128xf32, #tpu.memory_space<vmem>>
        %get3A_482 = arith.index_cast %mul3A_339 : i32 to index
        %get3A_483 = arith.constant 96 : index
        %get3A_484 = tpu.vector_load %get3A_481[%get3A_482, %get3A_483] {strides = array<i32>} : memref<128x128xf32, #tpu.memory_space<vmem>>, vector<1x16xf32>,
        %get3A_485 = vector.shape_cast %get3A_484 : vector<1x16xf32> to vector<16xf32>
        %mul3A_486 = arith.mulf %get3A_477, %get3A_485 : vector<16xf32>
        %mul3A_487 = arith.mulf %mul3A_486, %mul3A_486 : vector<16xf32>
        %add3A_488 = arith.addf %add3A_466, %mul3A_487 : vector<16xf32>
        %mul3A_489 = arith.mulf %get3A_477, %get3A_477 : vector<16xf32>
        %add3A_490 = arith.addf %add3A_468, %mul3A_489 : vector<16xf32>
        %add3A_491 = arith.addf %add3A_469, %get3A_485 : vector<16xf32>
        %get3A_492 = arith.constant 0 : i32
        %get3A_493 = arith.constant 0 : i32
        %get3A_494 = tpu.memref_slice %arg9[%scan3A_214, %get3A_492, %get3A_493] : memref<2x128x128xf32, #tpu.memory_space<vmem>> -> memref<1x128x128xf32, #tpu.memory_space<vmem>>
        %get3A_495 = tpu.memref_squeeze %get3A_494 : memref<1x128x128xf32, #tpu.memory_space<vmem>> -> memref<128x128xf32, #tpu.memory_space<vmem>>
        %get3A_496 = arith.index_cast %mul3A_339 : i32 to index
        %get3A_497 = arith.constant 112 : index
        %get3A_498 = tpu.vector_load %get3A_495[%get3A_496, %get3A_497] {strides = array<i32>} : memref<128x128xf32, #tpu.memory_space<vmem>>, vector<1x16xf32>,
        %get3A_499 = vector.shape_cast %get3A_498 : vector<1x16xf32> to vector<16xf32>
        %get3A_500 = arith.constant 0 : i32
        %get3A_501 = arith.constant 0 : i32
        %get3A_502 = tpu.memref_slice %arg10[%scan3A_215, %get3A_500, %get3A_501] : memref<2x128x128xf32, #tpu.memory_space<vmem>> -> memref<1x128x128xf32, #tpu.memory_space<vmem>>
        %get3A_503 = tpu.memref_squeeze %get3A_502 : memref<1x128x128xf32, #tpu.memory_space<vmem>> -> memref<128x128xf32, #tpu.memory_space<vmem>>
        %get3A_504 = arith.index_cast %mul3A_339 : i32 to index
        %get3A_505 = arith.constant 112 : index
        %get3A_506 = tpu.vector_load %get3A_503[%get3A_504, %get3A_505] {strides = array<i32>} : memref<128x128xf32, #tpu.memory_space<vmem>>, vector<1x16xf32>,
        %get3A_507 = vector.shape_cast %get3A_506 : vector<1x16xf32> to vector<16xf32>
        %mul3A_508 = arith.mulf %get3A_499, %get3A_507 : vector<16xf32>
        %mul3A_509 = arith.mulf %mul3A_508, %mul3A_508 : vector<16xf32>
        %add3A_510 = arith.addf %add3A_488, %mul3A_509 : vector<16xf32>
        %mul3A_511 = arith.mulf %get3A_499, %get3A_499 : vector<16xf32>
        %add3A_512 = arith.addf %add3A_490, %mul3A_511 : vector<16xf32>
        %add3A_513 = arith.addf %add3A_491, %get3A_507 : vector<16xf32>
        %gather3A = vector.shape_cast %reshape3A : vector<16x1xi32> to vector<16xi32>
        %gather3A_514 = tpu.dynamic_gather %add3A_510[%gather3A] in [0] : vector<16xf32>, vector<16xi32> -> vector<16xf32>
        %add3A_515 = arith.addf %add3A_510, %gather3A_514 : vector<16xf32>
        %gather3A_516 = vector.shape_cast %reshape3A_16 : vector<16x1xi32> to vector<16xi32>
        %gather3A_517 = tpu.dynamic_gather %add3A_515[%gather3A_516] in [0] : vector<16xf32>, vector<16xi32> -> vector<16xf32>
        %add3A_518 = arith.addf %add3A_515, %gather3A_517 : vector<16xf32>
        %gather3A_519 = vector.shape_cast %reshape3A_20 : vector<16x1xi32> to vector<16xi32>
        %gather3A_520 = tpu.dynamic_gather %add3A_518[%gather3A_519] in [0] : vector<16xf32>, vector<16xi32> -> vector<16xf32>
        %add3A_521 = arith.addf %add3A_518, %gather3A_520 : vector<16xf32>
        %gather3A_522 = vector.shape_cast %reshape3A_24 : vector<16x1xi32> to vector<16xi32>
        %gather3A_523 = tpu.dynamic_gather %add3A_521[%gather3A_522] in [0] : vector<16xf32>, vector<16xi32> -> vector<16xf32>
        %add3A_524 = arith.addf %add3A_521, %gather3A_523 : vector<16xf32>
        %mul3A_525 = arith.constant 5.000000e-01 : f32
        %mul3A_526 = vector.broadcast %mul3A_525 : f32 to vector<16xf32>
        %mul3A_527 = arith.mulf %add3A_524, %mul3A_526 : vector<16xf32>
        %bitcast_convert_type3A = tpu.bitcast %add3A_524 : vector<16xf32> -> vector<16xi32>
        %shift_right_arithmetic3A = arith.constant 1 : i32
        %shift_right_arithmetic3A_528 = vector.broadcast %shift_right_arithmetic3A : i32 to vector<16xi32>
        %shift_right_arithmetic3A_529 = arith.shrsi %bitcast_convert_type3A, %shift_right_arithmetic3A_528 : vector<16xi32>
        %sub3A = arith.constant 1597463007 : i32
        %sub3A_530 = vector.broadcast %sub3A : i32 to vector<16xi32>
        %sub3A_531 = arith.subi %sub3A_530, %shift_right_arithmetic3A_529 : vector<16xi32>
        %bitcast_convert_type3A_532 = tpu.bitcast %sub3A_531 : vector<16xi32> -> vector<16xf32>
        %mul3A_533 = arith.mulf %mul3A_527, %bitcast_convert_type3A_532 : vector<16xf32>
        %mul3A_534 = arith.mulf %mul3A_533, %bitcast_convert_type3A_532 : vector<16xf32>
        %sub3A_535 = arith.constant 1.500000e+00 : f32
        %sub3A_536 = vector.broadcast %sub3A_535 : f32 to vector<16xf32>
        %sub3A_537 = arith.subf %sub3A_536, %mul3A_534 : vector<16xf32>
        %mul3A_538 = arith.mulf %bitcast_convert_type3A_532, %sub3A_537 : vector<16xf32>
        %mul3A_539 = arith.mulf %mul3A_527, %mul3A_538 : vector<16xf32>
        %mul3A_540 = arith.mulf %mul3A_539, %mul3A_538 : vector<16xf32>
        %sub3A_541 = arith.constant 1.500000e+00 : f32
        %sub3A_542 = vector.broadcast %sub3A_541 : f32 to vector<16xf32>
        %sub3A_543 = arith.subf %sub3A_542, %mul3A_540 : vector<16xf32>
        %mul3A_544 = arith.mulf %mul3A_538, %sub3A_543 : vector<16xf32>
        %mul3A_545 = arith.mulf %mul3A_355, %mul3A_544 : vector<16xf32>
        %swap3A_546 = arith.constant 0 : i32
        %swap3A_547 = arith.constant 0 : i32
        %swap3A_548 = tpu.memref_slice %arg11[%scan3A_216, %swap3A_546, %swap3A_547] : memref<2x128x128xf32, #tpu.memory_space<vmem>> -> memref<1x128x128xf32, #tpu.memory_space<vmem>>
        %swap3A_549 = tpu.memref_squeeze %swap3A_548 : memref<1x128x128xf32, #tpu.memory_space<vmem>> -> memref<128x128xf32, #tpu.memory_space<vmem>>
        %swap3A_550 = arith.index_cast %mul3A_339 : i32 to index
        %swap3A_551 = arith.constant 0 : index
        %swap3A_552 = tpu.vector_load %swap3A_549[%swap3A_550, %swap3A_551] {strides = array<i32>} : memref<128x128xf32, #tpu.memory_space<vmem>>, vector<1x16xf32>,
        %swap3A_553 = vector.shape_cast %swap3A_552 : vector<1x16xf32> to vector<16xf32>
        %swap3A_554 = vector.shape_cast %mul3A_545 : vector<16xf32> to vector<1x16xf32>
        tpu.vector_store %swap3A_549[%swap3A_550, %swap3A_551], %swap3A_554 {strides = array<i32>} : memref<128x128xf32, #tpu.memory_space<vmem>>, vector<1x16xf32>,
        %mul3A_555 = arith.mulf %mul3A_376, %mul3A_544 : vector<16xf32>
        %swap3A_556 = arith.constant 0 : i32
        %swap3A_557 = arith.constant 0 : i32
        %swap3A_558 = tpu.memref_slice %arg11[%scan3A_216, %swap3A_556, %swap3A_557] : memref<2x128x128xf32, #tpu.memory_space<vmem>> -> memref<1x128x128xf32, #tpu.memory_space<vmem>>
        %swap3A_559 = tpu.memref_squeeze %swap3A_558 : memref<1x128x128xf32, #tpu.memory_space<vmem>> -> memref<128x128xf32, #tpu.memory_space<vmem>>
        %swap3A_560 = arith.index_cast %mul3A_339 : i32 to index
        %swap3A_561 = arith.constant 16 : index
        %swap3A_562 = tpu.vector_load %swap3A_559[%swap3A_560, %swap3A_561] {strides = array<i32>} : memref<128x128xf32, #tpu.memory_space<vmem>>, vector<1x16xf32>,
        %swap3A_563 = vector.shape_cast %swap3A_562 : vector<1x16xf32> to vector<16xf32>
        %swap3A_564 = vector.shape_cast %mul3A_555 : vector<16xf32> to vector<1x16xf32>
        tpu.vector_store %swap3A_559[%swap3A_560, %swap3A_561], %swap3A_564 {strides = array<i32>} : memref<128x128xf32, #tpu.memory_space<vmem>>, vector<1x16xf32>,
        %mul3A_565 = arith.mulf %mul3A_398, %mul3A_544 : vector<16xf32>
        %swap3A_566 = arith.constant 0 : i32
        %swap3A_567 = arith.constant 0 : i32
        %swap3A_568 = tpu.memref_slice %arg11[%scan3A_216, %swap3A_566, %swap3A_567] : memref<2x128x128xf32, #tpu.memory_space<vmem>> -> memref<1x128x128xf32, #tpu.memory_space<vmem>>
        %swap3A_569 = tpu.memref_squeeze %swap3A_568 : memref<1x128x128xf32, #tpu.memory_space<vmem>> -> memref<128x128xf32, #tpu.memory_space<vmem>>
        %swap3A_570 = arith.index_cast %mul3A_339 : i32 to index
        %swap3A_571 = arith.constant 32 : index
        %swap3A_572 = tpu.vector_load %swap3A_569[%swap3A_570, %swap3A_571] {strides = array<i32>} : memref<128x128xf32, #tpu.memory_space<vmem>>, vector<1x16xf32>,
        %swap3A_573 = vector.shape_cast %swap3A_572 : vector<1x16xf32> to vector<16xf32>
        %swap3A_574 = vector.shape_cast %mul3A_565 : vector<16xf32> to vector<1x16xf32>
        tpu.vector_store %swap3A_569[%swap3A_570, %swap3A_571], %swap3A_574 {strides = array<i32>} : memref<128x128xf32, #tpu.memory_space<vmem>>, vector<1x16xf32>,
        %mul3A_575 = arith.mulf %mul3A_420, %mul3A_544 : vector<16xf32>
        %swap3A_576 = arith.constant 0 : i32
        %swap3A_577 = arith.constant 0 : i32
        %swap3A_578 = tpu.memref_slice %arg11[%scan3A_216, %swap3A_576, %swap3A_577] : memref<2x128x128xf32, #tpu.memory_space<vmem>> -> memref<1x128x128xf32, #tpu.memory_space<vmem>>
        %swap3A_579 = tpu.memref_squeeze %swap3A_578 : memref<1x128x128xf32, #tpu.memory_space<vmem>> -> memref<128x128xf32, #tpu.memory_space<vmem>>
        %swap3A_580 = arith.index_cast %mul3A_339 : i32 to index
        %swap3A_581 = arith.constant 48 : index
        %swap3A_582 = tpu.vector_load %swap3A_579[%swap3A_580, %swap3A_581] {strides = array<i32>} : memref<128x128xf32, #tpu.memory_space<vmem>>, vector<1x16xf32>,
        %swap3A_583 = vector.shape_cast %swap3A_582 : vector<1x16xf32> to vector<16xf32>
        %swap3A_584 = vector.shape_cast %mul3A_575 : vector<16xf32> to vector<1x16xf32>
        tpu.vector_store %swap3A_579[%swap3A_580, %swap3A_581], %swap3A_584 {strides = array<i32>} : memref<128x128xf32, #tpu.memory_space<vmem>>, vector<1x16xf32>,
        %mul3A_585 = arith.mulf %mul3A_442, %mul3A_544 : vector<16xf32>
        %swap3A_586 = arith.constant 0 : i32
        %swap3A_587 = arith.constant 0 : i32
        %swap3A_588 = tpu.memref_slice %arg11[%scan3A_216, %swap3A_586, %swap3A_587] : memref<2x128x128xf32, #tpu.memory_space<vmem>> -> memref<1x128x128xf32, #tpu.memory_space<vmem>>
        %swap3A_589 = tpu.memref_squeeze %swap3A_588 : memref<1x128x128xf32, #tpu.memory_space<vmem>> -> memref<128x128xf32, #tpu.memory_space<vmem>>
        %swap3A_590 = arith.index_cast %mul3A_339 : i32 to index
        %swap3A_591 = arith.constant 64 : index
        %swap3A_592 = tpu.vector_load %swap3A_589[%swap3A_590, %swap3A_591] {strides = array<i32>} : memref<128x128xf32, #tpu.memory_space<vmem>>, vector<1x16xf32>,
        %swap3A_593 = vector.shape_cast %swap3A_592 : vector<1x16xf32> to vector<16xf32>
        %swap3A_594 = vector.shape_cast %mul3A_585 : vector<16xf32> to vector<1x16xf32>
        tpu.vector_store %swap3A_589[%swap3A_590, %swap3A_591], %swap3A_594 {strides = array<i32>} : memref<128x128xf32, #tpu.memory_space<vmem>>, vector<1x16xf32>,
        %mul3A_595 = arith.mulf %mul3A_464, %mul3A_544 : vector<16xf32>
        %swap3A_596 = arith.constant 0 : i32
        %swap3A_597 = arith.constant 0 : i32
        %swap3A_598 = tpu.memref_slice %arg11[%scan3A_216, %swap3A_596, %swap3A_597] : memref<2x128x128xf32, #tpu.memory_space<vmem>> -> memref<1x128x128xf32, #tpu.memory_space<vmem>>
        %swap3A_599 = tpu.memref_squeeze %swap3A_598 : memref<1x128x128xf32, #tpu.memory_space<vmem>> -> memref<128x128xf32, #tpu.memory_space<vmem>>
        %swap3A_600 = arith.index_cast %mul3A_339 : i32 to index
        %swap3A_601 = arith.constant 80 : index
        %swap3A_602 = tpu.vector_load %swap3A_599[%swap3A_600, %swap3A_601] {strides = array<i32>} : memref<128x128xf32, #tpu.memory_space<vmem>>, vector<1x16xf32>,
        %swap3A_603 = vector.shape_cast %swap3A_602 : vector<1x16xf32> to vector<16xf32>
        %swap3A_604 = vector.shape_cast %mul3A_595 : vector<16xf32> to vector<1x16xf32>
        tpu.vector_store %swap3A_599[%swap3A_600, %swap3A_601], %swap3A_604 {strides = array<i32>} : memref<128x128xf32, #tpu.memory_space<vmem>>, vector<1x16xf32>,
        %mul3A_605 = arith.mulf %mul3A_486, %mul3A_544 : vector<16xf32>
        %swap3A_606 = arith.constant 0 : i32
        %swap3A_607 = arith.constant 0 : i32
        %swap3A_608 = tpu.memref_slice %arg11[%scan3A_216, %swap3A_606, %swap3A_607] : memref<2x128x128xf32, #tpu.memory_space<vmem>> -> memref<1x128x128xf32, #tpu.memory_space<vmem>>
        %swap3A_609 = tpu.memref_squeeze %swap3A_608 : memref<1x128x128xf32, #tpu.memory_space<vmem>> -> memref<128x128xf32, #tpu.memory_space<vmem>>
        %swap3A_610 = arith.index_cast %mul3A_339 : i32 to index
        %swap3A_611 = arith.constant 96 : index
        %swap3A_612 = tpu.vector_load %swap3A_609[%swap3A_610, %swap3A_611] {strides = array<i32>} : memref<128x128xf32, #tpu.memory_space<vmem>>, vector<1x16xf32>,
        %swap3A_613 = vector.shape_cast %swap3A_612 : vector<1x16xf32> to vector<16xf32>
        %swap3A_614 = vector.shape_cast %mul3A_605 : vector<16xf32> to vector<1x16xf32>
        tpu.vector_store %swap3A_609[%swap3A_610, %swap3A_611], %swap3A_614 {strides = array<i32>} : memref<128x128xf32, #tpu.memory_space<vmem>>, vector<1x16xf32>,
        %mul3A_615 = arith.mulf %mul3A_508, %mul3A_544 : vector<16xf32>
        %swap3A_616 = arith.constant 0 : i32
        %swap3A_617 = arith.constant 0 : i32
        %swap3A_618 = tpu.memref_slice %arg11[%scan3A_216, %swap3A_616, %swap3A_617] : memref<2x128x128xf32, #tpu.memory_space<vmem>> -> memref<1x128x128xf32, #tpu.memory_space<vmem>>
        %swap3A_619 = tpu.memref_squeeze %swap3A_618 : memref<1x128x128xf32, #tpu.memory_space<vmem>> -> memref<128x128xf32, #tpu.memory_space<vmem>>
        %swap3A_620 = arith.index_cast %mul3A_339 : i32 to index
        %swap3A_621 = arith.constant 112 : index
        %swap3A_622 = tpu.vector_load %swap3A_619[%swap3A_620, %swap3A_621] {strides = array<i32>} : memref<128x128xf32, #tpu.memory_space<vmem>>, vector<1x16xf32>,
        %swap3A_623 = vector.shape_cast %swap3A_622 : vector<1x16xf32> to vector<16xf32>
        %swap3A_624 = vector.shape_cast %mul3A_615 : vector<16xf32> to vector<1x16xf32>
        tpu.vector_store %swap3A_619[%swap3A_620, %swap3A_621], %swap3A_624 {strides = array<i32>} : memref<128x128xf32, #tpu.memory_space<vmem>>, vector<1x16xf32>,
        %mul3A_625 = arith.mulf %add3A_524, %mul3A_544 : vector<16xf32>
        %mul3A_626 = arith.mulf %mul3A_625, %mul3A_544 : vector<16xf32>
        %add3A_627 = arith.addf %scan3A_336, %mul3A_626 : vector<16xf32>
        %add3A_628 = arith.constant 1 : i32
        %add3A_629 = arith.addi %mul3A_339, %add3A_628 : i32
        %get3A_630 = arith.constant 0 : i32
        %get3A_631 = arith.constant 0 : i32
        %get3A_632 = tpu.memref_slice %arg9[%scan3A_214, %get3A_630, %get3A_631] : memref<2x128x128xf32, #tpu.memory_space<vmem>> -> memref<1x128x128xf32, #tpu.memory_space<vmem>>
        %get3A_633 = tpu.memref_squeeze %get3A_632 : memref<1x128x128xf32, #tpu.memory_space<vmem>> -> memref<128x128xf32, #tpu.memory_space<vmem>>
        %get3A_634 = arith.index_cast %add3A_629 : i32 to index
        %get3A_635 = arith.constant 0 : index
        %get3A_636 = tpu.vector_load %get3A_633[%get3A_634, %get3A_635] {strides = array<i32>} : memref<128x128xf32, #tpu.memory_space<vmem>>, vector<1x16xf32>,
        %get3A_637 = vector.shape_cast %get3A_636 : vector<1x16xf32> to vector<16xf32>
        %get3A_638 = arith.constant 0 : i32
        %get3A_639 = arith.constant 0 : i32
        %get3A_640 = tpu.memref_slice %arg10[%scan3A_215, %get3A_638, %get3A_639] : memref<2x128x128xf32, #tpu.memory_space<vmem>> -> memref<1x128x128xf32, #tpu.memory_space<vmem>>
        %get3A_641 = tpu.memref_squeeze %get3A_640 : memref<1x128x128xf32, #tpu.memory_space<vmem>> -> memref<128x128xf32, #tpu.memory_space<vmem>>
        %get3A_642 = arith.index_cast %add3A_629 : i32 to index
        %get3A_643 = arith.constant 0 : index
        %get3A_644 = tpu.vector_load %get3A_641[%get3A_642, %get3A_643] {strides = array<i32>} : memref<128x128xf32, #tpu.memory_space<vmem>>, vector<1x16xf32>,
        %get3A_645 = vector.shape_cast %get3A_644 : vector<1x16xf32> to vector<16xf32>
        %mul3A_646 = arith.mulf %get3A_637, %get3A_645 : vector<16xf32>
        %mul3A_647 = arith.mulf %mul3A_646, %mul3A_646 : vector<16xf32>
        %mul3A_648 = arith.mulf %get3A_637, %get3A_637 : vector<16xf32>
        %add3A_649 = arith.addf %scan3A_333, %mul3A_648 : vector<16xf32>
        %add3A_650 = arith.addf %scan3A_335, %get3A_645 : vector<16xf32>
        %get3A_651 = arith.constant 0 : i32
        %get3A_652 = arith.constant 0 : i32
        %get3A_653 = tpu.memref_slice %arg9[%scan3A_214, %get3A_651, %get3A_652] : memref<2x128x128xf32, #tpu.memory_space<vmem>> -> memref<1x128x128xf32, #tpu.memory_space<vmem>>
        %get3A_654 = tpu.memref_squeeze %get3A_653 : memref<1x128x128xf32, #tpu.memory_space<vmem>> -> memref<128x128xf32, #tpu.memory_space<vmem>>
        %get3A_655 = arith.index_cast %add3A_629 : i32 to index
        %get3A_656 = arith.constant 16 : index
        %get3A_657 = tpu.vector_load %get3A_654[%get3A_655, %get3A_656] {strides = array<i32>} : memref<128x128xf32, #tpu.memory_space<vmem>>, vector<1x16xf32>,
        %get3A_658 = vector.shape_cast %get3A_657 : vector<1x16xf32> to vector<16xf32>
        %get3A_659 = arith.constant 0 : i32
        %get3A_660 = arith.constant 0 : i32
        %get3A_661 = tpu.memref_slice %arg10[%scan3A_215, %get3A_659, %get3A_660] : memref<2x128x128xf32, #tpu.memory_space<vmem>> -> memref<1x128x128xf32, #tpu.memory_space<vmem>>
        %get3A_662 = tpu.memref_squeeze %get3A_661 : memref<1x128x128xf32, #tpu.memory_space<vmem>> -> memref<128x128xf32, #tpu.memory_space<vmem>>
        %get3A_663 = arith.index_cast %add3A_629 : i32 to index
        %get3A_664 = arith.constant 16 : index
        %get3A_665 = tpu.vector_load %get3A_662[%get3A_663, %get3A_664] {strides = array<i32>} : memref<128x128xf32, #tpu.memory_space<vmem>>, vector<1x16xf32>,
        %get3A_666 = vector.shape_cast %get3A_665 : vector<1x16xf32> to vector<16xf32>
        %mul3A_667 = arith.mulf %get3A_658, %get3A_666 : vector<16xf32>
        %mul3A_668 = arith.mulf %mul3A_667, %mul3A_667 : vector<16xf32>
        %add3A_669 = arith.addf %mul3A_647, %mul3A_668 : vector<16xf32>
        %mul3A_670 = arith.mulf %get3A_658, %get3A_658 : vector<16xf32>
        %add3A_671 = arith.addf %add3A_649, %mul3A_670 : vector<16xf32>
        %add3A_672 = arith.addf %add3A_650, %get3A_666 : vector<16xf32>
        %get3A_673 = arith.constant 0 : i32
        %get3A_674 = arith.constant 0 : i32
        %get3A_675 = tpu.memref_slice %arg9[%scan3A_214, %get3A_673, %get3A_674] : memref<2x128x128xf32, #tpu.memory_space<vmem>> -> memref<1x128x128xf32, #tpu.memory_space<vmem>>
        %get3A_676 = tpu.memref_squeeze %get3A_675 : memref<1x128x128xf32, #tpu.memory_space<vmem>> -> memref<128x128xf32, #tpu.memory_space<vmem>>
        %get3A_677 = arith.index_cast %add3A_629 : i32 to index
        %get3A_678 = arith.constant 32 : index
        %get3A_679 = tpu.vector_load %get3A_676[%get3A_677, %get3A_678] {strides = array<i32>} : memref<128x128xf32, #tpu.memory_space<vmem>>, vector<1x16xf32>,
        %get3A_680 = vector.shape_cast %get3A_679 : vector<1x16xf32> to vector<16xf32>
        %get3A_681 = arith.constant 0 : i32
        %get3A_682 = arith.constant 0 : i32
        %get3A_683 = tpu.memref_slice %arg10[%scan3A_215, %get3A_681, %get3A_682] : memref<2x128x128xf32, #tpu.memory_space<vmem>> -> memref<1x128x128xf32, #tpu.memory_space<vmem>>
        %get3A_684 = tpu.memref_squeeze %get3A_683 : memref<1x128x128xf32, #tpu.memory_space<vmem>> -> memref<128x128xf32, #tpu.memory_space<vmem>>
        %get3A_685 = arith.index_cast %add3A_629 : i32 to index
        %get3A_686 = arith.constant 32 : index
        %get3A_687 = tpu.vector_load %get3A_684[%get3A_685, %get3A_686] {strides = array<i32>} : memref<128x128xf32, #tpu.memory_space<vmem>>, vector<1x16xf32>,
        %get3A_688 = vector.shape_cast %get3A_687 : vector<1x16xf32> to vector<16xf32>
        %mul3A_689 = arith.mulf %get3A_680, %get3A_688 : vector<16xf32>
        %mul3A_690 = arith.mulf %mul3A_689, %mul3A_689 : vector<16xf32>
        %add3A_691 = arith.addf %add3A_669, %mul3A_690 : vector<16xf32>
        %mul3A_692 = arith.mulf %get3A_680, %get3A_680 : vector<16xf32>
        %add3A_693 = arith.addf %add3A_671, %mul3A_692 : vector<16xf32>
        %add3A_694 = arith.addf %add3A_672, %get3A_688 : vector<16xf32>
        %get3A_695 = arith.constant 0 : i32
        %get3A_696 = arith.constant 0 : i32
        %get3A_697 = tpu.memref_slice %arg9[%scan3A_214, %get3A_695, %get3A_696] : memref<2x128x128xf32, #tpu.memory_space<vmem>> -> memref<1x128x128xf32, #tpu.memory_space<vmem>>
        %get3A_698 = tpu.memref_squeeze %get3A_697 : memref<1x128x128xf32, #tpu.memory_space<vmem>> -> memref<128x128xf32, #tpu.memory_space<vmem>>
        %get3A_699 = arith.index_cast %add3A_629 : i32 to index
        %get3A_700 = arith.constant 48 : index
        %get3A_701 = tpu.vector_load %get3A_698[%get3A_699, %get3A_700] {strides = array<i32>} : memref<128x128xf32, #tpu.memory_space<vmem>>, vector<1x16xf32>,
        %get3A_702 = vector.shape_cast %get3A_701 : vector<1x16xf32> to vector<16xf32>
        %get3A_703 = arith.constant 0 : i32
        %get3A_704 = arith.constant 0 : i32
        %get3A_705 = tpu.memref_slice %arg10[%scan3A_215, %get3A_703, %get3A_704] : memref<2x128x128xf32, #tpu.memory_space<vmem>> -> memref<1x128x128xf32, #tpu.memory_space<vmem>>
        %get3A_706 = tpu.memref_squeeze %get3A_705 : memref<1x128x128xf32, #tpu.memory_space<vmem>> -> memref<128x128xf32, #tpu.memory_space<vmem>>
        %get3A_707 = arith.index_cast %add3A_629 : i32 to index
        %get3A_708 = arith.constant 48 : index
        %get3A_709 = tpu.vector_load %get3A_706[%get3A_707, %get3A_708] {strides = array<i32>} : memref<128x128xf32, #tpu.memory_space<vmem>>, vector<1x16xf32>,
        %get3A_710 = vector.shape_cast %get3A_709 : vector<1x16xf32> to vector<16xf32>
        %mul3A_711 = arith.mulf %get3A_702, %get3A_710 : vector<16xf32>
        %mul3A_712 = arith.mulf %mul3A_711, %mul3A_711 : vector<16xf32>
        %add3A_713 = arith.addf %add3A_691, %mul3A_712 : vector<16xf32>
        %mul3A_714 = arith.mulf %get3A_702, %get3A_702 : vector<16xf32>
        %add3A_715 = arith.addf %add3A_693, %mul3A_714 : vector<16xf32>
        %add3A_716 = arith.addf %add3A_694, %get3A_710 : vector<16xf32>
        %get3A_717 = arith.constant 0 : i32
        %get3A_718 = arith.constant 0 : i32
        %get3A_719 = tpu.memref_slice %arg9[%scan3A_214, %get3A_717, %get3A_718] : memref<2x128x128xf32, #tpu.memory_space<vmem>> -> memref<1x128x128xf32, #tpu.memory_space<vmem>>
        %get3A_720 = tpu.memref_squeeze %get3A_719 : memref<1x128x128xf32, #tpu.memory_space<vmem>> -> memref<128x128xf32, #tpu.memory_space<vmem>>
        %get3A_721 = arith.index_cast %add3A_629 : i32 to index
        %get3A_722 = arith.constant 64 : index
        %get3A_723 = tpu.vector_load %get3A_720[%get3A_721, %get3A_722] {strides = array<i32>} : memref<128x128xf32, #tpu.memory_space<vmem>>, vector<1x16xf32>,
        %get3A_724 = vector.shape_cast %get3A_723 : vector<1x16xf32> to vector<16xf32>
        %get3A_725 = arith.constant 0 : i32
        %get3A_726 = arith.constant 0 : i32
        %get3A_727 = tpu.memref_slice %arg10[%scan3A_215, %get3A_725, %get3A_726] : memref<2x128x128xf32, #tpu.memory_space<vmem>> -> memref<1x128x128xf32, #tpu.memory_space<vmem>>
        %get3A_728 = tpu.memref_squeeze %get3A_727 : memref<1x128x128xf32, #tpu.memory_space<vmem>> -> memref<128x128xf32, #tpu.memory_space<vmem>>
        %get3A_729 = arith.index_cast %add3A_629 : i32 to index
        %get3A_730 = arith.constant 64 : index
        %get3A_731 = tpu.vector_load %get3A_728[%get3A_729, %get3A_730] {strides = array<i32>} : memref<128x128xf32, #tpu.memory_space<vmem>>, vector<1x16xf32>,
        %get3A_732 = vector.shape_cast %get3A_731 : vector<1x16xf32> to vector<16xf32>
        %mul3A_733 = arith.mulf %get3A_724, %get3A_732 : vector<16xf32>
        %mul3A_734 = arith.mulf %mul3A_733, %mul3A_733 : vector<16xf32>
        %add3A_735 = arith.addf %add3A_713, %mul3A_734 : vector<16xf32>
        %mul3A_736 = arith.mulf %get3A_724, %get3A_724 : vector<16xf32>
        %add3A_737 = arith.addf %add3A_715, %mul3A_736 : vector<16xf32>
        %add3A_738 = arith.addf %add3A_716, %get3A_732 : vector<16xf32>
        %get3A_739 = arith.constant 0 : i32
        %get3A_740 = arith.constant 0 : i32
        %get3A_741 = tpu.memref_slice %arg9[%scan3A_214, %get3A_739, %get3A_740] : memref<2x128x128xf32, #tpu.memory_space<vmem>> -> memref<1x128x128xf32, #tpu.memory_space<vmem>>
        %get3A_742 = tpu.memref_squeeze %get3A_741 : memref<1x128x128xf32, #tpu.memory_space<vmem>> -> memref<128x128xf32, #tpu.memory_space<vmem>>
        %get3A_743 = arith.index_cast %add3A_629 : i32 to index
        %get3A_744 = arith.constant 80 : index
        %get3A_745 = tpu.vector_load %get3A_742[%get3A_743, %get3A_744] {strides = array<i32>} : memref<128x128xf32, #tpu.memory_space<vmem>>, vector<1x16xf32>,
        %get3A_746 = vector.shape_cast %get3A_745 : vector<1x16xf32> to vector<16xf32>
        %get3A_747 = arith.constant 0 : i32
        %get3A_748 = arith.constant 0 : i32
        %get3A_749 = tpu.memref_slice %arg10[%scan3A_215, %get3A_747, %get3A_748] : memref<2x128x128xf32, #tpu.memory_space<vmem>> -> memref<1x128x128xf32, #tpu.memory_space<vmem>>
        %get3A_750 = tpu.memref_squeeze %get3A_749 : memref<1x128x128xf32, #tpu.memory_space<vmem>> -> memref<128x128xf32, #tpu.memory_space<vmem>>
        %get3A_751 = arith.index_cast %add3A_629 : i32 to index
        %get3A_752 = arith.constant 80 : index
        %get3A_753 = tpu.vector_load %get3A_750[%get3A_751, %get3A_752] {strides = array<i32>} : memref<128x128xf32, #tpu.memory_space<vmem>>, vector<1x16xf32>,
        %get3A_754 = vector.shape_cast %get3A_753 : vector<1x16xf32> to vector<16xf32>
        %mul3A_755 = arith.mulf %get3A_746, %get3A_754 : vector<16xf32>
        %mul3A_756 = arith.mulf %mul3A_755, %mul3A_755 : vector<16xf32>
        %add3A_757 = arith.addf %add3A_735, %mul3A_756 : vector<16xf32>
        %mul3A_758 = arith.mulf %get3A_746, %get3A_746 : vector<16xf32>
        %add3A_759 = arith.addf %add3A_737, %mul3A_758 : vector<16xf32>
        %add3A_760 = arith.addf %add3A_738, %get3A_754 : vector<16xf32>
        %get3A_761 = arith.constant 0 : i32
        %get3A_762 = arith.constant 0 : i32
        %get3A_763 = tpu.memref_slice %arg9[%scan3A_214, %get3A_761, %get3A_762] : memref<2x128x128xf32, #tpu.memory_space<vmem>> -> memref<1x128x128xf32, #tpu.memory_space<vmem>>
        %get3A_764 = tpu.memref_squeeze %get3A_763 : memref<1x128x128xf32, #tpu.memory_space<vmem>> -> memref<128x128xf32, #tpu.memory_space<vmem>>
        %get3A_765 = arith.index_cast %add3A_629 : i32 to index
        %get3A_766 = arith.constant 96 : index
        %get3A_767 = tpu.vector_load %get3A_764[%get3A_765, %get3A_766] {strides = array<i32>} : memref<128x128xf32, #tpu.memory_space<vmem>>, vector<1x16xf32>,
        %get3A_768 = vector.shape_cast %get3A_767 : vector<1x16xf32> to vector<16xf32>
        %get3A_769 = arith.constant 0 : i32
        %get3A_770 = arith.constant 0 : i32
        %get3A_771 = tpu.memref_slice %arg10[%scan3A_215, %get3A_769, %get3A_770] : memref<2x128x128xf32, #tpu.memory_space<vmem>> -> memref<1x128x128xf32, #tpu.memory_space<vmem>>
        %get3A_772 = tpu.memref_squeeze %get3A_771 : memref<1x128x128xf32, #tpu.memory_space<vmem>> -> memref<128x128xf32, #tpu.memory_space<vmem>>
        %get3A_773 = arith.index_cast %add3A_629 : i32 to index
        %get3A_774 = arith.constant 96 : index
        %get3A_775 = tpu.vector_load %get3A_772[%get3A_773, %get3A_774] {strides = array<i32>} : memref<128x128xf32, #tpu.memory_space<vmem>>, vector<1x16xf32>,
        %get3A_776 = vector.shape_cast %get3A_775 : vector<1x16xf32> to vector<16xf32>
        %mul3A_777 = arith.mulf %get3A_768, %get3A_776 : vector<16xf32>
        %mul3A_778 = arith.mulf %mul3A_777, %mul3A_777 : vector<16xf32>
        %add3A_779 = arith.addf %add3A_757, %mul3A_778 : vector<16xf32>
        %mul3A_780 = arith.mulf %get3A_768, %get3A_768 : vector<16xf32>
        %add3A_781 = arith.addf %add3A_759, %mul3A_780 : vector<16xf32>
        %add3A_782 = arith.addf %add3A_760, %get3A_776 : vector<16xf32>
        %get3A_783 = arith.constant 0 : i32
        %get3A_784 = arith.constant 0 : i32
        %get3A_785 = tpu.memref_slice %arg9[%scan3A_214, %get3A_783, %get3A_784] : memref<2x128x128xf32, #tpu.memory_space<vmem>> -> memref<1x128x128xf32, #tpu.memory_space<vmem>>
        %get3A_786 = tpu.memref_squeeze %get3A_785 : memref<1x128x128xf32, #tpu.memory_space<vmem>> -> memref<128x128xf32, #tpu.memory_space<vmem>>
        %get3A_787 = arith.index_cast %add3A_629 : i32 to index
        %get3A_788 = arith.constant 112 : index
        %get3A_789 = tpu.vector_load %get3A_786[%get3A_787, %get3A_788] {strides = array<i32>} : memref<128x128xf32, #tpu.memory_space<vmem>>, vector<1x16xf32>,
        %get3A_790 = vector.shape_cast %get3A_789 : vector<1x16xf32> to vector<16xf32>
        %get3A_791 = arith.constant 0 : i32
        %get3A_792 = arith.constant 0 : i32
        %get3A_793 = tpu.memref_slice %arg10[%scan3A_215, %get3A_791, %get3A_792] : memref<2x128x128xf32, #tpu.memory_space<vmem>> -> memref<1x128x128xf32, #tpu.memory_space<vmem>>
        %get3A_794 = tpu.memref_squeeze %get3A_793 : memref<1x128x128xf32, #tpu.memory_space<vmem>> -> memref<128x128xf32, #tpu.memory_space<vmem>>
        %get3A_795 = arith.index_cast %add3A_629 : i32 to index
        %get3A_796 = arith.constant 112 : index
        %get3A_797 = tpu.vector_load %get3A_794[%get3A_795, %get3A_796] {strides = array<i32>} : memref<128x128xf32, #tpu.memory_space<vmem>>, vector<1x16xf32>,
        %get3A_798 = vector.shape_cast %get3A_797 : vector<1x16xf32> to vector<16xf32>
        %mul3A_799 = arith.mulf %get3A_790, %get3A_798 : vector<16xf32>
        %mul3A_800 = arith.mulf %mul3A_799, %mul3A_799 : vector<16xf32>
        %add3A_801 = arith.addf %add3A_779, %mul3A_800 : vector<16xf32>
        %mul3A_802 = arith.mulf %get3A_790, %get3A_790 : vector<16xf32>
        %add3A_803 = arith.addf %add3A_781, %mul3A_802 : vector<16xf32>
        %add3A_804 = arith.addf %add3A_782, %get3A_798 : vector<16xf32>
        %gather3A_805 = vector.shape_cast %reshape3A : vector<16x1xi32> to vector<16xi32>
        %gather3A_806 = tpu.dynamic_gather %add3A_801[%gather3A_805] in [0] : vector<16xf32>, vector<16xi32> -> vector<16xf32>
        %add3A_807 = arith.addf %add3A_801, %gather3A_806 : vector<16xf32>
        %gather3A_808 = vector.shape_cast %reshape3A_16 : vector<16x1xi32> to vector<16xi32>
        %gather3A_809 = tpu.dynamic_gather %add3A_807[%gather3A_808] in [0] : vector<16xf32>, vector<16xi32> -> vector<16xf32>
        %add3A_810 = arith.addf %add3A_807, %gather3A_809 : vector<16xf32>
        %gather3A_811 = vector.shape_cast %reshape3A_20 : vector<16x1xi32> to vector<16xi32>
        %gather3A_812 = tpu.dynamic_gather %add3A_810[%gather3A_811] in [0] : vector<16xf32>, vector<16xi32> -> vector<16xf32>
        %add3A_813 = arith.addf %add3A_810, %gather3A_812 : vector<16xf32>
        %gather3A_814 = vector.shape_cast %reshape3A_24 : vector<16x1xi32> to vector<16xi32>
        %gather3A_815 = tpu.dynamic_gather %add3A_813[%gather3A_814] in [0] : vector<16xf32>, vector<16xi32> -> vector<16xf32>
        %add3A_816 = arith.addf %add3A_813, %gather3A_815 : vector<16xf32>
        %mul3A_817 = arith.constant 5.000000e-01 : f32
        %mul3A_818 = vector.broadcast %mul3A_817 : f32 to vector<16xf32>
        %mul3A_819 = arith.mulf %add3A_816, %mul3A_818 : vector<16xf32>
        %bitcast_convert_type3A_820 = tpu.bitcast %add3A_816 : vector<16xf32> -> vector<16xi32>
        %shift_right_arithmetic3A_821 = arith.constant 1 : i32
        %shift_right_arithmetic3A_822 = vector.broadcast %shift_right_arithmetic3A_821 : i32 to vector<16xi32>
        %shift_right_arithmetic3A_823 = arith.shrsi %bitcast_convert_type3A_820, %shift_right_arithmetic3A_822 : vector<16xi32>
        %sub3A_824 = arith.constant 1597463007 : i32
        %sub3A_825 = vector.broadcast %sub3A_824 : i32 to vector<16xi32>
        %sub3A_826 = arith.subi %sub3A_825, %shift_right_arithmetic3A_823 : vector<16xi32>
        %bitcast_convert_type3A_827 = tpu.bitcast %sub3A_826 : vector<16xi32> -> vector<16xf32>
        %mul3A_828 = arith.mulf %mul3A_819, %bitcast_convert_type3A_827 : vector<16xf32>
        %mul3A_829 = arith.mulf %mul3A_828, %bitcast_convert_type3A_827 : vector<16xf32>
        %sub3A_830 = arith.constant 1.500000e+00 : f32
        %sub3A_831 = vector.broadcast %sub3A_830 : f32 to vector<16xf32>
        %sub3A_832 = arith.subf %sub3A_831, %mul3A_829 : vector<16xf32>
        %mul3A_833 = arith.mulf %bitcast_convert_type3A_827, %sub3A_832 : vector<16xf32>
        %mul3A_834 = arith.mulf %mul3A_819, %mul3A_833 : vector<16xf32>
        %mul3A_835 = arith.mulf %mul3A_834, %mul3A_833 : vector<16xf32>
        %sub3A_836 = arith.constant 1.500000e+00 : f32
        %sub3A_837 = vector.broadcast %sub3A_836 : f32 to vector<16xf32>
        %sub3A_838 = arith.subf %sub3A_837, %mul3A_835 : vector<16xf32>
        %mul3A_839 = arith.mulf %mul3A_833, %sub3A_838 : vector<16xf32>
        %mul3A_840 = arith.mulf %mul3A_646, %mul3A_839 : vector<16xf32>
        %swap3A_841 = arith.constant 0 : i32
        %swap3A_842 = arith.constant 0 : i32
        %swap3A_843 = tpu.memref_slice %arg11[%scan3A_216, %swap3A_841, %swap3A_842] : memref<2x128x128xf32, #tpu.memory_space<vmem>> -> memref<1x128x128xf32, #tpu.memory_space<vmem>>
        %swap3A_844 = tpu.memref_squeeze %swap3A_843 : memref<1x128x128xf32, #tpu.memory_space<vmem>> -> memref<128x128xf32, #tpu.memory_space<vmem>>
        %swap3A_845 = arith.index_cast %add3A_629 : i32 to index
        %swap3A_846 = arith.constant 0 : index
        %swap3A_847 = tpu.vector_load %swap3A_844[%swap3A_845, %swap3A_846] {strides = array<i32>} : memref<128x128xf32, #tpu.memory_space<vmem>>, vector<1x16xf32>,
        %swap3A_848 = vector.shape_cast %swap3A_847 : vector<1x16xf32> to vector<16xf32>
        %swap3A_849 = vector.shape_cast %mul3A_840 : vector<16xf32> to vector<1x16xf32>
        tpu.vector_store %swap3A_844[%swap3A_845, %swap3A_846], %swap3A_849 {strides = array<i32>} : memref<128x128xf32, #tpu.memory_space<vmem>>, vector<1x16xf32>,
        %mul3A_850 = arith.mulf %mul3A_667, %mul3A_839 : vector<16xf32>
        %swap3A_851 = arith.constant 0 : i32
        %swap3A_852 = arith.constant 0 : i32
        %swap3A_853 = tpu.memref_slice %arg11[%scan3A_216, %swap3A_851, %swap3A_852] : memref<2x128x128xf32, #tpu.memory_space<vmem>> -> memref<1x128x128xf32, #tpu.memory_space<vmem>>
        %swap3A_854 = tpu.memref_squeeze %swap3A_853 : memref<1x128x128xf32, #tpu.memory_space<vmem>> -> memref<128x128xf32, #tpu.memory_space<vmem>>
        %swap3A_855 = arith.index_cast %add3A_629 : i32 to index
        %swap3A_856 = arith.constant 16 : index
        %swap3A_857 = tpu.vector_load %swap3A_854[%swap3A_855, %swap3A_856] {strides = array<i32>} : memref<128x128xf32, #tpu.memory_space<vmem>>, vector<1x16xf32>,
        %swap3A_858 = vector.shape_cast %swap3A_857 : vector<1x16xf32> to vector<16xf32>
        %swap3A_859 = vector.shape_cast %mul3A_850 : vector<16xf32> to vector<1x16xf32>
        tpu.vector_store %swap3A_854[%swap3A_855, %swap3A_856], %swap3A_859 {strides = array<i32>} : memref<128x128xf32, #tpu.memory_space<vmem>>, vector<1x16xf32>,
        %mul3A_860 = arith.mulf %mul3A_689, %mul3A_839 : vector<16xf32>
        %swap3A_861 = arith.constant 0 : i32
        %swap3A_862 = arith.constant 0 : i32
        %swap3A_863 = tpu.memref_slice %arg11[%scan3A_216, %swap3A_861, %swap3A_862] : memref<2x128x128xf32, #tpu.memory_space<vmem>> -> memref<1x128x128xf32, #tpu.memory_space<vmem>>
        %swap3A_864 = tpu.memref_squeeze %swap3A_863 : memref<1x128x128xf32, #tpu.memory_space<vmem>> -> memref<128x128xf32, #tpu.memory_space<vmem>>
        %swap3A_865 = arith.index_cast %add3A_629 : i32 to index
        %swap3A_866 = arith.constant 32 : index
        %swap3A_867 = tpu.vector_load %swap3A_864[%swap3A_865, %swap3A_866] {strides = array<i32>} : memref<128x128xf32, #tpu.memory_space<vmem>>, vector<1x16xf32>,
        %swap3A_868 = vector.shape_cast %swap3A_867 : vector<1x16xf32> to vector<16xf32>
        %swap3A_869 = vector.shape_cast %mul3A_860 : vector<16xf32> to vector<1x16xf32>
        tpu.vector_store %swap3A_864[%swap3A_865, %swap3A_866], %swap3A_869 {strides = array<i32>} : memref<128x128xf32, #tpu.memory_space<vmem>>, vector<1x16xf32>,
        %mul3A_870 = arith.mulf %mul3A_711, %mul3A_839 : vector<16xf32>
        %swap3A_871 = arith.constant 0 : i32
        %swap3A_872 = arith.constant 0 : i32
        %swap3A_873 = tpu.memref_slice %arg11[%scan3A_216, %swap3A_871, %swap3A_872] : memref<2x128x128xf32, #tpu.memory_space<vmem>> -> memref<1x128x128xf32, #tpu.memory_space<vmem>>
        %swap3A_874 = tpu.memref_squeeze %swap3A_873 : memref<1x128x128xf32, #tpu.memory_space<vmem>> -> memref<128x128xf32, #tpu.memory_space<vmem>>
        %swap3A_875 = arith.index_cast %add3A_629 : i32 to index
        %swap3A_876 = arith.constant 48 : index
        %swap3A_877 = tpu.vector_load %swap3A_874[%swap3A_875, %swap3A_876] {strides = array<i32>} : memref<128x128xf32, #tpu.memory_space<vmem>>, vector<1x16xf32>,
        %swap3A_878 = vector.shape_cast %swap3A_877 : vector<1x16xf32> to vector<16xf32>
        %swap3A_879 = vector.shape_cast %mul3A_870 : vector<16xf32> to vector<1x16xf32>
        tpu.vector_store %swap3A_874[%swap3A_875, %swap3A_876], %swap3A_879 {strides = array<i32>} : memref<128x128xf32, #tpu.memory_space<vmem>>, vector<1x16xf32>,
        %mul3A_880 = arith.mulf %mul3A_733, %mul3A_839 : vector<16xf32>
        %swap3A_881 = arith.constant 0 : i32
        %swap3A_882 = arith.constant 0 : i32
        %swap3A_883 = tpu.memref_slice %arg11[%scan3A_216, %swap3A_881, %swap3A_882] : memref<2x128x128xf32, #tpu.memory_space<vmem>> -> memref<1x128x128xf32, #tpu.memory_space<vmem>>
        %swap3A_884 = tpu.memref_squeeze %swap3A_883 : memref<1x128x128xf32, #tpu.memory_space<vmem>> -> memref<128x128xf32, #tpu.memory_space<vmem>>
        %swap3A_885 = arith.index_cast %add3A_629 : i32 to index
        %swap3A_886 = arith.constant 64 : index
        %swap3A_887 = tpu.vector_load %swap3A_884[%swap3A_885, %swap3A_886] {strides = array<i32>} : memref<128x128xf32, #tpu.memory_space<vmem>>, vector<1x16xf32>,
        %swap3A_888 = vector.shape_cast %swap3A_887 : vector<1x16xf32> to vector<16xf32>
        %swap3A_889 = vector.shape_cast %mul3A_880 : vector<16xf32> to vector<1x16xf32>
        tpu.vector_store %swap3A_884[%swap3A_885, %swap3A_886], %swap3A_889 {strides = array<i32>} : memref<128x128xf32, #tpu.memory_space<vmem>>, vector<1x16xf32>,
        %mul3A_890 = arith.mulf %mul3A_755, %mul3A_839 : vector<16xf32>
        %swap3A_891 = arith.constant 0 : i32
        %swap3A_892 = arith.constant 0 : i32
        %swap3A_893 = tpu.memref_slice %arg11[%scan3A_216, %swap3A_891, %swap3A_892] : memref<2x128x128xf32, #tpu.memory_space<vmem>> -> memref<1x128x128xf32, #tpu.memory_space<vmem>>
        %swap3A_894 = tpu.memref_squeeze %swap3A_893 : memref<1x128x128xf32, #tpu.memory_space<vmem>> -> memref<128x128xf32, #tpu.memory_space<vmem>>
        %swap3A_895 = arith.index_cast %add3A_629 : i32 to index
        %swap3A_896 = arith.constant 80 : index
        %swap3A_897 = tpu.vector_load %swap3A_894[%swap3A_895, %swap3A_896] {strides = array<i32>} : memref<128x128xf32, #tpu.memory_space<vmem>>, vector<1x16xf32>,
        %swap3A_898 = vector.shape_cast %swap3A_897 : vector<1x16xf32> to vector<16xf32>
        %swap3A_899 = vector.shape_cast %mul3A_890 : vector<16xf32> to vector<1x16xf32>
        tpu.vector_store %swap3A_894[%swap3A_895, %swap3A_896], %swap3A_899 {strides = array<i32>} : memref<128x128xf32, #tpu.memory_space<vmem>>, vector<1x16xf32>,
        %mul3A_900 = arith.mulf %mul3A_777, %mul3A_839 : vector<16xf32>
        %swap3A_901 = arith.constant 0 : i32
        %swap3A_902 = arith.constant 0 : i32
        %swap3A_903 = tpu.memref_slice %arg11[%scan3A_216, %swap3A_901, %swap3A_902] : memref<2x128x128xf32, #tpu.memory_space<vmem>> -> memref<1x128x128xf32, #tpu.memory_space<vmem>>
        %swap3A_904 = tpu.memref_squeeze %swap3A_903 : memref<1x128x128xf32, #tpu.memory_space<vmem>> -> memref<128x128xf32, #tpu.memory_space<vmem>>
        %swap3A_905 = arith.index_cast %add3A_629 : i32 to index
        %swap3A_906 = arith.constant 96 : index
        %swap3A_907 = tpu.vector_load %swap3A_904[%swap3A_905, %swap3A_906] {strides = array<i32>} : memref<128x128xf32, #tpu.memory_space<vmem>>, vector<1x16xf32>,
        %swap3A_908 = vector.shape_cast %swap3A_907 : vector<1x16xf32> to vector<16xf32>
        %swap3A_909 = vector.shape_cast %mul3A_900 : vector<16xf32> to vector<1x16xf32>
        tpu.vector_store %swap3A_904[%swap3A_905, %swap3A_906], %swap3A_909 {strides = array<i32>} : memref<128x128xf32, #tpu.memory_space<vmem>>, vector<1x16xf32>,
        %mul3A_910 = arith.mulf %mul3A_799, %mul3A_839 : vector<16xf32>
        %swap3A_911 = arith.constant 0 : i32
        %swap3A_912 = arith.constant 0 : i32
        %swap3A_913 = tpu.memref_slice %arg11[%scan3A_216, %swap3A_911, %swap3A_912] : memref<2x128x128xf32, #tpu.memory_space<vmem>> -> memref<1x128x128xf32, #tpu.memory_space<vmem>>
        %swap3A_914 = tpu.memref_squeeze %swap3A_913 : memref<1x128x128xf32, #tpu.memory_space<vmem>> -> memref<128x128xf32, #tpu.memory_space<vmem>>
        %swap3A_915 = arith.index_cast %add3A_629 : i32 to index
        %swap3A_916 = arith.constant 112 : index
        %swap3A_917 = tpu.vector_load %swap3A_914[%swap3A_915, %swap3A_916] {strides = array<i32>} : memref<128x128xf32, #tpu.memory_space<vmem>>, vector<1x16xf32>,
        %swap3A_918 = vector.shape_cast %swap3A_917 : vector<1x16xf32> to vector<16xf32>
        %swap3A_919 = vector.shape_cast %mul3A_910 : vector<16xf32> to vector<1x16xf32>
        tpu.vector_store %swap3A_914[%swap3A_915, %swap3A_916], %swap3A_919 {strides = array<i32>} : memref<128x128xf32, #tpu.memory_space<vmem>>, vector<1x16xf32>,
        %mul3A_920 = arith.mulf %add3A_816, %mul3A_839 : vector<16xf32>
        %mul3A_921 = arith.mulf %mul3A_920, %mul3A_839 : vector<16xf32>
        %add3A_922 = arith.addf %scan3A_337, %mul3A_921 : vector<16xf32>
        scf.yield %add3A_512, %add3A_803, %add3A_513, %add3A_804, %add3A_627, %add3A_922 : vector<16xf32>, vector<16xf32>, vector<16xf32>, vector<16xf32>, vector<16xf32>, vector<16xf32>
      }
      %scan3A_222 = arith.constant 64 : i32
      %add3A_223 = arith.addi %mul3A_2, %mul3A_151 : i32
      %mul3A_224 = arith.constant 128 : i32
      %mul3A_225 = arith.muli %add3A_223, %mul3A_224 : i32
      %dma_start3A_226 = arith.constant 0 : i32
      %dma_start3A_227 = arith.constant 0 : i32
      %dma_start3A_228 = arith.constant 0 : i32
      %dma_start3A_229 = tpu.memref_slice %arg11[%dma_start3A_226, %dma_start3A_227, %dma_start3A_228] : memref<2x128x128xf32, #tpu.memory_space<vmem>> -> memref<1x128x128xf32, #tpu.memory_space<vmem>>
      %dma_start3A_230 = tpu.memref_squeeze %dma_start3A_229 : memref<1x128x128xf32, #tpu.memory_space<vmem>> -> memref<128x128xf32, #tpu.memory_space<vmem>>
      %dma_start3A_231 = arith.constant 0 : i32
      %dma_start3A_232 = tpu.memref_slice %arg5[%mul3A_225, %dma_start3A_231] : memref<327680x128xf32, #tpu.memory_space<hbm>> -> memref<128x128xf32, #tpu.memory_space<hbm>>
      %dma_start3A_233 = arith.constant 0 : i32
      %dma_start3A_234 = tpu.memref_slice %arg5[%mul3A_225, %dma_start3A_233] : memref<327680x128xf32, #tpu.memory_space<hbm>> -> memref<128x128xf32, #tpu.memory_space<hbm>>
      %dma_start3A_235 = arith.constant 0 : i32
      %dma_start3A_236 = arith.constant 0 : i32
      %dma_start3A_237 = tpu.memref_slice %arg11[%dma_start3A_226, %dma_start3A_235, %dma_start3A_236] : memref<2x128x128xf32, #tpu.memory_space<vmem>> -> memref<1x128x128xf32, #tpu.memory_space<vmem>>
      %dma_start3A_238 = tpu.memref_squeeze %dma_start3A_237 : memref<1x128x128xf32, #tpu.memory_space<vmem>> -> memref<128x128xf32, #tpu.memory_space<vmem>>
      tpu.enqueue_dma source(%dma_start3A_238 : memref<128x128xf32, #tpu.memory_space<vmem>>) target(%dma_start3A_234 : memref<128x128xf32, #tpu.memory_space<hbm>>) target_semaphore(%arg18 : memref<!tpu.dma_semaphore, #tpu.memory_space<semaphore_mem>>)
      %add3A_239 = arith.constant 2 : i32
      %add3A_240 = arith.addi %mul3A_151, %add3A_239 : i32
      %min3A_241 = arith.constant 79 : i32
      %min3A_242 = arith.minsi %add3A_240, %min3A_241 : i32
      %add3A_243 = arith.addi %mul3A_2, %min3A_242 : i32
      %mul3A_244 = arith.constant 128 : i32
      %mul3A_245 = arith.muli %add3A_243, %mul3A_244 : i32
      %dma_start3A_246 = arith.constant 0 : i32
      %dma_start3A_247 = arith.constant 0 : i32
      %dma_start3A_248 = arith.constant 0 : i32
      %dma_start3A_249 = tpu.memref_slice %arg9[%dma_start3A_246, %dma_start3A_247, %dma_start3A_248] : memref<2x128x128xf32, #tpu.memory_space<vmem>> -> memref<1x128x128xf32, #tpu.memory_space<vmem>>
      %dma_start3A_250 = tpu.memref_squeeze %dma_start3A_249 : memref<1x128x128xf32, #tpu.memory_space<vmem>> -> memref<128x128xf32, #tpu.memory_space<vmem>>
      %dma_start3A_251 = arith.constant 0 : i32
      %dma_start3A_252 = tpu.memref_slice %arg2[%mul3A_245, %dma_start3A_251] : memref<327680x128xf32, #tpu.memory_space<hbm>> -> memref<128x128xf32, #tpu.memory_space<hbm>>
      %dma_start3A_253 = arith.constant 0 : i32
      %dma_start3A_254 = arith.constant 0 : i32
      %dma_start3A_255 = tpu.memref_slice %arg9[%dma_start3A_246, %dma_start3A_253, %dma_start3A_254] : memref<2x128x128xf32, #tpu.memory_space<vmem>> -> memref<1x128x128xf32, #tpu.memory_space<vmem>>
      %dma_start3A_256 = tpu.memref_squeeze %dma_start3A_255 : memref<1x128x128xf32, #tpu.memory_space<vmem>> -> memref<128x128xf32, #tpu.memory_space<vmem>>
      %dma_start3A_257 = arith.constant 0 : i32
      %dma_start3A_258 = tpu.memref_slice %arg2[%mul3A_245, %dma_start3A_257] : memref<327680x128xf32, #tpu.memory_space<hbm>> -> memref<128x128xf32, #tpu.memory_space<hbm>>
      tpu.enqueue_dma source(%dma_start3A_258 : memref<128x128xf32, #tpu.memory_space<hbm>>) target(%dma_start3A_256 : memref<128x128xf32, #tpu.memory_space<vmem>>) target_semaphore(%arg14 : memref<!tpu.dma_semaphore, #tpu.memory_space<semaphore_mem>>)
      %dma_start3A_259 = arith.constant 0 : i32
      %dma_start3A_260 = arith.constant 0 : i32
      %dma_start3A_261 = arith.constant 0 : i32
      %dma_start3A_262 = tpu.memref_slice %arg10[%dma_start3A_259, %dma_start3A_260, %dma_start3A_261] : memref<2x128x128xf32, #tpu.memory_space<vmem>> -> memref<1x128x128xf32, #tpu.memory_space<vmem>>
      %dma_start3A_263 = tpu.memref_squeeze %dma_start3A_262 : memref<1x128x128xf32, #tpu.memory_space<vmem>> -> memref<128x128xf32, #tpu.memory_space<vmem>>
      %dma_start3A_264 = arith.constant 0 : i32
      %dma_start3A_265 = tpu.memref_slice %arg8[%min3A_242, %dma_start3A_264] : memref<80x128xi32, #tpu.memory_space<vmem>> -> memref<1x128xi32, #tpu.memory_space<vmem>>
      %dma_start3A_266 = tpu.memref_squeeze %dma_start3A_265 : memref<1x128xi32, #tpu.memory_space<vmem>> -> memref<128xi32, #tpu.memory_space<vmem>>
      %dma_start3A_267 = arith.constant 0 : i32
      %dma_start3A_268 = arith.constant 0 : i32
      %dma_start3A_269 = tpu.memref_slice %arg13[%dma_start3A_267, %dma_start3A_268] : memref<26x128xf32, #tpu.memory_space<vmem_shared>> -> memref<26x128xf32, #tpu.memory_space<vmem_shared>>
      tpu.enqueue_indirect_dma source(%dma_start3A_269 : memref<26x128xf32, #tpu.memory_space<vmem_shared>>) target(%dma_start3A_263 : memref<128x128xf32, #tpu.memory_space<vmem>>) offsets(%dma_start3A_266 : memref<128xi32, #tpu.memory_space<vmem>>) semaphore(%arg16 : memref<!tpu.dma_semaphore, #tpu.memory_space<semaphore_mem>>)
      %dma_wait3A_270 = arith.constant 1 : i32
      %dma_wait3A_271 = arith.constant 0 : i32
      %dma_wait3A_272 = arith.constant 0 : i32
      %dma_wait3A_273 = tpu.memref_slice %arg9[%dma_wait3A_270, %dma_wait3A_271, %dma_wait3A_272] : memref<2x128x128xf32, #tpu.memory_space<vmem>> -> memref<1x128x128xf32, #tpu.memory_space<vmem>>
      %dma_wait3A_274 = tpu.memref_squeeze %dma_wait3A_273 : memref<1x128x128xf32, #tpu.memory_space<vmem>> -> memref<128x128xf32, #tpu.memory_space<vmem>>
      %dma_wait3A_275 = arith.constant 0 : i32
      %dma_wait3A_276 = arith.constant 0 : i32
      %dma_wait3A_277 = tpu.memref_slice %arg2[%dma_wait3A_275, %dma_wait3A_276] : memref<327680x128xf32, #tpu.memory_space<hbm>> -> memref<128x128xf32, #tpu.memory_space<hbm>>
      %dma_wait3A_278 = arith.constant 0 : i32
      %dma_wait3A_279 = arith.constant 0 : i32
      %dma_wait3A_280 = tpu.memref_slice %arg9[%dma_wait3A_270, %dma_wait3A_278, %dma_wait3A_279] : memref<2x128x128xf32, #tpu.memory_space<vmem>> -> memref<1x128x128xf32, #tpu.memory_space<vmem>>
      %dma_wait3A_281 = tpu.memref_squeeze %dma_wait3A_280 : memref<1x128x128xf32, #tpu.memory_space<vmem>> -> memref<128x128xf32, #tpu.memory_space<vmem>>
      %dma_wait3A_282 = arith.constant 0 : i32
      %dma_wait3A_283 = arith.constant 0 : i32
      %dma_wait3A_284 = tpu.memref_slice %arg2[%dma_wait3A_282, %dma_wait3A_283] : memref<327680x128xf32, #tpu.memory_space<hbm>> -> memref<128x128xf32, #tpu.memory_space<hbm>>
      tpu.wait_dma2 semaphore(%arg15 : memref<!tpu.dma_semaphore, #tpu.memory_space<semaphore_mem>>) src(%dma_wait3A_284 : memref<128x128xf32, #tpu.memory_space<hbm>>) dst(%dma_wait3A_281 : memref<128x128xf32, #tpu.memory_space<vmem>>)
      %dma_wait3A_285 = arith.constant 0 : i32
      %dma_wait3A_286 = arith.constant 1 : i32
      %dma_wait3A_287 = arith.constant 0 : i32
      %dma_wait3A_288 = arith.constant 0 : i32
      %dma_wait3A_289 = tpu.memref_slice %arg10[%dma_wait3A_286, %dma_wait3A_287, %dma_wait3A_288] : memref<2x128x128xf32, #tpu.memory_space<vmem>> -> memref<1x128x128xf32, #tpu.memory_space<vmem>>
      %dma_wait3A_290 = tpu.memref_squeeze %dma_wait3A_289 : memref<1x128x128xf32, #tpu.memory_space<vmem>> -> memref<128x128xf32, #tpu.memory_space<vmem>>
      %dma_wait3A_291 = arith.constant 0 : i32
      %dma_wait3A_292 = tpu.memref_slice %arg8[%dma_wait3A_285, %dma_wait3A_291] : memref<80x128xi32, #tpu.memory_space<vmem>> -> memref<1x128xi32, #tpu.memory_space<vmem>>
      %dma_wait3A_293 = tpu.memref_squeeze %dma_wait3A_292 : memref<1x128xi32, #tpu.memory_space<vmem>> -> memref<128xi32, #tpu.memory_space<vmem>>
      %dma_wait3A_294 = arith.constant 0 : i32
      %dma_wait3A_295 = arith.constant 0 : i32
      %dma_wait3A_296 = tpu.memref_slice %arg13[%dma_wait3A_294, %dma_wait3A_295] : memref<26x128xf32, #tpu.memory_space<vmem_shared>> -> memref<26x128xf32, #tpu.memory_space<vmem_shared>>
      tpu.wait_indirect_dma semaphore(%arg17 : memref<!tpu.dma_semaphore, #tpu.memory_space<semaphore_mem>>) src(%dma_wait3A_296 : memref<26x128xf32, #tpu.memory_space<vmem_shared>>) dst(%dma_wait3A_290 : memref<128x128xf32, #tpu.memory_space<vmem>>)
      %gt3A_297 = arith.constant 0 : i32
      %gt3A_298 = arith.cmpi sgt, %scan3A_143, %gt3A_297 : i32
      %convert_element_type3A_299 = arith.extui %gt3A_298 : i1 to i32
      %cond3A_300 = arith.constant 0 : i32
      %cond3A_301 = arith.cmpi ne, %convert_element_type3A_299, %cond3A_300 : i32
      scf.if %cond3A_301 {
        %dma_wait3A_331 = arith.constant 1 : i32
        %dma_wait3A_332 = arith.constant 0 : i32
        %dma_wait3A_333 = arith.constant 0 : i32
        %dma_wait3A_334 = tpu.memref_slice %arg11[%dma_wait3A_331, %dma_wait3A_332, %dma_wait3A_333] : memref<2x128x128xf32, #tpu.memory_space<vmem>> -> memref<1x128x128xf32, #tpu.memory_space<vmem>>
        %dma_wait3A_335 = tpu.memref_squeeze %dma_wait3A_334 : memref<1x128x128xf32, #tpu.memory_space<vmem>> -> memref<128x128xf32, #tpu.memory_space<vmem>>
        %dma_wait3A_336 = arith.constant 0 : i32
        %dma_wait3A_337 = arith.constant 0 : i32
        %dma_wait3A_338 = tpu.memref_slice %arg5[%dma_wait3A_336, %dma_wait3A_337] : memref<327680x128xf32, #tpu.memory_space<hbm>> -> memref<128x128xf32, #tpu.memory_space<hbm>>
        %dma_wait3A_339 = arith.constant 0 : i32
        %dma_wait3A_340 = arith.constant 0 : i32
        %dma_wait3A_341 = tpu.memref_slice %arg5[%dma_wait3A_339, %dma_wait3A_340] : memref<327680x128xf32, #tpu.memory_space<hbm>> -> memref<128x128xf32, #tpu.memory_space<hbm>>
        %dma_wait3A_342 = arith.constant 0 : i32
        %dma_wait3A_343 = arith.constant 0 : i32
        %dma_wait3A_344 = tpu.memref_slice %arg11[%dma_wait3A_331, %dma_wait3A_342, %dma_wait3A_343] : memref<2x128x128xf32, #tpu.memory_space<vmem>> -> memref<1x128x128xf32, #tpu.memory_space<vmem>>
        %dma_wait3A_345 = tpu.memref_squeeze %dma_wait3A_344 : memref<1x128x128xf32, #tpu.memory_space<vmem>> -> memref<128x128xf32, #tpu.memory_space<vmem>>
        tpu.wait_dma2 semaphore(%arg19 : memref<!tpu.dma_semaphore, #tpu.memory_space<semaphore_mem>>) src(%dma_wait3A_345 : memref<128x128xf32, #tpu.memory_space<vmem>>) dst(%dma_wait3A_341 : memref<128x128xf32, #tpu.memory_space<hbm>>)
      } else {
      }
      %add3A_302 = arith.constant 1 : i32
      %add3A_303 = arith.addi %mul3A_151, %add3A_302 : i32
      %scan3A_304 = arith.constant 1 : i32
      %scan3A_305 = arith.constant 1 : i32
      %scan3A_306 = arith.constant 1 : i32
      %scan3A_307 = arith.constant 0 : i32
      %scan3A_308 = arith.constant 64 : i32
      %scan3A_309 = arith.addi %scan3A_307, %scan3A_308 : i32
      %scan3A_310 = arith.constant 1 : i32
      %scan3A_311:6 = scf.for %scan3A_331 = %scan3A_307 to %scan3A_309 step %scan3A_310 iter_args(%scan3A_332 = %scan3A_221#0, %scan3A_333 = %scan3A_221#1, %scan3A_334 = %scan3A_221#2, %scan3A_335 = %scan3A_221#3, %scan3A_336 = %scan3A_221#4, %scan3A_337 = %scan3A_221#5) -> (vector<16xf32>, vector<16xf32>, vector<16xf32>, vector<16xf32>, vector<16xf32>, vector<16xf32>)  : i32 {
        %mul3A_338 = arith.constant 2 : i32
        %mul3A_339 = arith.muli %mul3A_338, %scan3A_331 : i32
        %get3A = arith.constant 0 : i32
        %get3A_340 = arith.constant 0 : i32
        %get3A_341 = tpu.memref_slice %arg9[%scan3A_304, %get3A, %get3A_340] : memref<2x128x128xf32, #tpu.memory_space<vmem>> -> memref<1x128x128xf32, #tpu.memory_space<vmem>>
        %get3A_342 = tpu.memref_squeeze %get3A_341 : memref<1x128x128xf32, #tpu.memory_space<vmem>> -> memref<128x128xf32, #tpu.memory_space<vmem>>
        %get3A_343 = arith.index_cast %mul3A_339 : i32 to index
        %get3A_344 = arith.constant 0 : index
        %get3A_345 = tpu.vector_load %get3A_342[%get3A_343, %get3A_344] {strides = array<i32>} : memref<128x128xf32, #tpu.memory_space<vmem>>, vector<1x16xf32>,
        %get3A_346 = vector.shape_cast %get3A_345 : vector<1x16xf32> to vector<16xf32>
        %get3A_347 = arith.constant 0 : i32
        %get3A_348 = arith.constant 0 : i32
        %get3A_349 = tpu.memref_slice %arg10[%scan3A_305, %get3A_347, %get3A_348] : memref<2x128x128xf32, #tpu.memory_space<vmem>> -> memref<1x128x128xf32, #tpu.memory_space<vmem>>
        %get3A_350 = tpu.memref_squeeze %get3A_349 : memref<1x128x128xf32, #tpu.memory_space<vmem>> -> memref<128x128xf32, #tpu.memory_space<vmem>>
        %get3A_351 = arith.index_cast %mul3A_339 : i32 to index
        %get3A_352 = arith.constant 0 : index
        %get3A_353 = tpu.vector_load %get3A_350[%get3A_351, %get3A_352] {strides = array<i32>} : memref<128x128xf32, #tpu.memory_space<vmem>>, vector<1x16xf32>,
        %get3A_354 = vector.shape_cast %get3A_353 : vector<1x16xf32> to vector<16xf32>
        %mul3A_355 = arith.mulf %get3A_346, %get3A_354 : vector<16xf32>
        %mul3A_356 = arith.mulf %mul3A_355, %mul3A_355 : vector<16xf32>
        %mul3A_357 = arith.mulf %get3A_346, %get3A_346 : vector<16xf32>
        %add3A_358 = arith.addf %scan3A_332, %mul3A_357 : vector<16xf32>
        %add3A_359 = arith.addf %scan3A_334, %get3A_354 : vector<16xf32>
        %get3A_360 = arith.constant 0 : i32
        %get3A_361 = arith.constant 0 : i32
        %get3A_362 = tpu.memref_slice %arg9[%scan3A_304, %get3A_360, %get3A_361] : memref<2x128x128xf32, #tpu.memory_space<vmem>> -> memref<1x128x128xf32, #tpu.memory_space<vmem>>
        %get3A_363 = tpu.memref_squeeze %get3A_362 : memref<1x128x128xf32, #tpu.memory_space<vmem>> -> memref<128x128xf32, #tpu.memory_space<vmem>>
        %get3A_364 = arith.index_cast %mul3A_339 : i32 to index
        %get3A_365 = arith.constant 16 : index
        %get3A_366 = tpu.vector_load %get3A_363[%get3A_364, %get3A_365] {strides = array<i32>} : memref<128x128xf32, #tpu.memory_space<vmem>>, vector<1x16xf32>,
        %get3A_367 = vector.shape_cast %get3A_366 : vector<1x16xf32> to vector<16xf32>
        %get3A_368 = arith.constant 0 : i32
        %get3A_369 = arith.constant 0 : i32
        %get3A_370 = tpu.memref_slice %arg10[%scan3A_305, %get3A_368, %get3A_369] : memref<2x128x128xf32, #tpu.memory_space<vmem>> -> memref<1x128x128xf32, #tpu.memory_space<vmem>>
        %get3A_371 = tpu.memref_squeeze %get3A_370 : memref<1x128x128xf32, #tpu.memory_space<vmem>> -> memref<128x128xf32, #tpu.memory_space<vmem>>
        %get3A_372 = arith.index_cast %mul3A_339 : i32 to index
        %get3A_373 = arith.constant 16 : index
        %get3A_374 = tpu.vector_load %get3A_371[%get3A_372, %get3A_373] {strides = array<i32>} : memref<128x128xf32, #tpu.memory_space<vmem>>, vector<1x16xf32>,
        %get3A_375 = vector.shape_cast %get3A_374 : vector<1x16xf32> to vector<16xf32>
        %mul3A_376 = arith.mulf %get3A_367, %get3A_375 : vector<16xf32>
        %mul3A_377 = arith.mulf %mul3A_376, %mul3A_376 : vector<16xf32>
        %add3A_378 = arith.addf %mul3A_356, %mul3A_377 : vector<16xf32>
        %mul3A_379 = arith.mulf %get3A_367, %get3A_367 : vector<16xf32>
        %add3A_380 = arith.addf %add3A_358, %mul3A_379 : vector<16xf32>
        %add3A_381 = arith.addf %add3A_359, %get3A_375 : vector<16xf32>
        %get3A_382 = arith.constant 0 : i32
        %get3A_383 = arith.constant 0 : i32
        %get3A_384 = tpu.memref_slice %arg9[%scan3A_304, %get3A_382, %get3A_383] : memref<2x128x128xf32, #tpu.memory_space<vmem>> -> memref<1x128x128xf32, #tpu.memory_space<vmem>>
        %get3A_385 = tpu.memref_squeeze %get3A_384 : memref<1x128x128xf32, #tpu.memory_space<vmem>> -> memref<128x128xf32, #tpu.memory_space<vmem>>
        %get3A_386 = arith.index_cast %mul3A_339 : i32 to index
        %get3A_387 = arith.constant 32 : index
        %get3A_388 = tpu.vector_load %get3A_385[%get3A_386, %get3A_387] {strides = array<i32>} : memref<128x128xf32, #tpu.memory_space<vmem>>, vector<1x16xf32>,
        %get3A_389 = vector.shape_cast %get3A_388 : vector<1x16xf32> to vector<16xf32>
        %get3A_390 = arith.constant 0 : i32
        %get3A_391 = arith.constant 0 : i32
        %get3A_392 = tpu.memref_slice %arg10[%scan3A_305, %get3A_390, %get3A_391] : memref<2x128x128xf32, #tpu.memory_space<vmem>> -> memref<1x128x128xf32, #tpu.memory_space<vmem>>
        %get3A_393 = tpu.memref_squeeze %get3A_392 : memref<1x128x128xf32, #tpu.memory_space<vmem>> -> memref<128x128xf32, #tpu.memory_space<vmem>>
        %get3A_394 = arith.index_cast %mul3A_339 : i32 to index
        %get3A_395 = arith.constant 32 : index
        %get3A_396 = tpu.vector_load %get3A_393[%get3A_394, %get3A_395] {strides = array<i32>} : memref<128x128xf32, #tpu.memory_space<vmem>>, vector<1x16xf32>,
        %get3A_397 = vector.shape_cast %get3A_396 : vector<1x16xf32> to vector<16xf32>
        %mul3A_398 = arith.mulf %get3A_389, %get3A_397 : vector<16xf32>
        %mul3A_399 = arith.mulf %mul3A_398, %mul3A_398 : vector<16xf32>
        %add3A_400 = arith.addf %add3A_378, %mul3A_399 : vector<16xf32>
        %mul3A_401 = arith.mulf %get3A_389, %get3A_389 : vector<16xf32>
        %add3A_402 = arith.addf %add3A_380, %mul3A_401 : vector<16xf32>
        %add3A_403 = arith.addf %add3A_381, %get3A_397 : vector<16xf32>
        %get3A_404 = arith.constant 0 : i32
        %get3A_405 = arith.constant 0 : i32
        %get3A_406 = tpu.memref_slice %arg9[%scan3A_304, %get3A_404, %get3A_405] : memref<2x128x128xf32, #tpu.memory_space<vmem>> -> memref<1x128x128xf32, #tpu.memory_space<vmem>>
        %get3A_407 = tpu.memref_squeeze %get3A_406 : memref<1x128x128xf32, #tpu.memory_space<vmem>> -> memref<128x128xf32, #tpu.memory_space<vmem>>
        %get3A_408 = arith.index_cast %mul3A_339 : i32 to index
        %get3A_409 = arith.constant 48 : index
        %get3A_410 = tpu.vector_load %get3A_407[%get3A_408, %get3A_409] {strides = array<i32>} : memref<128x128xf32, #tpu.memory_space<vmem>>, vector<1x16xf32>,
        %get3A_411 = vector.shape_cast %get3A_410 : vector<1x16xf32> to vector<16xf32>
        %get3A_412 = arith.constant 0 : i32
        %get3A_413 = arith.constant 0 : i32
        %get3A_414 = tpu.memref_slice %arg10[%scan3A_305, %get3A_412, %get3A_413] : memref<2x128x128xf32, #tpu.memory_space<vmem>> -> memref<1x128x128xf32, #tpu.memory_space<vmem>>
        %get3A_415 = tpu.memref_squeeze %get3A_414 : memref<1x128x128xf32, #tpu.memory_space<vmem>> -> memref<128x128xf32, #tpu.memory_space<vmem>>
        %get3A_416 = arith.index_cast %mul3A_339 : i32 to index
        %get3A_417 = arith.constant 48 : index
        %get3A_418 = tpu.vector_load %get3A_415[%get3A_416, %get3A_417] {strides = array<i32>} : memref<128x128xf32, #tpu.memory_space<vmem>>, vector<1x16xf32>,
        %get3A_419 = vector.shape_cast %get3A_418 : vector<1x16xf32> to vector<16xf32>
        %mul3A_420 = arith.mulf %get3A_411, %get3A_419 : vector<16xf32>
        %mul3A_421 = arith.mulf %mul3A_420, %mul3A_420 : vector<16xf32>
        %add3A_422 = arith.addf %add3A_400, %mul3A_421 : vector<16xf32>
        %mul3A_423 = arith.mulf %get3A_411, %get3A_411 : vector<16xf32>
        %add3A_424 = arith.addf %add3A_402, %mul3A_423 : vector<16xf32>
        %add3A_425 = arith.addf %add3A_403, %get3A_419 : vector<16xf32>
        %get3A_426 = arith.constant 0 : i32
        %get3A_427 = arith.constant 0 : i32
        %get3A_428 = tpu.memref_slice %arg9[%scan3A_304, %get3A_426, %get3A_427] : memref<2x128x128xf32, #tpu.memory_space<vmem>> -> memref<1x128x128xf32, #tpu.memory_space<vmem>>
        %get3A_429 = tpu.memref_squeeze %get3A_428 : memref<1x128x128xf32, #tpu.memory_space<vmem>> -> memref<128x128xf32, #tpu.memory_space<vmem>>
        %get3A_430 = arith.index_cast %mul3A_339 : i32 to index
        %get3A_431 = arith.constant 64 : index
        %get3A_432 = tpu.vector_load %get3A_429[%get3A_430, %get3A_431] {strides = array<i32>} : memref<128x128xf32, #tpu.memory_space<vmem>>, vector<1x16xf32>,
        %get3A_433 = vector.shape_cast %get3A_432 : vector<1x16xf32> to vector<16xf32>
        %get3A_434 = arith.constant 0 : i32
        %get3A_435 = arith.constant 0 : i32
        %get3A_436 = tpu.memref_slice %arg10[%scan3A_305, %get3A_434, %get3A_435] : memref<2x128x128xf32, #tpu.memory_space<vmem>> -> memref<1x128x128xf32, #tpu.memory_space<vmem>>
        %get3A_437 = tpu.memref_squeeze %get3A_436 : memref<1x128x128xf32, #tpu.memory_space<vmem>> -> memref<128x128xf32, #tpu.memory_space<vmem>>
        %get3A_438 = arith.index_cast %mul3A_339 : i32 to index
        %get3A_439 = arith.constant 64 : index
        %get3A_440 = tpu.vector_load %get3A_437[%get3A_438, %get3A_439] {strides = array<i32>} : memref<128x128xf32, #tpu.memory_space<vmem>>, vector<1x16xf32>,
        %get3A_441 = vector.shape_cast %get3A_440 : vector<1x16xf32> to vector<16xf32>
        %mul3A_442 = arith.mulf %get3A_433, %get3A_441 : vector<16xf32>
        %mul3A_443 = arith.mulf %mul3A_442, %mul3A_442 : vector<16xf32>
        %add3A_444 = arith.addf %add3A_422, %mul3A_443 : vector<16xf32>
        %mul3A_445 = arith.mulf %get3A_433, %get3A_433 : vector<16xf32>
        %add3A_446 = arith.addf %add3A_424, %mul3A_445 : vector<16xf32>
        %add3A_447 = arith.addf %add3A_425, %get3A_441 : vector<16xf32>
        %get3A_448 = arith.constant 0 : i32
        %get3A_449 = arith.constant 0 : i32
        %get3A_450 = tpu.memref_slice %arg9[%scan3A_304, %get3A_448, %get3A_449] : memref<2x128x128xf32, #tpu.memory_space<vmem>> -> memref<1x128x128xf32, #tpu.memory_space<vmem>>
        %get3A_451 = tpu.memref_squeeze %get3A_450 : memref<1x128x128xf32, #tpu.memory_space<vmem>> -> memref<128x128xf32, #tpu.memory_space<vmem>>
        %get3A_452 = arith.index_cast %mul3A_339 : i32 to index
        %get3A_453 = arith.constant 80 : index
        %get3A_454 = tpu.vector_load %get3A_451[%get3A_452, %get3A_453] {strides = array<i32>} : memref<128x128xf32, #tpu.memory_space<vmem>>, vector<1x16xf32>,
        %get3A_455 = vector.shape_cast %get3A_454 : vector<1x16xf32> to vector<16xf32>
        %get3A_456 = arith.constant 0 : i32
        %get3A_457 = arith.constant 0 : i32
        %get3A_458 = tpu.memref_slice %arg10[%scan3A_305, %get3A_456, %get3A_457] : memref<2x128x128xf32, #tpu.memory_space<vmem>> -> memref<1x128x128xf32, #tpu.memory_space<vmem>>
        %get3A_459 = tpu.memref_squeeze %get3A_458 : memref<1x128x128xf32, #tpu.memory_space<vmem>> -> memref<128x128xf32, #tpu.memory_space<vmem>>
        %get3A_460 = arith.index_cast %mul3A_339 : i32 to index
        %get3A_461 = arith.constant 80 : index
        %get3A_462 = tpu.vector_load %get3A_459[%get3A_460, %get3A_461] {strides = array<i32>} : memref<128x128xf32, #tpu.memory_space<vmem>>, vector<1x16xf32>,
        %get3A_463 = vector.shape_cast %get3A_462 : vector<1x16xf32> to vector<16xf32>
        %mul3A_464 = arith.mulf %get3A_455, %get3A_463 : vector<16xf32>
        %mul3A_465 = arith.mulf %mul3A_464, %mul3A_464 : vector<16xf32>
        %add3A_466 = arith.addf %add3A_444, %mul3A_465 : vector<16xf32>
        %mul3A_467 = arith.mulf %get3A_455, %get3A_455 : vector<16xf32>
        %add3A_468 = arith.addf %add3A_446, %mul3A_467 : vector<16xf32>
        %add3A_469 = arith.addf %add3A_447, %get3A_463 : vector<16xf32>
        %get3A_470 = arith.constant 0 : i32
        %get3A_471 = arith.constant 0 : i32
        %get3A_472 = tpu.memref_slice %arg9[%scan3A_304, %get3A_470, %get3A_471] : memref<2x128x128xf32, #tpu.memory_space<vmem>> -> memref<1x128x128xf32, #tpu.memory_space<vmem>>
        %get3A_473 = tpu.memref_squeeze %get3A_472 : memref<1x128x128xf32, #tpu.memory_space<vmem>> -> memref<128x128xf32, #tpu.memory_space<vmem>>
        %get3A_474 = arith.index_cast %mul3A_339 : i32 to index
        %get3A_475 = arith.constant 96 : index
        %get3A_476 = tpu.vector_load %get3A_473[%get3A_474, %get3A_475] {strides = array<i32>} : memref<128x128xf32, #tpu.memory_space<vmem>>, vector<1x16xf32>,
        %get3A_477 = vector.shape_cast %get3A_476 : vector<1x16xf32> to vector<16xf32>
        %get3A_478 = arith.constant 0 : i32
        %get3A_479 = arith.constant 0 : i32
        %get3A_480 = tpu.memref_slice %arg10[%scan3A_305, %get3A_478, %get3A_479] : memref<2x128x128xf32, #tpu.memory_space<vmem>> -> memref<1x128x128xf32, #tpu.memory_space<vmem>>
        %get3A_481 = tpu.memref_squeeze %get3A_480 : memref<1x128x128xf32, #tpu.memory_space<vmem>> -> memref<128x128xf32, #tpu.memory_space<vmem>>
        %get3A_482 = arith.index_cast %mul3A_339 : i32 to index
        %get3A_483 = arith.constant 96 : index
        %get3A_484 = tpu.vector_load %get3A_481[%get3A_482, %get3A_483] {strides = array<i32>} : memref<128x128xf32, #tpu.memory_space<vmem>>, vector<1x16xf32>,
        %get3A_485 = vector.shape_cast %get3A_484 : vector<1x16xf32> to vector<16xf32>
        %mul3A_486 = arith.mulf %get3A_477, %get3A_485 : vector<16xf32>
        %mul3A_487 = arith.mulf %mul3A_486, %mul3A_486 : vector<16xf32>
        %add3A_488 = arith.addf %add3A_466, %mul3A_487 : vector<16xf32>
        %mul3A_489 = arith.mulf %get3A_477, %get3A_477 : vector<16xf32>
        %add3A_490 = arith.addf %add3A_468, %mul3A_489 : vector<16xf32>
        %add3A_491 = arith.addf %add3A_469, %get3A_485 : vector<16xf32>
        %get3A_492 = arith.constant 0 : i32
        %get3A_493 = arith.constant 0 : i32
        %get3A_494 = tpu.memref_slice %arg9[%scan3A_304, %get3A_492, %get3A_493] : memref<2x128x128xf32, #tpu.memory_space<vmem>> -> memref<1x128x128xf32, #tpu.memory_space<vmem>>
        %get3A_495 = tpu.memref_squeeze %get3A_494 : memref<1x128x128xf32, #tpu.memory_space<vmem>> -> memref<128x128xf32, #tpu.memory_space<vmem>>
        %get3A_496 = arith.index_cast %mul3A_339 : i32 to index
        %get3A_497 = arith.constant 112 : index
        %get3A_498 = tpu.vector_load %get3A_495[%get3A_496, %get3A_497] {strides = array<i32>} : memref<128x128xf32, #tpu.memory_space<vmem>>, vector<1x16xf32>,
        %get3A_499 = vector.shape_cast %get3A_498 : vector<1x16xf32> to vector<16xf32>
        %get3A_500 = arith.constant 0 : i32
        %get3A_501 = arith.constant 0 : i32
        %get3A_502 = tpu.memref_slice %arg10[%scan3A_305, %get3A_500, %get3A_501] : memref<2x128x128xf32, #tpu.memory_space<vmem>> -> memref<1x128x128xf32, #tpu.memory_space<vmem>>
        %get3A_503 = tpu.memref_squeeze %get3A_502 : memref<1x128x128xf32, #tpu.memory_space<vmem>> -> memref<128x128xf32, #tpu.memory_space<vmem>>
        %get3A_504 = arith.index_cast %mul3A_339 : i32 to index
        %get3A_505 = arith.constant 112 : index
        %get3A_506 = tpu.vector_load %get3A_503[%get3A_504, %get3A_505] {strides = array<i32>} : memref<128x128xf32, #tpu.memory_space<vmem>>, vector<1x16xf32>,
        %get3A_507 = vector.shape_cast %get3A_506 : vector<1x16xf32> to vector<16xf32>
        %mul3A_508 = arith.mulf %get3A_499, %get3A_507 : vector<16xf32>
        %mul3A_509 = arith.mulf %mul3A_508, %mul3A_508 : vector<16xf32>
        %add3A_510 = arith.addf %add3A_488, %mul3A_509 : vector<16xf32>
        %mul3A_511 = arith.mulf %get3A_499, %get3A_499 : vector<16xf32>
        %add3A_512 = arith.addf %add3A_490, %mul3A_511 : vector<16xf32>
        %add3A_513 = arith.addf %add3A_491, %get3A_507 : vector<16xf32>
        %gather3A = vector.shape_cast %reshape3A : vector<16x1xi32> to vector<16xi32>
        %gather3A_514 = tpu.dynamic_gather %add3A_510[%gather3A] in [0] : vector<16xf32>, vector<16xi32> -> vector<16xf32>
        %add3A_515 = arith.addf %add3A_510, %gather3A_514 : vector<16xf32>
        %gather3A_516 = vector.shape_cast %reshape3A_16 : vector<16x1xi32> to vector<16xi32>
        %gather3A_517 = tpu.dynamic_gather %add3A_515[%gather3A_516] in [0] : vector<16xf32>, vector<16xi32> -> vector<16xf32>
        %add3A_518 = arith.addf %add3A_515, %gather3A_517 : vector<16xf32>
        %gather3A_519 = vector.shape_cast %reshape3A_20 : vector<16x1xi32> to vector<16xi32>
        %gather3A_520 = tpu.dynamic_gather %add3A_518[%gather3A_519] in [0] : vector<16xf32>, vector<16xi32> -> vector<16xf32>
        %add3A_521 = arith.addf %add3A_518, %gather3A_520 : vector<16xf32>
        %gather3A_522 = vector.shape_cast %reshape3A_24 : vector<16x1xi32> to vector<16xi32>
        %gather3A_523 = tpu.dynamic_gather %add3A_521[%gather3A_522] in [0] : vector<16xf32>, vector<16xi32> -> vector<16xf32>
        %add3A_524 = arith.addf %add3A_521, %gather3A_523 : vector<16xf32>
        %mul3A_525 = arith.constant 5.000000e-01 : f32
        %mul3A_526 = vector.broadcast %mul3A_525 : f32 to vector<16xf32>
        %mul3A_527 = arith.mulf %add3A_524, %mul3A_526 : vector<16xf32>
        %bitcast_convert_type3A = tpu.bitcast %add3A_524 : vector<16xf32> -> vector<16xi32>
        %shift_right_arithmetic3A = arith.constant 1 : i32
        %shift_right_arithmetic3A_528 = vector.broadcast %shift_right_arithmetic3A : i32 to vector<16xi32>
        %shift_right_arithmetic3A_529 = arith.shrsi %bitcast_convert_type3A, %shift_right_arithmetic3A_528 : vector<16xi32>
        %sub3A = arith.constant 1597463007 : i32
        %sub3A_530 = vector.broadcast %sub3A : i32 to vector<16xi32>
        %sub3A_531 = arith.subi %sub3A_530, %shift_right_arithmetic3A_529 : vector<16xi32>
        %bitcast_convert_type3A_532 = tpu.bitcast %sub3A_531 : vector<16xi32> -> vector<16xf32>
        %mul3A_533 = arith.mulf %mul3A_527, %bitcast_convert_type3A_532 : vector<16xf32>
        %mul3A_534 = arith.mulf %mul3A_533, %bitcast_convert_type3A_532 : vector<16xf32>
        %sub3A_535 = arith.constant 1.500000e+00 : f32
        %sub3A_536 = vector.broadcast %sub3A_535 : f32 to vector<16xf32>
        %sub3A_537 = arith.subf %sub3A_536, %mul3A_534 : vector<16xf32>
        %mul3A_538 = arith.mulf %bitcast_convert_type3A_532, %sub3A_537 : vector<16xf32>
        %mul3A_539 = arith.mulf %mul3A_527, %mul3A_538 : vector<16xf32>
        %mul3A_540 = arith.mulf %mul3A_539, %mul3A_538 : vector<16xf32>
        %sub3A_541 = arith.constant 1.500000e+00 : f32
        %sub3A_542 = vector.broadcast %sub3A_541 : f32 to vector<16xf32>
        %sub3A_543 = arith.subf %sub3A_542, %mul3A_540 : vector<16xf32>
        %mul3A_544 = arith.mulf %mul3A_538, %sub3A_543 : vector<16xf32>
        %mul3A_545 = arith.mulf %mul3A_355, %mul3A_544 : vector<16xf32>
        %swap3A_546 = arith.constant 0 : i32
        %swap3A_547 = arith.constant 0 : i32
        %swap3A_548 = tpu.memref_slice %arg11[%scan3A_306, %swap3A_546, %swap3A_547] : memref<2x128x128xf32, #tpu.memory_space<vmem>> -> memref<1x128x128xf32, #tpu.memory_space<vmem>>
        %swap3A_549 = tpu.memref_squeeze %swap3A_548 : memref<1x128x128xf32, #tpu.memory_space<vmem>> -> memref<128x128xf32, #tpu.memory_space<vmem>>
        %swap3A_550 = arith.index_cast %mul3A_339 : i32 to index
        %swap3A_551 = arith.constant 0 : index
        %swap3A_552 = tpu.vector_load %swap3A_549[%swap3A_550, %swap3A_551] {strides = array<i32>} : memref<128x128xf32, #tpu.memory_space<vmem>>, vector<1x16xf32>,
        %swap3A_553 = vector.shape_cast %swap3A_552 : vector<1x16xf32> to vector<16xf32>
        %swap3A_554 = vector.shape_cast %mul3A_545 : vector<16xf32> to vector<1x16xf32>
        tpu.vector_store %swap3A_549[%swap3A_550, %swap3A_551], %swap3A_554 {strides = array<i32>} : memref<128x128xf32, #tpu.memory_space<vmem>>, vector<1x16xf32>,
        %mul3A_555 = arith.mulf %mul3A_376, %mul3A_544 : vector<16xf32>
        %swap3A_556 = arith.constant 0 : i32
        %swap3A_557 = arith.constant 0 : i32
        %swap3A_558 = tpu.memref_slice %arg11[%scan3A_306, %swap3A_556, %swap3A_557] : memref<2x128x128xf32, #tpu.memory_space<vmem>> -> memref<1x128x128xf32, #tpu.memory_space<vmem>>
        %swap3A_559 = tpu.memref_squeeze %swap3A_558 : memref<1x128x128xf32, #tpu.memory_space<vmem>> -> memref<128x128xf32, #tpu.memory_space<vmem>>
        %swap3A_560 = arith.index_cast %mul3A_339 : i32 to index
        %swap3A_561 = arith.constant 16 : index
        %swap3A_562 = tpu.vector_load %swap3A_559[%swap3A_560, %swap3A_561] {strides = array<i32>} : memref<128x128xf32, #tpu.memory_space<vmem>>, vector<1x16xf32>,
        %swap3A_563 = vector.shape_cast %swap3A_562 : vector<1x16xf32> to vector<16xf32>
        %swap3A_564 = vector.shape_cast %mul3A_555 : vector<16xf32> to vector<1x16xf32>
        tpu.vector_store %swap3A_559[%swap3A_560, %swap3A_561], %swap3A_564 {strides = array<i32>} : memref<128x128xf32, #tpu.memory_space<vmem>>, vector<1x16xf32>,
        %mul3A_565 = arith.mulf %mul3A_398, %mul3A_544 : vector<16xf32>
        %swap3A_566 = arith.constant 0 : i32
        %swap3A_567 = arith.constant 0 : i32
        %swap3A_568 = tpu.memref_slice %arg11[%scan3A_306, %swap3A_566, %swap3A_567] : memref<2x128x128xf32, #tpu.memory_space<vmem>> -> memref<1x128x128xf32, #tpu.memory_space<vmem>>
        %swap3A_569 = tpu.memref_squeeze %swap3A_568 : memref<1x128x128xf32, #tpu.memory_space<vmem>> -> memref<128x128xf32, #tpu.memory_space<vmem>>
        %swap3A_570 = arith.index_cast %mul3A_339 : i32 to index
        %swap3A_571 = arith.constant 32 : index
        %swap3A_572 = tpu.vector_load %swap3A_569[%swap3A_570, %swap3A_571] {strides = array<i32>} : memref<128x128xf32, #tpu.memory_space<vmem>>, vector<1x16xf32>,
        %swap3A_573 = vector.shape_cast %swap3A_572 : vector<1x16xf32> to vector<16xf32>
        %swap3A_574 = vector.shape_cast %mul3A_565 : vector<16xf32> to vector<1x16xf32>
        tpu.vector_store %swap3A_569[%swap3A_570, %swap3A_571], %swap3A_574 {strides = array<i32>} : memref<128x128xf32, #tpu.memory_space<vmem>>, vector<1x16xf32>,
        %mul3A_575 = arith.mulf %mul3A_420, %mul3A_544 : vector<16xf32>
        %swap3A_576 = arith.constant 0 : i32
        %swap3A_577 = arith.constant 0 : i32
        %swap3A_578 = tpu.memref_slice %arg11[%scan3A_306, %swap3A_576, %swap3A_577] : memref<2x128x128xf32, #tpu.memory_space<vmem>> -> memref<1x128x128xf32, #tpu.memory_space<vmem>>
        %swap3A_579 = tpu.memref_squeeze %swap3A_578 : memref<1x128x128xf32, #tpu.memory_space<vmem>> -> memref<128x128xf32, #tpu.memory_space<vmem>>
        %swap3A_580 = arith.index_cast %mul3A_339 : i32 to index
        %swap3A_581 = arith.constant 48 : index
        %swap3A_582 = tpu.vector_load %swap3A_579[%swap3A_580, %swap3A_581] {strides = array<i32>} : memref<128x128xf32, #tpu.memory_space<vmem>>, vector<1x16xf32>,
        %swap3A_583 = vector.shape_cast %swap3A_582 : vector<1x16xf32> to vector<16xf32>
        %swap3A_584 = vector.shape_cast %mul3A_575 : vector<16xf32> to vector<1x16xf32>
        tpu.vector_store %swap3A_579[%swap3A_580, %swap3A_581], %swap3A_584 {strides = array<i32>} : memref<128x128xf32, #tpu.memory_space<vmem>>, vector<1x16xf32>,
        %mul3A_585 = arith.mulf %mul3A_442, %mul3A_544 : vector<16xf32>
        %swap3A_586 = arith.constant 0 : i32
        %swap3A_587 = arith.constant 0 : i32
        %swap3A_588 = tpu.memref_slice %arg11[%scan3A_306, %swap3A_586, %swap3A_587] : memref<2x128x128xf32, #tpu.memory_space<vmem>> -> memref<1x128x128xf32, #tpu.memory_space<vmem>>
        %swap3A_589 = tpu.memref_squeeze %swap3A_588 : memref<1x128x128xf32, #tpu.memory_space<vmem>> -> memref<128x128xf32, #tpu.memory_space<vmem>>
        %swap3A_590 = arith.index_cast %mul3A_339 : i32 to index
        %swap3A_591 = arith.constant 64 : index
        %swap3A_592 = tpu.vector_load %swap3A_589[%swap3A_590, %swap3A_591] {strides = array<i32>} : memref<128x128xf32, #tpu.memory_space<vmem>>, vector<1x16xf32>,
        %swap3A_593 = vector.shape_cast %swap3A_592 : vector<1x16xf32> to vector<16xf32>
        %swap3A_594 = vector.shape_cast %mul3A_585 : vector<16xf32> to vector<1x16xf32>
        tpu.vector_store %swap3A_589[%swap3A_590, %swap3A_591], %swap3A_594 {strides = array<i32>} : memref<128x128xf32, #tpu.memory_space<vmem>>, vector<1x16xf32>,
        %mul3A_595 = arith.mulf %mul3A_464, %mul3A_544 : vector<16xf32>
        %swap3A_596 = arith.constant 0 : i32
        %swap3A_597 = arith.constant 0 : i32
        %swap3A_598 = tpu.memref_slice %arg11[%scan3A_306, %swap3A_596, %swap3A_597] : memref<2x128x128xf32, #tpu.memory_space<vmem>> -> memref<1x128x128xf32, #tpu.memory_space<vmem>>
        %swap3A_599 = tpu.memref_squeeze %swap3A_598 : memref<1x128x128xf32, #tpu.memory_space<vmem>> -> memref<128x128xf32, #tpu.memory_space<vmem>>
        %swap3A_600 = arith.index_cast %mul3A_339 : i32 to index
        %swap3A_601 = arith.constant 80 : index
        %swap3A_602 = tpu.vector_load %swap3A_599[%swap3A_600, %swap3A_601] {strides = array<i32>} : memref<128x128xf32, #tpu.memory_space<vmem>>, vector<1x16xf32>,
        %swap3A_603 = vector.shape_cast %swap3A_602 : vector<1x16xf32> to vector<16xf32>
        %swap3A_604 = vector.shape_cast %mul3A_595 : vector<16xf32> to vector<1x16xf32>
        tpu.vector_store %swap3A_599[%swap3A_600, %swap3A_601], %swap3A_604 {strides = array<i32>} : memref<128x128xf32, #tpu.memory_space<vmem>>, vector<1x16xf32>,
        %mul3A_605 = arith.mulf %mul3A_486, %mul3A_544 : vector<16xf32>
        %swap3A_606 = arith.constant 0 : i32
        %swap3A_607 = arith.constant 0 : i32
        %swap3A_608 = tpu.memref_slice %arg11[%scan3A_306, %swap3A_606, %swap3A_607] : memref<2x128x128xf32, #tpu.memory_space<vmem>> -> memref<1x128x128xf32, #tpu.memory_space<vmem>>
        %swap3A_609 = tpu.memref_squeeze %swap3A_608 : memref<1x128x128xf32, #tpu.memory_space<vmem>> -> memref<128x128xf32, #tpu.memory_space<vmem>>
        %swap3A_610 = arith.index_cast %mul3A_339 : i32 to index
        %swap3A_611 = arith.constant 96 : index
        %swap3A_612 = tpu.vector_load %swap3A_609[%swap3A_610, %swap3A_611] {strides = array<i32>} : memref<128x128xf32, #tpu.memory_space<vmem>>, vector<1x16xf32>,
        %swap3A_613 = vector.shape_cast %swap3A_612 : vector<1x16xf32> to vector<16xf32>
        %swap3A_614 = vector.shape_cast %mul3A_605 : vector<16xf32> to vector<1x16xf32>
        tpu.vector_store %swap3A_609[%swap3A_610, %swap3A_611], %swap3A_614 {strides = array<i32>} : memref<128x128xf32, #tpu.memory_space<vmem>>, vector<1x16xf32>,
        %mul3A_615 = arith.mulf %mul3A_508, %mul3A_544 : vector<16xf32>
        %swap3A_616 = arith.constant 0 : i32
        %swap3A_617 = arith.constant 0 : i32
        %swap3A_618 = tpu.memref_slice %arg11[%scan3A_306, %swap3A_616, %swap3A_617] : memref<2x128x128xf32, #tpu.memory_space<vmem>> -> memref<1x128x128xf32, #tpu.memory_space<vmem>>
        %swap3A_619 = tpu.memref_squeeze %swap3A_618 : memref<1x128x128xf32, #tpu.memory_space<vmem>> -> memref<128x128xf32, #tpu.memory_space<vmem>>
        %swap3A_620 = arith.index_cast %mul3A_339 : i32 to index
        %swap3A_621 = arith.constant 112 : index
        %swap3A_622 = tpu.vector_load %swap3A_619[%swap3A_620, %swap3A_621] {strides = array<i32>} : memref<128x128xf32, #tpu.memory_space<vmem>>, vector<1x16xf32>,
        %swap3A_623 = vector.shape_cast %swap3A_622 : vector<1x16xf32> to vector<16xf32>
        %swap3A_624 = vector.shape_cast %mul3A_615 : vector<16xf32> to vector<1x16xf32>
        tpu.vector_store %swap3A_619[%swap3A_620, %swap3A_621], %swap3A_624 {strides = array<i32>} : memref<128x128xf32, #tpu.memory_space<vmem>>, vector<1x16xf32>,
        %mul3A_625 = arith.mulf %add3A_524, %mul3A_544 : vector<16xf32>
        %mul3A_626 = arith.mulf %mul3A_625, %mul3A_544 : vector<16xf32>
        %add3A_627 = arith.addf %scan3A_336, %mul3A_626 : vector<16xf32>
        %add3A_628 = arith.constant 1 : i32
        %add3A_629 = arith.addi %mul3A_339, %add3A_628 : i32
        %get3A_630 = arith.constant 0 : i32
        %get3A_631 = arith.constant 0 : i32
        %get3A_632 = tpu.memref_slice %arg9[%scan3A_304, %get3A_630, %get3A_631] : memref<2x128x128xf32, #tpu.memory_space<vmem>> -> memref<1x128x128xf32, #tpu.memory_space<vmem>>
        %get3A_633 = tpu.memref_squeeze %get3A_632 : memref<1x128x128xf32, #tpu.memory_space<vmem>> -> memref<128x128xf32, #tpu.memory_space<vmem>>
        %get3A_634 = arith.index_cast %add3A_629 : i32 to index
        %get3A_635 = arith.constant 0 : index
        %get3A_636 = tpu.vector_load %get3A_633[%get3A_634, %get3A_635] {strides = array<i32>} : memref<128x128xf32, #tpu.memory_space<vmem>>, vector<1x16xf32>,
        %get3A_637 = vector.shape_cast %get3A_636 : vector<1x16xf32> to vector<16xf32>
        %get3A_638 = arith.constant 0 : i32
        %get3A_639 = arith.constant 0 : i32
        %get3A_640 = tpu.memref_slice %arg10[%scan3A_305, %get3A_638, %get3A_639] : memref<2x128x128xf32, #tpu.memory_space<vmem>> -> memref<1x128x128xf32, #tpu.memory_space<vmem>>
        %get3A_641 = tpu.memref_squeeze %get3A_640 : memref<1x128x128xf32, #tpu.memory_space<vmem>> -> memref<128x128xf32, #tpu.memory_space<vmem>>
        %get3A_642 = arith.index_cast %add3A_629 : i32 to index
        %get3A_643 = arith.constant 0 : index
        %get3A_644 = tpu.vector_load %get3A_641[%get3A_642, %get3A_643] {strides = array<i32>} : memref<128x128xf32, #tpu.memory_space<vmem>>, vector<1x16xf32>,
        %get3A_645 = vector.shape_cast %get3A_644 : vector<1x16xf32> to vector<16xf32>
        %mul3A_646 = arith.mulf %get3A_637, %get3A_645 : vector<16xf32>
        %mul3A_647 = arith.mulf %mul3A_646, %mul3A_646 : vector<16xf32>
        %mul3A_648 = arith.mulf %get3A_637, %get3A_637 : vector<16xf32>
        %add3A_649 = arith.addf %scan3A_333, %mul3A_648 : vector<16xf32>
        %add3A_650 = arith.addf %scan3A_335, %get3A_645 : vector<16xf32>
        %get3A_651 = arith.constant 0 : i32
        %get3A_652 = arith.constant 0 : i32
        %get3A_653 = tpu.memref_slice %arg9[%scan3A_304, %get3A_651, %get3A_652] : memref<2x128x128xf32, #tpu.memory_space<vmem>> -> memref<1x128x128xf32, #tpu.memory_space<vmem>>
        %get3A_654 = tpu.memref_squeeze %get3A_653 : memref<1x128x128xf32, #tpu.memory_space<vmem>> -> memref<128x128xf32, #tpu.memory_space<vmem>>
        %get3A_655 = arith.index_cast %add3A_629 : i32 to index
        %get3A_656 = arith.constant 16 : index
        %get3A_657 = tpu.vector_load %get3A_654[%get3A_655, %get3A_656] {strides = array<i32>} : memref<128x128xf32, #tpu.memory_space<vmem>>, vector<1x16xf32>,
        %get3A_658 = vector.shape_cast %get3A_657 : vector<1x16xf32> to vector<16xf32>
        %get3A_659 = arith.constant 0 : i32
        %get3A_660 = arith.constant 0 : i32
        %get3A_661 = tpu.memref_slice %arg10[%scan3A_305, %get3A_659, %get3A_660] : memref<2x128x128xf32, #tpu.memory_space<vmem>> -> memref<1x128x128xf32, #tpu.memory_space<vmem>>
        %get3A_662 = tpu.memref_squeeze %get3A_661 : memref<1x128x128xf32, #tpu.memory_space<vmem>> -> memref<128x128xf32, #tpu.memory_space<vmem>>
        %get3A_663 = arith.index_cast %add3A_629 : i32 to index
        %get3A_664 = arith.constant 16 : index
        %get3A_665 = tpu.vector_load %get3A_662[%get3A_663, %get3A_664] {strides = array<i32>} : memref<128x128xf32, #tpu.memory_space<vmem>>, vector<1x16xf32>,
        %get3A_666 = vector.shape_cast %get3A_665 : vector<1x16xf32> to vector<16xf32>
        %mul3A_667 = arith.mulf %get3A_658, %get3A_666 : vector<16xf32>
        %mul3A_668 = arith.mulf %mul3A_667, %mul3A_667 : vector<16xf32>
        %add3A_669 = arith.addf %mul3A_647, %mul3A_668 : vector<16xf32>
        %mul3A_670 = arith.mulf %get3A_658, %get3A_658 : vector<16xf32>
        %add3A_671 = arith.addf %add3A_649, %mul3A_670 : vector<16xf32>
        %add3A_672 = arith.addf %add3A_650, %get3A_666 : vector<16xf32>
        %get3A_673 = arith.constant 0 : i32
        %get3A_674 = arith.constant 0 : i32
        %get3A_675 = tpu.memref_slice %arg9[%scan3A_304, %get3A_673, %get3A_674] : memref<2x128x128xf32, #tpu.memory_space<vmem>> -> memref<1x128x128xf32, #tpu.memory_space<vmem>>
        %get3A_676 = tpu.memref_squeeze %get3A_675 : memref<1x128x128xf32, #tpu.memory_space<vmem>> -> memref<128x128xf32, #tpu.memory_space<vmem>>
        %get3A_677 = arith.index_cast %add3A_629 : i32 to index
        %get3A_678 = arith.constant 32 : index
        %get3A_679 = tpu.vector_load %get3A_676[%get3A_677, %get3A_678] {strides = array<i32>} : memref<128x128xf32, #tpu.memory_space<vmem>>, vector<1x16xf32>,
        %get3A_680 = vector.shape_cast %get3A_679 : vector<1x16xf32> to vector<16xf32>
        %get3A_681 = arith.constant 0 : i32
        %get3A_682 = arith.constant 0 : i32
        %get3A_683 = tpu.memref_slice %arg10[%scan3A_305, %get3A_681, %get3A_682] : memref<2x128x128xf32, #tpu.memory_space<vmem>> -> memref<1x128x128xf32, #tpu.memory_space<vmem>>
        %get3A_684 = tpu.memref_squeeze %get3A_683 : memref<1x128x128xf32, #tpu.memory_space<vmem>> -> memref<128x128xf32, #tpu.memory_space<vmem>>
        %get3A_685 = arith.index_cast %add3A_629 : i32 to index
        %get3A_686 = arith.constant 32 : index
        %get3A_687 = tpu.vector_load %get3A_684[%get3A_685, %get3A_686] {strides = array<i32>} : memref<128x128xf32, #tpu.memory_space<vmem>>, vector<1x16xf32>,
        %get3A_688 = vector.shape_cast %get3A_687 : vector<1x16xf32> to vector<16xf32>
        %mul3A_689 = arith.mulf %get3A_680, %get3A_688 : vector<16xf32>
        %mul3A_690 = arith.mulf %mul3A_689, %mul3A_689 : vector<16xf32>
        %add3A_691 = arith.addf %add3A_669, %mul3A_690 : vector<16xf32>
        %mul3A_692 = arith.mulf %get3A_680, %get3A_680 : vector<16xf32>
        %add3A_693 = arith.addf %add3A_671, %mul3A_692 : vector<16xf32>
        %add3A_694 = arith.addf %add3A_672, %get3A_688 : vector<16xf32>
        %get3A_695 = arith.constant 0 : i32
        %get3A_696 = arith.constant 0 : i32
        %get3A_697 = tpu.memref_slice %arg9[%scan3A_304, %get3A_695, %get3A_696] : memref<2x128x128xf32, #tpu.memory_space<vmem>> -> memref<1x128x128xf32, #tpu.memory_space<vmem>>
        %get3A_698 = tpu.memref_squeeze %get3A_697 : memref<1x128x128xf32, #tpu.memory_space<vmem>> -> memref<128x128xf32, #tpu.memory_space<vmem>>
        %get3A_699 = arith.index_cast %add3A_629 : i32 to index
        %get3A_700 = arith.constant 48 : index
        %get3A_701 = tpu.vector_load %get3A_698[%get3A_699, %get3A_700] {strides = array<i32>} : memref<128x128xf32, #tpu.memory_space<vmem>>, vector<1x16xf32>,
        %get3A_702 = vector.shape_cast %get3A_701 : vector<1x16xf32> to vector<16xf32>
        %get3A_703 = arith.constant 0 : i32
        %get3A_704 = arith.constant 0 : i32
        %get3A_705 = tpu.memref_slice %arg10[%scan3A_305, %get3A_703, %get3A_704] : memref<2x128x128xf32, #tpu.memory_space<vmem>> -> memref<1x128x128xf32, #tpu.memory_space<vmem>>
        %get3A_706 = tpu.memref_squeeze %get3A_705 : memref<1x128x128xf32, #tpu.memory_space<vmem>> -> memref<128x128xf32, #tpu.memory_space<vmem>>
        %get3A_707 = arith.index_cast %add3A_629 : i32 to index
        %get3A_708 = arith.constant 48 : index
        %get3A_709 = tpu.vector_load %get3A_706[%get3A_707, %get3A_708] {strides = array<i32>} : memref<128x128xf32, #tpu.memory_space<vmem>>, vector<1x16xf32>,
        %get3A_710 = vector.shape_cast %get3A_709 : vector<1x16xf32> to vector<16xf32>
        %mul3A_711 = arith.mulf %get3A_702, %get3A_710 : vector<16xf32>
        %mul3A_712 = arith.mulf %mul3A_711, %mul3A_711 : vector<16xf32>
        %add3A_713 = arith.addf %add3A_691, %mul3A_712 : vector<16xf32>
        %mul3A_714 = arith.mulf %get3A_702, %get3A_702 : vector<16xf32>
        %add3A_715 = arith.addf %add3A_693, %mul3A_714 : vector<16xf32>
        %add3A_716 = arith.addf %add3A_694, %get3A_710 : vector<16xf32>
        %get3A_717 = arith.constant 0 : i32
        %get3A_718 = arith.constant 0 : i32
        %get3A_719 = tpu.memref_slice %arg9[%scan3A_304, %get3A_717, %get3A_718] : memref<2x128x128xf32, #tpu.memory_space<vmem>> -> memref<1x128x128xf32, #tpu.memory_space<vmem>>
        %get3A_720 = tpu.memref_squeeze %get3A_719 : memref<1x128x128xf32, #tpu.memory_space<vmem>> -> memref<128x128xf32, #tpu.memory_space<vmem>>
        %get3A_721 = arith.index_cast %add3A_629 : i32 to index
        %get3A_722 = arith.constant 64 : index
        %get3A_723 = tpu.vector_load %get3A_720[%get3A_721, %get3A_722] {strides = array<i32>} : memref<128x128xf32, #tpu.memory_space<vmem>>, vector<1x16xf32>,
        %get3A_724 = vector.shape_cast %get3A_723 : vector<1x16xf32> to vector<16xf32>
        %get3A_725 = arith.constant 0 : i32
        %get3A_726 = arith.constant 0 : i32
        %get3A_727 = tpu.memref_slice %arg10[%scan3A_305, %get3A_725, %get3A_726] : memref<2x128x128xf32, #tpu.memory_space<vmem>> -> memref<1x128x128xf32, #tpu.memory_space<vmem>>
        %get3A_728 = tpu.memref_squeeze %get3A_727 : memref<1x128x128xf32, #tpu.memory_space<vmem>> -> memref<128x128xf32, #tpu.memory_space<vmem>>
        %get3A_729 = arith.index_cast %add3A_629 : i32 to index
        %get3A_730 = arith.constant 64 : index
        %get3A_731 = tpu.vector_load %get3A_728[%get3A_729, %get3A_730] {strides = array<i32>} : memref<128x128xf32, #tpu.memory_space<vmem>>, vector<1x16xf32>,
        %get3A_732 = vector.shape_cast %get3A_731 : vector<1x16xf32> to vector<16xf32>
        %mul3A_733 = arith.mulf %get3A_724, %get3A_732 : vector<16xf32>
        %mul3A_734 = arith.mulf %mul3A_733, %mul3A_733 : vector<16xf32>
        %add3A_735 = arith.addf %add3A_713, %mul3A_734 : vector<16xf32>
        %mul3A_736 = arith.mulf %get3A_724, %get3A_724 : vector<16xf32>
        %add3A_737 = arith.addf %add3A_715, %mul3A_736 : vector<16xf32>
        %add3A_738 = arith.addf %add3A_716, %get3A_732 : vector<16xf32>
        %get3A_739 = arith.constant 0 : i32
        %get3A_740 = arith.constant 0 : i32
        %get3A_741 = tpu.memref_slice %arg9[%scan3A_304, %get3A_739, %get3A_740] : memref<2x128x128xf32, #tpu.memory_space<vmem>> -> memref<1x128x128xf32, #tpu.memory_space<vmem>>
        %get3A_742 = tpu.memref_squeeze %get3A_741 : memref<1x128x128xf32, #tpu.memory_space<vmem>> -> memref<128x128xf32, #tpu.memory_space<vmem>>
        %get3A_743 = arith.index_cast %add3A_629 : i32 to index
        %get3A_744 = arith.constant 80 : index
        %get3A_745 = tpu.vector_load %get3A_742[%get3A_743, %get3A_744] {strides = array<i32>} : memref<128x128xf32, #tpu.memory_space<vmem>>, vector<1x16xf32>,
        %get3A_746 = vector.shape_cast %get3A_745 : vector<1x16xf32> to vector<16xf32>
        %get3A_747 = arith.constant 0 : i32
        %get3A_748 = arith.constant 0 : i32
        %get3A_749 = tpu.memref_slice %arg10[%scan3A_305, %get3A_747, %get3A_748] : memref<2x128x128xf32, #tpu.memory_space<vmem>> -> memref<1x128x128xf32, #tpu.memory_space<vmem>>
        %get3A_750 = tpu.memref_squeeze %get3A_749 : memref<1x128x128xf32, #tpu.memory_space<vmem>> -> memref<128x128xf32, #tpu.memory_space<vmem>>
        %get3A_751 = arith.index_cast %add3A_629 : i32 to index
        %get3A_752 = arith.constant 80 : index
        %get3A_753 = tpu.vector_load %get3A_750[%get3A_751, %get3A_752] {strides = array<i32>} : memref<128x128xf32, #tpu.memory_space<vmem>>, vector<1x16xf32>,
        %get3A_754 = vector.shape_cast %get3A_753 : vector<1x16xf32> to vector<16xf32>
        %mul3A_755 = arith.mulf %get3A_746, %get3A_754 : vector<16xf32>
        %mul3A_756 = arith.mulf %mul3A_755, %mul3A_755 : vector<16xf32>
        %add3A_757 = arith.addf %add3A_735, %mul3A_756 : vector<16xf32>
        %mul3A_758 = arith.mulf %get3A_746, %get3A_746 : vector<16xf32>
        %add3A_759 = arith.addf %add3A_737, %mul3A_758 : vector<16xf32>
        %add3A_760 = arith.addf %add3A_738, %get3A_754 : vector<16xf32>
        %get3A_761 = arith.constant 0 : i32
        %get3A_762 = arith.constant 0 : i32
        %get3A_763 = tpu.memref_slice %arg9[%scan3A_304, %get3A_761, %get3A_762] : memref<2x128x128xf32, #tpu.memory_space<vmem>> -> memref<1x128x128xf32, #tpu.memory_space<vmem>>
        %get3A_764 = tpu.memref_squeeze %get3A_763 : memref<1x128x128xf32, #tpu.memory_space<vmem>> -> memref<128x128xf32, #tpu.memory_space<vmem>>
        %get3A_765 = arith.index_cast %add3A_629 : i32 to index
        %get3A_766 = arith.constant 96 : index
        %get3A_767 = tpu.vector_load %get3A_764[%get3A_765, %get3A_766] {strides = array<i32>} : memref<128x128xf32, #tpu.memory_space<vmem>>, vector<1x16xf32>,
        %get3A_768 = vector.shape_cast %get3A_767 : vector<1x16xf32> to vector<16xf32>
        %get3A_769 = arith.constant 0 : i32
        %get3A_770 = arith.constant 0 : i32
        %get3A_771 = tpu.memref_slice %arg10[%scan3A_305, %get3A_769, %get3A_770] : memref<2x128x128xf32, #tpu.memory_space<vmem>> -> memref<1x128x128xf32, #tpu.memory_space<vmem>>
        %get3A_772 = tpu.memref_squeeze %get3A_771 : memref<1x128x128xf32, #tpu.memory_space<vmem>> -> memref<128x128xf32, #tpu.memory_space<vmem>>
        %get3A_773 = arith.index_cast %add3A_629 : i32 to index
        %get3A_774 = arith.constant 96 : index
        %get3A_775 = tpu.vector_load %get3A_772[%get3A_773, %get3A_774] {strides = array<i32>} : memref<128x128xf32, #tpu.memory_space<vmem>>, vector<1x16xf32>,
        %get3A_776 = vector.shape_cast %get3A_775 : vector<1x16xf32> to vector<16xf32>
        %mul3A_777 = arith.mulf %get3A_768, %get3A_776 : vector<16xf32>
        %mul3A_778 = arith.mulf %mul3A_777, %mul3A_777 : vector<16xf32>
        %add3A_779 = arith.addf %add3A_757, %mul3A_778 : vector<16xf32>
        %mul3A_780 = arith.mulf %get3A_768, %get3A_768 : vector<16xf32>
        %add3A_781 = arith.addf %add3A_759, %mul3A_780 : vector<16xf32>
        %add3A_782 = arith.addf %add3A_760, %get3A_776 : vector<16xf32>
        %get3A_783 = arith.constant 0 : i32
        %get3A_784 = arith.constant 0 : i32
        %get3A_785 = tpu.memref_slice %arg9[%scan3A_304, %get3A_783, %get3A_784] : memref<2x128x128xf32, #tpu.memory_space<vmem>> -> memref<1x128x128xf32, #tpu.memory_space<vmem>>
        %get3A_786 = tpu.memref_squeeze %get3A_785 : memref<1x128x128xf32, #tpu.memory_space<vmem>> -> memref<128x128xf32, #tpu.memory_space<vmem>>
        %get3A_787 = arith.index_cast %add3A_629 : i32 to index
        %get3A_788 = arith.constant 112 : index
        %get3A_789 = tpu.vector_load %get3A_786[%get3A_787, %get3A_788] {strides = array<i32>} : memref<128x128xf32, #tpu.memory_space<vmem>>, vector<1x16xf32>,
        %get3A_790 = vector.shape_cast %get3A_789 : vector<1x16xf32> to vector<16xf32>
        %get3A_791 = arith.constant 0 : i32
        %get3A_792 = arith.constant 0 : i32
        %get3A_793 = tpu.memref_slice %arg10[%scan3A_305, %get3A_791, %get3A_792] : memref<2x128x128xf32, #tpu.memory_space<vmem>> -> memref<1x128x128xf32, #tpu.memory_space<vmem>>
        %get3A_794 = tpu.memref_squeeze %get3A_793 : memref<1x128x128xf32, #tpu.memory_space<vmem>> -> memref<128x128xf32, #tpu.memory_space<vmem>>
        %get3A_795 = arith.index_cast %add3A_629 : i32 to index
        %get3A_796 = arith.constant 112 : index
        %get3A_797 = tpu.vector_load %get3A_794[%get3A_795, %get3A_796] {strides = array<i32>} : memref<128x128xf32, #tpu.memory_space<vmem>>, vector<1x16xf32>,
        %get3A_798 = vector.shape_cast %get3A_797 : vector<1x16xf32> to vector<16xf32>
        %mul3A_799 = arith.mulf %get3A_790, %get3A_798 : vector<16xf32>
        %mul3A_800 = arith.mulf %mul3A_799, %mul3A_799 : vector<16xf32>
        %add3A_801 = arith.addf %add3A_779, %mul3A_800 : vector<16xf32>
        %mul3A_802 = arith.mulf %get3A_790, %get3A_790 : vector<16xf32>
        %add3A_803 = arith.addf %add3A_781, %mul3A_802 : vector<16xf32>
        %add3A_804 = arith.addf %add3A_782, %get3A_798 : vector<16xf32>
        %gather3A_805 = vector.shape_cast %reshape3A : vector<16x1xi32> to vector<16xi32>
        %gather3A_806 = tpu.dynamic_gather %add3A_801[%gather3A_805] in [0] : vector<16xf32>, vector<16xi32> -> vector<16xf32>
        %add3A_807 = arith.addf %add3A_801, %gather3A_806 : vector<16xf32>
        %gather3A_808 = vector.shape_cast %reshape3A_16 : vector<16x1xi32> to vector<16xi32>
        %gather3A_809 = tpu.dynamic_gather %add3A_807[%gather3A_808] in [0] : vector<16xf32>, vector<16xi32> -> vector<16xf32>
        %add3A_810 = arith.addf %add3A_807, %gather3A_809 : vector<16xf32>
        %gather3A_811 = vector.shape_cast %reshape3A_20 : vector<16x1xi32> to vector<16xi32>
        %gather3A_812 = tpu.dynamic_gather %add3A_810[%gather3A_811] in [0] : vector<16xf32>, vector<16xi32> -> vector<16xf32>
        %add3A_813 = arith.addf %add3A_810, %gather3A_812 : vector<16xf32>
        %gather3A_814 = vector.shape_cast %reshape3A_24 : vector<16x1xi32> to vector<16xi32>
        %gather3A_815 = tpu.dynamic_gather %add3A_813[%gather3A_814] in [0] : vector<16xf32>, vector<16xi32> -> vector<16xf32>
        %add3A_816 = arith.addf %add3A_813, %gather3A_815 : vector<16xf32>
        %mul3A_817 = arith.constant 5.000000e-01 : f32
        %mul3A_818 = vector.broadcast %mul3A_817 : f32 to vector<16xf32>
        %mul3A_819 = arith.mulf %add3A_816, %mul3A_818 : vector<16xf32>
        %bitcast_convert_type3A_820 = tpu.bitcast %add3A_816 : vector<16xf32> -> vector<16xi32>
        %shift_right_arithmetic3A_821 = arith.constant 1 : i32
        %shift_right_arithmetic3A_822 = vector.broadcast %shift_right_arithmetic3A_821 : i32 to vector<16xi32>
        %shift_right_arithmetic3A_823 = arith.shrsi %bitcast_convert_type3A_820, %shift_right_arithmetic3A_822 : vector<16xi32>
        %sub3A_824 = arith.constant 1597463007 : i32
        %sub3A_825 = vector.broadcast %sub3A_824 : i32 to vector<16xi32>
        %sub3A_826 = arith.subi %sub3A_825, %shift_right_arithmetic3A_823 : vector<16xi32>
        %bitcast_convert_type3A_827 = tpu.bitcast %sub3A_826 : vector<16xi32> -> vector<16xf32>
        %mul3A_828 = arith.mulf %mul3A_819, %bitcast_convert_type3A_827 : vector<16xf32>
        %mul3A_829 = arith.mulf %mul3A_828, %bitcast_convert_type3A_827 : vector<16xf32>
        %sub3A_830 = arith.constant 1.500000e+00 : f32
        %sub3A_831 = vector.broadcast %sub3A_830 : f32 to vector<16xf32>
        %sub3A_832 = arith.subf %sub3A_831, %mul3A_829 : vector<16xf32>
        %mul3A_833 = arith.mulf %bitcast_convert_type3A_827, %sub3A_832 : vector<16xf32>
        %mul3A_834 = arith.mulf %mul3A_819, %mul3A_833 : vector<16xf32>
        %mul3A_835 = arith.mulf %mul3A_834, %mul3A_833 : vector<16xf32>
        %sub3A_836 = arith.constant 1.500000e+00 : f32
        %sub3A_837 = vector.broadcast %sub3A_836 : f32 to vector<16xf32>
        %sub3A_838 = arith.subf %sub3A_837, %mul3A_835 : vector<16xf32>
        %mul3A_839 = arith.mulf %mul3A_833, %sub3A_838 : vector<16xf32>
        %mul3A_840 = arith.mulf %mul3A_646, %mul3A_839 : vector<16xf32>
        %swap3A_841 = arith.constant 0 : i32
        %swap3A_842 = arith.constant 0 : i32
        %swap3A_843 = tpu.memref_slice %arg11[%scan3A_306, %swap3A_841, %swap3A_842] : memref<2x128x128xf32, #tpu.memory_space<vmem>> -> memref<1x128x128xf32, #tpu.memory_space<vmem>>
        %swap3A_844 = tpu.memref_squeeze %swap3A_843 : memref<1x128x128xf32, #tpu.memory_space<vmem>> -> memref<128x128xf32, #tpu.memory_space<vmem>>
        %swap3A_845 = arith.index_cast %add3A_629 : i32 to index
        %swap3A_846 = arith.constant 0 : index
        %swap3A_847 = tpu.vector_load %swap3A_844[%swap3A_845, %swap3A_846] {strides = array<i32>} : memref<128x128xf32, #tpu.memory_space<vmem>>, vector<1x16xf32>,
        %swap3A_848 = vector.shape_cast %swap3A_847 : vector<1x16xf32> to vector<16xf32>
        %swap3A_849 = vector.shape_cast %mul3A_840 : vector<16xf32> to vector<1x16xf32>
        tpu.vector_store %swap3A_844[%swap3A_845, %swap3A_846], %swap3A_849 {strides = array<i32>} : memref<128x128xf32, #tpu.memory_space<vmem>>, vector<1x16xf32>,
        %mul3A_850 = arith.mulf %mul3A_667, %mul3A_839 : vector<16xf32>
        %swap3A_851 = arith.constant 0 : i32
        %swap3A_852 = arith.constant 0 : i32
        %swap3A_853 = tpu.memref_slice %arg11[%scan3A_306, %swap3A_851, %swap3A_852] : memref<2x128x128xf32, #tpu.memory_space<vmem>> -> memref<1x128x128xf32, #tpu.memory_space<vmem>>
        %swap3A_854 = tpu.memref_squeeze %swap3A_853 : memref<1x128x128xf32, #tpu.memory_space<vmem>> -> memref<128x128xf32, #tpu.memory_space<vmem>>
        %swap3A_855 = arith.index_cast %add3A_629 : i32 to index
        %swap3A_856 = arith.constant 16 : index
        %swap3A_857 = tpu.vector_load %swap3A_854[%swap3A_855, %swap3A_856] {strides = array<i32>} : memref<128x128xf32, #tpu.memory_space<vmem>>, vector<1x16xf32>,
        %swap3A_858 = vector.shape_cast %swap3A_857 : vector<1x16xf32> to vector<16xf32>
        %swap3A_859 = vector.shape_cast %mul3A_850 : vector<16xf32> to vector<1x16xf32>
        tpu.vector_store %swap3A_854[%swap3A_855, %swap3A_856], %swap3A_859 {strides = array<i32>} : memref<128x128xf32, #tpu.memory_space<vmem>>, vector<1x16xf32>,
        %mul3A_860 = arith.mulf %mul3A_689, %mul3A_839 : vector<16xf32>
        %swap3A_861 = arith.constant 0 : i32
        %swap3A_862 = arith.constant 0 : i32
        %swap3A_863 = tpu.memref_slice %arg11[%scan3A_306, %swap3A_861, %swap3A_862] : memref<2x128x128xf32, #tpu.memory_space<vmem>> -> memref<1x128x128xf32, #tpu.memory_space<vmem>>
        %swap3A_864 = tpu.memref_squeeze %swap3A_863 : memref<1x128x128xf32, #tpu.memory_space<vmem>> -> memref<128x128xf32, #tpu.memory_space<vmem>>
        %swap3A_865 = arith.index_cast %add3A_629 : i32 to index
        %swap3A_866 = arith.constant 32 : index
        %swap3A_867 = tpu.vector_load %swap3A_864[%swap3A_865, %swap3A_866] {strides = array<i32>} : memref<128x128xf32, #tpu.memory_space<vmem>>, vector<1x16xf32>,
        %swap3A_868 = vector.shape_cast %swap3A_867 : vector<1x16xf32> to vector<16xf32>
        %swap3A_869 = vector.shape_cast %mul3A_860 : vector<16xf32> to vector<1x16xf32>
        tpu.vector_store %swap3A_864[%swap3A_865, %swap3A_866], %swap3A_869 {strides = array<i32>} : memref<128x128xf32, #tpu.memory_space<vmem>>, vector<1x16xf32>,
        %mul3A_870 = arith.mulf %mul3A_711, %mul3A_839 : vector<16xf32>
        %swap3A_871 = arith.constant 0 : i32
        %swap3A_872 = arith.constant 0 : i32
        %swap3A_873 = tpu.memref_slice %arg11[%scan3A_306, %swap3A_871, %swap3A_872] : memref<2x128x128xf32, #tpu.memory_space<vmem>> -> memref<1x128x128xf32, #tpu.memory_space<vmem>>
        %swap3A_874 = tpu.memref_squeeze %swap3A_873 : memref<1x128x128xf32, #tpu.memory_space<vmem>> -> memref<128x128xf32, #tpu.memory_space<vmem>>
        %swap3A_875 = arith.index_cast %add3A_629 : i32 to index
        %swap3A_876 = arith.constant 48 : index
        %swap3A_877 = tpu.vector_load %swap3A_874[%swap3A_875, %swap3A_876] {strides = array<i32>} : memref<128x128xf32, #tpu.memory_space<vmem>>, vector<1x16xf32>,
        %swap3A_878 = vector.shape_cast %swap3A_877 : vector<1x16xf32> to vector<16xf32>
        %swap3A_879 = vector.shape_cast %mul3A_870 : vector<16xf32> to vector<1x16xf32>
        tpu.vector_store %swap3A_874[%swap3A_875, %swap3A_876], %swap3A_879 {strides = array<i32>} : memref<128x128xf32, #tpu.memory_space<vmem>>, vector<1x16xf32>,
        %mul3A_880 = arith.mulf %mul3A_733, %mul3A_839 : vector<16xf32>
        %swap3A_881 = arith.constant 0 : i32
        %swap3A_882 = arith.constant 0 : i32
        %swap3A_883 = tpu.memref_slice %arg11[%scan3A_306, %swap3A_881, %swap3A_882] : memref<2x128x128xf32, #tpu.memory_space<vmem>> -> memref<1x128x128xf32, #tpu.memory_space<vmem>>
        %swap3A_884 = tpu.memref_squeeze %swap3A_883 : memref<1x128x128xf32, #tpu.memory_space<vmem>> -> memref<128x128xf32, #tpu.memory_space<vmem>>
        %swap3A_885 = arith.index_cast %add3A_629 : i32 to index
        %swap3A_886 = arith.constant 64 : index
        %swap3A_887 = tpu.vector_load %swap3A_884[%swap3A_885, %swap3A_886] {strides = array<i32>} : memref<128x128xf32, #tpu.memory_space<vmem>>, vector<1x16xf32>,
        %swap3A_888 = vector.shape_cast %swap3A_887 : vector<1x16xf32> to vector<16xf32>
        %swap3A_889 = vector.shape_cast %mul3A_880 : vector<16xf32> to vector<1x16xf32>
        tpu.vector_store %swap3A_884[%swap3A_885, %swap3A_886], %swap3A_889 {strides = array<i32>} : memref<128x128xf32, #tpu.memory_space<vmem>>, vector<1x16xf32>,
        %mul3A_890 = arith.mulf %mul3A_755, %mul3A_839 : vector<16xf32>
        %swap3A_891 = arith.constant 0 : i32
        %swap3A_892 = arith.constant 0 : i32
        %swap3A_893 = tpu.memref_slice %arg11[%scan3A_306, %swap3A_891, %swap3A_892] : memref<2x128x128xf32, #tpu.memory_space<vmem>> -> memref<1x128x128xf32, #tpu.memory_space<vmem>>
        %swap3A_894 = tpu.memref_squeeze %swap3A_893 : memref<1x128x128xf32, #tpu.memory_space<vmem>> -> memref<128x128xf32, #tpu.memory_space<vmem>>
        %swap3A_895 = arith.index_cast %add3A_629 : i32 to index
        %swap3A_896 = arith.constant 80 : index
        %swap3A_897 = tpu.vector_load %swap3A_894[%swap3A_895, %swap3A_896] {strides = array<i32>} : memref<128x128xf32, #tpu.memory_space<vmem>>, vector<1x16xf32>,
        %swap3A_898 = vector.shape_cast %swap3A_897 : vector<1x16xf32> to vector<16xf32>
        %swap3A_899 = vector.shape_cast %mul3A_890 : vector<16xf32> to vector<1x16xf32>
        tpu.vector_store %swap3A_894[%swap3A_895, %swap3A_896], %swap3A_899 {strides = array<i32>} : memref<128x128xf32, #tpu.memory_space<vmem>>, vector<1x16xf32>,
        %mul3A_900 = arith.mulf %mul3A_777, %mul3A_839 : vector<16xf32>
        %swap3A_901 = arith.constant 0 : i32
        %swap3A_902 = arith.constant 0 : i32
        %swap3A_903 = tpu.memref_slice %arg11[%scan3A_306, %swap3A_901, %swap3A_902] : memref<2x128x128xf32, #tpu.memory_space<vmem>> -> memref<1x128x128xf32, #tpu.memory_space<vmem>>
        %swap3A_904 = tpu.memref_squeeze %swap3A_903 : memref<1x128x128xf32, #tpu.memory_space<vmem>> -> memref<128x128xf32, #tpu.memory_space<vmem>>
        %swap3A_905 = arith.index_cast %add3A_629 : i32 to index
        %swap3A_906 = arith.constant 96 : index
        %swap3A_907 = tpu.vector_load %swap3A_904[%swap3A_905, %swap3A_906] {strides = array<i32>} : memref<128x128xf32, #tpu.memory_space<vmem>>, vector<1x16xf32>,
        %swap3A_908 = vector.shape_cast %swap3A_907 : vector<1x16xf32> to vector<16xf32>
        %swap3A_909 = vector.shape_cast %mul3A_900 : vector<16xf32> to vector<1x16xf32>
        tpu.vector_store %swap3A_904[%swap3A_905, %swap3A_906], %swap3A_909 {strides = array<i32>} : memref<128x128xf32, #tpu.memory_space<vmem>>, vector<1x16xf32>,
        %mul3A_910 = arith.mulf %mul3A_799, %mul3A_839 : vector<16xf32>
        %swap3A_911 = arith.constant 0 : i32
        %swap3A_912 = arith.constant 0 : i32
        %swap3A_913 = tpu.memref_slice %arg11[%scan3A_306, %swap3A_911, %swap3A_912] : memref<2x128x128xf32, #tpu.memory_space<vmem>> -> memref<1x128x128xf32, #tpu.memory_space<vmem>>
        %swap3A_914 = tpu.memref_squeeze %swap3A_913 : memref<1x128x128xf32, #tpu.memory_space<vmem>> -> memref<128x128xf32, #tpu.memory_space<vmem>>
        %swap3A_915 = arith.index_cast %add3A_629 : i32 to index
        %swap3A_916 = arith.constant 112 : index
        %swap3A_917 = tpu.vector_load %swap3A_914[%swap3A_915, %swap3A_916] {strides = array<i32>} : memref<128x128xf32, #tpu.memory_space<vmem>>, vector<1x16xf32>,
        %swap3A_918 = vector.shape_cast %swap3A_917 : vector<1x16xf32> to vector<16xf32>
        %swap3A_919 = vector.shape_cast %mul3A_910 : vector<16xf32> to vector<1x16xf32>
        tpu.vector_store %swap3A_914[%swap3A_915, %swap3A_916], %swap3A_919 {strides = array<i32>} : memref<128x128xf32, #tpu.memory_space<vmem>>, vector<1x16xf32>,
        %mul3A_920 = arith.mulf %add3A_816, %mul3A_839 : vector<16xf32>
        %mul3A_921 = arith.mulf %mul3A_920, %mul3A_839 : vector<16xf32>
        %add3A_922 = arith.addf %scan3A_337, %mul3A_921 : vector<16xf32>
        scf.yield %add3A_512, %add3A_803, %add3A_513, %add3A_804, %add3A_627, %add3A_922 : vector<16xf32>, vector<16xf32>, vector<16xf32>, vector<16xf32>, vector<16xf32>, vector<16xf32>
      }
      %scan3A_312 = arith.constant 64 : i32
      %add3A_313 = arith.constant 1 : i32
      %add3A_314 = arith.addi %mul3A_151, %add3A_313 : i32
      %add3A_315 = arith.addi %mul3A_2, %add3A_314 : i32
      %mul3A_316 = arith.constant 128 : i32
      %mul3A_317 = arith.muli %add3A_315, %mul3A_316 : i32
      %dma_start3A_318 = arith.constant 1 : i32
      %dma_start3A_319 = arith.constant 0 : i32
      %dma_start3A_320 = arith.constant 0 : i32
      %dma_start3A_321 = tpu.memref_slice %arg11[%dma_start3A_318, %dma_start3A_319, %dma_start3A_320] : memref<2x128x128xf32, #tpu.memory_space<vmem>> -> memref<1x128x128xf32, #tpu.memory_space<vmem>>
      %dma_start3A_322 = tpu.memref_squeeze %dma_start3A_321 : memref<1x128x128xf32, #tpu.memory_space<vmem>> -> memref<128x128xf32, #tpu.memory_space<vmem>>
      %dma_start3A_323 = arith.constant 0 : i32
      %dma_start3A_324 = tpu.memref_slice %arg5[%mul3A_317, %dma_start3A_323] : memref<327680x128xf32, #tpu.memory_space<hbm>> -> memref<128x128xf32, #tpu.memory_space<hbm>>
      %dma_start3A_325 = arith.constant 0 : i32
      %dma_start3A_326 = tpu.memref_slice %arg5[%mul3A_317, %dma_start3A_325] : memref<327680x128xf32, #tpu.memory_space<hbm>> -> memref<128x128xf32, #tpu.memory_space<hbm>>
      %dma_start3A_327 = arith.constant 0 : i32
      %dma_start3A_328 = arith.constant 0 : i32
      %dma_start3A_329 = tpu.memref_slice %arg11[%dma_start3A_318, %dma_start3A_327, %dma_start3A_328] : memref<2x128x128xf32, #tpu.memory_space<vmem>> -> memref<1x128x128xf32, #tpu.memory_space<vmem>>
      %dma_start3A_330 = tpu.memref_squeeze %dma_start3A_329 : memref<1x128x128xf32, #tpu.memory_space<vmem>> -> memref<128x128xf32, #tpu.memory_space<vmem>>
      tpu.enqueue_dma source(%dma_start3A_330 : memref<128x128xf32, #tpu.memory_space<vmem>>) target(%dma_start3A_326 : memref<128x128xf32, #tpu.memory_space<hbm>>) target_semaphore(%arg19 : memref<!tpu.dma_semaphore, #tpu.memory_space<semaphore_mem>>)
      scf.yield %scan3A_311#0, %scan3A_311#1, %scan3A_311#2, %scan3A_311#3, %scan3A_311#4, %scan3A_311#5 : vector<16xf32>, vector<16xf32>, vector<16xf32>, vector<16xf32>, vector<16xf32>, vector<16xf32>
    }
    %scan3A_59 = arith.constant 40 : i32
    %add3A_60 = arith.addf %scan3A_58#0, %scan3A_58#1 : vector<16xf32>
    %add3A_61 = arith.addf %scan3A_58#2, %scan3A_58#3 : vector<16xf32>
    %add3A_62 = arith.addf %scan3A_58#4, %scan3A_58#5 : vector<16xf32>
    %dma_wait3A_63 = arith.constant 0 : i32
    %dma_wait3A_64 = arith.constant 0 : i32
    %dma_wait3A_65 = arith.constant 0 : i32
    %dma_wait3A_66 = tpu.memref_slice %arg9[%dma_wait3A_63, %dma_wait3A_64, %dma_wait3A_65] : memref<2x128x128xf32, #tpu.memory_space<vmem>> -> memref<1x128x128xf32, #tpu.memory_space<vmem>>
    %dma_wait3A_67 = tpu.memref_squeeze %dma_wait3A_66 : memref<1x128x128xf32, #tpu.memory_space<vmem>> -> memref<128x128xf32, #tpu.memory_space<vmem>>
    %dma_wait3A_68 = arith.constant 0 : i32
    %dma_wait3A_69 = arith.constant 0 : i32
    %dma_wait3A_70 = tpu.memref_slice %arg2[%dma_wait3A_68, %dma_wait3A_69] : memref<327680x128xf32, #tpu.memory_space<hbm>> -> memref<128x128xf32, #tpu.memory_space<hbm>>
    %dma_wait3A_71 = arith.constant 0 : i32
    %dma_wait3A_72 = arith.constant 0 : i32
    %dma_wait3A_73 = tpu.memref_slice %arg9[%dma_wait3A_63, %dma_wait3A_71, %dma_wait3A_72] : memref<2x128x128xf32, #tpu.memory_space<vmem>> -> memref<1x128x128xf32, #tpu.memory_space<vmem>>
    %dma_wait3A_74 = tpu.memref_squeeze %dma_wait3A_73 : memref<1x128x128xf32, #tpu.memory_space<vmem>> -> memref<128x128xf32, #tpu.memory_space<vmem>>
    %dma_wait3A_75 = arith.constant 0 : i32
    %dma_wait3A_76 = arith.constant 0 : i32
    %dma_wait3A_77 = tpu.memref_slice %arg2[%dma_wait3A_75, %dma_wait3A_76] : memref<327680x128xf32, #tpu.memory_space<hbm>> -> memref<128x128xf32, #tpu.memory_space<hbm>>
    tpu.wait_dma2 semaphore(%arg14 : memref<!tpu.dma_semaphore, #tpu.memory_space<semaphore_mem>>) src(%dma_wait3A_77 : memref<128x128xf32, #tpu.memory_space<hbm>>) dst(%dma_wait3A_74 : memref<128x128xf32, #tpu.memory_space<vmem>>)
    %dma_wait3A_78 = arith.constant 0 : i32
    %dma_wait3A_79 = arith.constant 0 : i32
    %dma_wait3A_80 = arith.constant 0 : i32
    %dma_wait3A_81 = arith.constant 0 : i32
    %dma_wait3A_82 = tpu.memref_slice %arg10[%dma_wait3A_79, %dma_wait3A_80, %dma_wait3A_81] : memref<2x128x128xf32, #tpu.memory_space<vmem>> -> memref<1x128x128xf32, #tpu.memory_space<vmem>>
    %dma_wait3A_83 = tpu.memref_squeeze %dma_wait3A_82 : memref<1x128x128xf32, #tpu.memory_space<vmem>> -> memref<128x128xf32, #tpu.memory_space<vmem>>
    %dma_wait3A_84 = arith.constant 0 : i32
    %dma_wait3A_85 = tpu.memref_slice %arg8[%dma_wait3A_78, %dma_wait3A_84] : memref<80x128xi32, #tpu.memory_space<vmem>> -> memref<1x128xi32, #tpu.memory_space<vmem>>
    %dma_wait3A_86 = tpu.memref_squeeze %dma_wait3A_85 : memref<1x128xi32, #tpu.memory_space<vmem>> -> memref<128xi32, #tpu.memory_space<vmem>>
    %dma_wait3A_87 = arith.constant 0 : i32
    %dma_wait3A_88 = arith.constant 0 : i32
    %dma_wait3A_89 = tpu.memref_slice %arg13[%dma_wait3A_87, %dma_wait3A_88] : memref<26x128xf32, #tpu.memory_space<vmem_shared>> -> memref<26x128xf32, #tpu.memory_space<vmem_shared>>
    tpu.wait_indirect_dma semaphore(%arg16 : memref<!tpu.dma_semaphore, #tpu.memory_space<semaphore_mem>>) src(%dma_wait3A_89 : memref<26x128xf32, #tpu.memory_space<vmem_shared>>) dst(%dma_wait3A_83 : memref<128x128xf32, #tpu.memory_space<vmem>>)
    %dma_wait3A_90 = arith.constant 0 : i32
    %dma_wait3A_91 = arith.constant 0 : i32
    %dma_wait3A_92 = arith.constant 0 : i32
    %dma_wait3A_93 = tpu.memref_slice %arg11[%dma_wait3A_90, %dma_wait3A_91, %dma_wait3A_92] : memref<2x128x128xf32, #tpu.memory_space<vmem>> -> memref<1x128x128xf32, #tpu.memory_space<vmem>>
    %dma_wait3A_94 = tpu.memref_squeeze %dma_wait3A_93 : memref<1x128x128xf32, #tpu.memory_space<vmem>> -> memref<128x128xf32, #tpu.memory_space<vmem>>
    %dma_wait3A_95 = arith.constant 0 : i32
    %dma_wait3A_96 = arith.constant 0 : i32
    %dma_wait3A_97 = tpu.memref_slice %arg5[%dma_wait3A_95, %dma_wait3A_96] : memref<327680x128xf32, #tpu.memory_space<hbm>> -> memref<128x128xf32, #tpu.memory_space<hbm>>
    %dma_wait3A_98 = arith.constant 0 : i32
    %dma_wait3A_99 = arith.constant 0 : i32
    %dma_wait3A_100 = tpu.memref_slice %arg5[%dma_wait3A_98, %dma_wait3A_99] : memref<327680x128xf32, #tpu.memory_space<hbm>> -> memref<128x128xf32, #tpu.memory_space<hbm>>
    %dma_wait3A_101 = arith.constant 0 : i32
    %dma_wait3A_102 = arith.constant 0 : i32
    %dma_wait3A_103 = tpu.memref_slice %arg11[%dma_wait3A_90, %dma_wait3A_101, %dma_wait3A_102] : memref<2x128x128xf32, #tpu.memory_space<vmem>> -> memref<1x128x128xf32, #tpu.memory_space<vmem>>
    %dma_wait3A_104 = tpu.memref_squeeze %dma_wait3A_103 : memref<1x128x128xf32, #tpu.memory_space<vmem>> -> memref<128x128xf32, #tpu.memory_space<vmem>>
    tpu.wait_dma2 semaphore(%arg18 : memref<!tpu.dma_semaphore, #tpu.memory_space<semaphore_mem>>) src(%dma_wait3A_104 : memref<128x128xf32, #tpu.memory_space<vmem>>) dst(%dma_wait3A_100 : memref<128x128xf32, #tpu.memory_space<hbm>>)
    %dma_wait3A_105 = arith.constant 1 : i32
    %dma_wait3A_106 = arith.constant 0 : i32
    %dma_wait3A_107 = arith.constant 0 : i32
    %dma_wait3A_108 = tpu.memref_slice %arg11[%dma_wait3A_105, %dma_wait3A_106, %dma_wait3A_107] : memref<2x128x128xf32, #tpu.memory_space<vmem>> -> memref<1x128x128xf32, #tpu.memory_space<vmem>>
    %dma_wait3A_109 = tpu.memref_squeeze %dma_wait3A_108 : memref<1x128x128xf32, #tpu.memory_space<vmem>> -> memref<128x128xf32, #tpu.memory_space<vmem>>
    %dma_wait3A_110 = arith.constant 0 : i32
    %dma_wait3A_111 = arith.constant 0 : i32
    %dma_wait3A_112 = tpu.memref_slice %arg5[%dma_wait3A_110, %dma_wait3A_111] : memref<327680x128xf32, #tpu.memory_space<hbm>> -> memref<128x128xf32, #tpu.memory_space<hbm>>
    %dma_wait3A_113 = arith.constant 0 : i32
    %dma_wait3A_114 = arith.constant 0 : i32
    %dma_wait3A_115 = tpu.memref_slice %arg5[%dma_wait3A_113, %dma_wait3A_114] : memref<327680x128xf32, #tpu.memory_space<hbm>> -> memref<128x128xf32, #tpu.memory_space<hbm>>
    %dma_wait3A_116 = arith.constant 0 : i32
    %dma_wait3A_117 = arith.constant 0 : i32
    %dma_wait3A_118 = tpu.memref_slice %arg11[%dma_wait3A_105, %dma_wait3A_116, %dma_wait3A_117] : memref<2x128x128xf32, #tpu.memory_space<vmem>> -> memref<1x128x128xf32, #tpu.memory_space<vmem>>
    %dma_wait3A_119 = tpu.memref_squeeze %dma_wait3A_118 : memref<1x128x128xf32, #tpu.memory_space<vmem>> -> memref<128x128xf32, #tpu.memory_space<vmem>>
    tpu.wait_dma2 semaphore(%arg19 : memref<!tpu.dma_semaphore, #tpu.memory_space<semaphore_mem>>) src(%dma_wait3A_119 : memref<128x128xf32, #tpu.memory_space<vmem>>) dst(%dma_wait3A_115 : memref<128x128xf32, #tpu.memory_space<hbm>>)
    %swap3A = arith.constant 0 : index
    %swap3A_120 = tpu.vector_load %arg12[%swap3A] {strides = array<i32>} : memref<48xf32, #tpu.memory_space<vmem>>, vector<16xf32>,
    %swap3A_121 = vector.shape_cast %swap3A_120 : vector<16xf32> to vector<16xf32>
    %swap3A_122 = vector.shape_cast %add3A_61 : vector<16xf32> to vector<16xf32>
    tpu.vector_store %arg12[%swap3A], %swap3A_122 {strides = array<i32>} : memref<48xf32, #tpu.memory_space<vmem>>, vector<16xf32>,
    %swap3A_123 = arith.constant 16 : index
    %swap3A_124 = tpu.vector_load %arg12[%swap3A_123] {strides = array<i32>} : memref<48xf32, #tpu.memory_space<vmem>>, vector<16xf32>,
    %swap3A_125 = vector.shape_cast %swap3A_124 : vector<16xf32> to vector<16xf32>
    %swap3A_126 = vector.shape_cast %add3A_60 : vector<16xf32> to vector<16xf32>
    tpu.vector_store %arg12[%swap3A_123], %swap3A_126 {strides = array<i32>} : memref<48xf32, #tpu.memory_space<vmem>>, vector<16xf32>,
    %swap3A_127 = arith.constant 32 : index
    %swap3A_128 = tpu.vector_load %arg12[%swap3A_127] {strides = array<i32>} : memref<48xf32, #tpu.memory_space<vmem>>, vector<16xf32>,
    %swap3A_129 = vector.shape_cast %swap3A_128 : vector<16xf32> to vector<16xf32>
    %swap3A_130 = vector.shape_cast %add3A_62 : vector<16xf32> to vector<16xf32>
    tpu.vector_store %arg12[%swap3A_127], %swap3A_130 {strides = array<i32>} : memref<48xf32, #tpu.memory_space<vmem>>, vector<16xf32>,
    %dma_start3A_131 = arith.constant 0 : i32
    %dma_start3A_132 = tpu.memref_slice %arg6[%add3A, %dma_start3A_131] : memref<32x48xf32, #tpu.memory_space<hbm>> -> memref<1x48xf32, #tpu.memory_space<hbm>>
    %dma_start3A_133 = tpu.memref_squeeze %dma_start3A_132 : memref<1x48xf32, #tpu.memory_space<hbm>> -> memref<48xf32, #tpu.memory_space<hbm>>
    %dma_start3A_134 = arith.constant 0 : i32
    %dma_start3A_135 = tpu.memref_slice %arg6[%add3A, %dma_start3A_134] : memref<32x48xf32, #tpu.memory_space<hbm>> -> memref<1x48xf32, #tpu.memory_space<hbm>>
    %dma_start3A_136 = tpu.memref_squeeze %dma_start3A_135 : memref<1x48xf32, #tpu.memory_space<hbm>> -> memref<48xf32, #tpu.memory_space<hbm>>
    tpu.enqueue_dma source(%arg12 : memref<48xf32, #tpu.memory_space<vmem>>) target(%dma_start3A_136 : memref<48xf32, #tpu.memory_space<hbm>>) target_semaphore(%arg20 : memref<!tpu.dma_semaphore, #tpu.memory_space<semaphore_mem>>)
    %dma_wait3A_137 = arith.constant 0 : i32
    %dma_wait3A_138 = tpu.memref_slice %arg6[%add3A, %dma_wait3A_137] : memref<32x48xf32, #tpu.memory_space<hbm>> -> memref<1x48xf32, #tpu.memory_space<hbm>>
    %dma_wait3A_139 = tpu.memref_squeeze %dma_wait3A_138 : memref<1x48xf32, #tpu.memory_space<hbm>> -> memref<48xf32, #tpu.memory_space<hbm>>
    %dma_wait3A_140 = arith.constant 0 : i32
    %dma_wait3A_141 = tpu.memref_slice %arg6[%add3A, %dma_wait3A_140] : memref<32x48xf32, #tpu.memory_space<hbm>> -> memref<1x48xf32, #tpu.memory_space<hbm>>
    %dma_wait3A_142 = tpu.memref_squeeze %dma_wait3A_141 : memref<1x48xf32, #tpu.memory_space<hbm>> -> memref<48xf32, #tpu.memory_space<hbm>>
    tpu.wait_dma2 semaphore(%arg20 : memref<!tpu.dma_semaphore, #tpu.memory_space<semaphore_mem>>) src(%arg12 : memref<48xf32, #tpu.memory_space<vmem>>) dst(%dma_wait3A_142 : memref<48xf32, #tpu.memory_space<hbm>>)
    return
  }
}

</mosaic_0001>

<sc_bundles>
// kernel: kernel.3.cloned.1.call-start
scs
__scs_entry_jumppad:
0x0: {  	(pc) =	sbr.rel $0x88, $3  }
0x1: {  	(tag) =	ssettag $0x0;
	lr =	simm.s32 $0x1  }
0x2: {  	[smem:$0x3F9E] =	sst lr;
	_ =	strace $0xD0000000  }
0x3: {  	_ = 	snop  }
0x4: {  	_ = 	snop  }
0x5: {  	_ = 	snop  }
0x6: {  	_ = 	snop  }
0x7: {  	_ = 	snop  }
__scs_overlays_trampoline_lowered:
0x8: {  	[smem:$0x3FAD] =	sst s0  }
0x9: {  	[smem:$0x3FAE] =	sst s1  }
0xa: {  	[smem:$0x3FAF] =	sst s2  }
0xb: {  	[smem:$0x3FB0] =	sst s3  }
0xc: {  	[smem:$0x3FB1] =	sst s4  }
0xd: {  	[smem:$0x3FB2] =	sst s5  }
0xe: {  	[smem:$0x3FB3] =	sst s6  }
0xf: {  	[smem:$0x3FB4] =	sst s7  }
0x10: {  	[smem:$0x3FB5] =	sst s8  }
0x11: {  	[smem:$0x3FB6] =	sst s9;
	s0 =	simm.s32 @!p0 $0x0  }
0x12: {  	s1 =	sld [smem:$0x3F9C];
	s0 =	simm.s32 @p0 $0x1  }
0x13: {  	[smem:$0x3FB7] =	sst s0;
	s0 =	simm.s32 @!p1 $0x0  }
0x14: {  	s2 =	sld [smem:$0x3F9B];
	s0 =	simm.s32 @p1 $0x1  }
0x15: {  	[smem:$0x3FB8] =	sst s0;
	s0 =	simm.s32 @!p2 $0x0  }
0x16: {  	s3 =	sld [smem:$0x3FDB];
	s0 =	simm.s32 @p2 $0x1  }
0x17: {  	s4 =	simm.s32 $0x1BF5;
	[smem:$0x3FBA] =	sst s0  }
0x18: {  	s0 =	sld [smem:$0x3F9D];
	_ =	swait.ge [sflag:s4], $0x0  }
0x19: {  	s7 =	sld [smem:$0x3F9E]  }
0x1a: {  	s8 =	sadd.s32 $0xFFFFE003, lr  }
0x1b: {  	s9 =	sadd.s32 $0xFFFFFEF7, lr;
	s5 =	simm.s32 $0xFFFFFFFF;
	p2 =	slt.u32 s8, $0xFFFFF086  }
0x1c: {  	p1 =	slt.u32 s9, $0xF7A;
	s5 =	simm.s32 @!p2 $0x0  }
0x1d: {  	s5 =	simm.s32 @p1 $0x1;
	p0 =	seq.s32 s7, s2  }
0x1e: {  	s7 =	smul.u32 @!p0 $0xF7A, s2;
	p2 =	seq.s32 @!p0 s5, $0x0  }
0x1f: {  	s9 =	smul.u32 $0xF7A, s1;
	s8 =	simm.s32 @!p0 $0x1BF5;
	p2 =	por !p2, p0  }
0x20: {  	[sflag:s8] =	ssyncset.s32 @!p0 $0xFFFFF086;
	s6 =	sadd.s32 @!p0 s3, s7;
	s7 =	simm.s32 @!p0 $0x108  }
0x21: {  	s3 =	sadd.s32 s3, s9;
	s6 =	sadd.s32 @!p0 $0x88, s6;
	s7 =	simm.s32 @p2 $0x1082  }
0x22: {  	[simem:s7], [sflag:s8] =	dma.local @!p0 [hbm:s6], $0xF7A  }
0x23: {  	s9 =	sor.u32 $0xD0000000, s2;
	s6 =	simm.s32 $0x108;
	_ =	swait.ge @!p0 [sflag:s8], $0x0  }
0x24: {  	s3 =	sadd.s32 $0x88, s3;
	s6 =	simm.s32 @!p1 $0x1082;
	[sflag:s4] =	ssyncset.s32 $0xFFFFF086  }
0x25: {  	[simem:s6], [sflag:s4] =	dma.local [hbm:s3], $0xF7A  }
0x26: {  	[smem:$0x3F9E] =	sst s1;
	(tag) =	ssettag s2;
	_ =	strace s9  }
0x27: {  	s1 =	sld [smem:$0x3FAE]  }
0x28: {  	s2 =	sld [smem:$0x3FAF]  }
0x29: {  	s4 =	sld [smem:$0x3FB1]  }
0x2a: {  	p0 =	seq.s32 s5, $0x0;
	s5 =	sld [smem:$0x3FB2]  }
0x2b: {  	s6 =	sld [smem:$0x3FB3]  }
0x2c: {  	s7 =	sld [smem:$0x3FB4]  }
0x2d: {  	s3 =	simm.s32 $0x108;
	s8 =	sld [smem:$0x3FB5]  }
0x2e: {  	s3 =	simm.s32 @!p0 $0x1082;
	s9 =	sld [smem:$0x3FB6]  }
0x2f: {  	lr =	sadd.s32 s0, s3;
	s0 =	sld [smem:$0x3FAD]  }
0x30: {  	s3 =	sld [smem:$0x3FB0]  }
0x31: {  	[smem:$0x3FB9] =	sst s10  }
0x32: {  	s10 =	sld [smem:$0x3FB7];
	_ =	sdelay $0x3  }
0x33: {  	p0 =	seq.s32 s10, $0x1;
	s10 =	sld [smem:$0x3FB9];
	_ =	sdelay $0x3  }
0x34: {  	[smem:$0x3FB9] =	sst s10  }
0x35: {  	s10 =	sld [smem:$0x3FB8];
	_ =	sdelay $0x3  }
0x36: {  	p1 =	seq.s32 s10, $0x1;
	s10 =	sld [smem:$0x3FB9];
	_ =	sdelay $0x3  }
0x37: {  	[smem:$0x3FB9] =	sst s10  }
0x38: {  	s10 =	sld [smem:$0x3FBA]  }
0x39: {  	_ = 	snop;
	(pc) =	sbr.ind lr, $3  }
0x3a: {  	_ = 	snop  }
0x3b: {  	_ = 	snop  }
0x3c: {  	p2 =	seq.s32 s10, $0x1;
	s10 =	sld [smem:$0x3FB9]  }
0x3d: {  	_ =	shalt  }
0x3e: {  	_ =	shalt  }
0x3f: {  	_ =	shalt  }
0x40: {  	_ =	shalt  }
0x41: {  	_ =	shalt  }
0x42: {  	_ =	shalt  }
0x43: {  	_ =	shalt  }
0x44: {  	_ =	shalt  }
0x45: {  	_ =	shalt  }
0x46: {  	_ =	shalt  }
0x47: {  	_ =	shalt  }
0x48: {  	_ =	shalt  }
0x49: {  	_ =	shalt  }
0x4a: {  	_ =	shalt  }
0x4b: {  	_ =	shalt  }
0x4c: {  	_ =	shalt  }
0x4d: {  	_ =	shalt  }
0x4e: {  	_ =	shalt  }
0x4f: {  	_ =	shalt  }
0x50: {  	_ =	shalt  }
0x51: {  	_ =	shalt  }
0x52: {  	_ =	shalt  }
0x53: {  	_ =	shalt  }
0x54: {  	_ =	shalt  }
0x55: {  	_ =	shalt  }
0x56: {  	_ =	shalt  }
0x57: {  	_ =	shalt  }
0x58: {  	_ =	shalt  }
0x59: {  	_ =	shalt  }
0x5a: {  	_ =	shalt  }
0x5b: {  	_ =	shalt  }
0x5c: {  	_ =	shalt  }
0x5d: {  	_ =	shalt  }
0x5e: {  	_ =	shalt  }
0x5f: {  	_ =	shalt  }
0x60: {  	_ =	shalt  }
0x61: {  	_ =	shalt  }
0x62: {  	_ =	shalt  }
0x63: {  	_ =	shalt  }
0x64: {  	_ =	shalt  }
0x65: {  	_ =	shalt  }
0x66: {  	_ =	shalt  }
0x67: {  	_ =	shalt  }
0x68: {  	_ =	shalt  }
0x69: {  	_ =	shalt  }
0x6a: {  	_ =	shalt  }
0x6b: {  	_ =	shalt  }
0x6c: {  	_ =	shalt  }
0x6d: {  	_ =	shalt  }
0x6e: {  	_ =	shalt  }
0x6f: {  	_ =	shalt  }
0x70: {  	_ =	shalt  }
0x71: {  	_ =	shalt  }
0x72: {  	_ =	shalt  }
0x73: {  	_ =	shalt  }
0x74: {  	_ =	shalt  }
0x75: {  	_ =	shalt  }
0x76: {  	_ =	shalt  }
0x77: {  	_ =	shalt  }
0x78: {  	_ =	shalt  }
0x79: {  	_ =	shalt  }
0x7a: {  	_ =	shalt  }
0x7b: {  	_ =	shalt  }
0x7c: {  	_ =	shalt  }
0x7d: {  	_ =	shalt  }
0x7e: {  	_ =	shalt  }
0x7f: {  	_ =	shalt  }
0x80: {  	_ =	shalt  }
0x81: {  	_ =	shalt  }
0x82: {  	_ =	shalt  }
0x83: {  	_ =	shalt  }
0x84: {  	_ =	shalt  }
0x85: {  	_ =	shalt  }
0x86: {  	_ =	shalt  }
0x87: {  	_ =	shalt  }
.Lfunc_end0:
.L_simem_size_0:
called_computation_lowered:
.L_overlay_start_0:
0x88: {  	s2 =	sld [smem:$0x3FD9]  }
0x89: {  	s3 =	sld [smem:$0x3FFE];
	_ =	sdelay $0x1  }
0x8a: {  	s1 =	srdreg.scid  }
0x8b: {  	s0 =	sand.u32 $0x1, s1  }
0x8c: {  	s14 =	sshll.u32 s0, $0xA;
	s2 =	sadd.s32 s3, s2  }
0x8d: {  	s2 =	sadd.s32 s2, s14  }
0x8e: {  	[smem:$0x3FC5] =	sst s2  }
0x8f: {  	_ = 	snop  }
0x90: {  	s2 =	sld [smem:$0x3FD0]  }
0x91: {  	s15 =	sld [smem:$0x3FC9]  }
0x92: {  	s4 =	sld [smem:$0x3FC8]  }
0x93: {  	s6 =	simm.s32 $0xA;
	s7 =	simm.s32 $0x10;
	s5 =	sld [smem:$0x3FC7]  }
0x94: {  	[smem:s7], [sflag:s6] =	dma.local [hbm:s2], $0x1  }
0x95: {  	_ =	swait.eq [sflag:s6], $0x1  }
0x96: {  	[sflag:s6] =	ssyncset.done $0x0  }
0x97: {  	[sflag:s6] =	ssyncadd.s32 $0xFFFFFFFF  }
0x98: {  	s16 =	sld [smem:$0x10];
	(tm) =	ssettm $0x1  }
0x99: {  	s17 =	sld [smem:$0x3FFB];
	_ =	sdelay $0x3  }
0x9a: {  	_ =	strace s17  }
0x9b: {  	s6 =	sld [smem:$0x3FFC];
	_ =	sdelay $0x3  }
0x9c: {  	_ =	strace s6  }
0x9d: {  	s6 =	sld [smem:$0x3FFD];
	_ =	sdelay $0x3  }
0x9e: {  	_ =	strace s6  }
0x9f: {  	_ =	strace $0x8FFFFFFF  }
0xa0: {  	s18 =	sld [smem:$0x3FDB];
	_ =	sdelay $0x1  }
0xa1: {  	s19 =	simm.s32 $_scs_section_size  }
0xa2: {  	s8 =	simm.s32 $_size__tile_overlayer_lowered;
	s9 =	simm.s32 $_tile_overlayer_lowered  }
0xa3: {  	s22 =	simm.s32 $0x1BFF;
	s21 =	sshll.u32 s9, $0x1;
	s6 =	sadd.s32 s19, s18  }
0xa4: {  	s10 =	simm.s32 $0x0;
	s20 =	sshll.u32 s8, $0x1;
	s8 =	sadd.s32 s21, s6  }
0xa5: {  	[timem:s10], [sflag:s22] =	dma.local [hbm:s8], s20  }
0xa6: {  	_ =	swait.ge [sflag:s22], s20  }
0xa7: {  	s7 =	ssub.s32 $0x0, s20;
	[sflag:s22] =	ssyncset.done $0x0  }
0xa8: {  	[sflag:s22] =	ssyncadd.s32 s7;
	_ =	sdelay $0x1  }
0xa9: {  	s23 =	simm.s32 $0x1B8B  }
0xaa: {  	_ =	swait.ge [sflag:s23], $0x1  }
0xab: {  	[sflag:s23] =	ssyncset.done $0x0  }
0xac: {  	s25 =	simm.s32 $0x1B8E;
	s24 =	sld [smem:$0x3FFE];
	[sflag:s23] =	ssyncadd.s32 $0xFFFFFFFF  }
0xad: {  	s26 =	simm.s32 $execute0_lowered;
	[smem:$0x3FD2] =	sst s25  }
0xae: {  	s8 =	sshll.u32 s26, $0x1;
	_ =	strace $0x80000046;
	[dreg:$0x1] =	wrdreg $0xFFFFFFFF  }
0xaf: {  	s28 =	simm.s32 $_size_execute0_lowered;
	s6 =	sadd.s32 s6, s8;
	[dreg:$0x0] =	wrdreg $0x0  }
0xb0: {  	s8 =	sshll.u32 s28, $0x1;
	[dreg:$0x2] =	wrdreg s6  }
0xb1: {  	[dreg:$0x3] =	wrdreg s8  }
0xb2: {  	[dreg:$0x4] =	wrdreg $0xC0  }
0xb3: {  	_ =	task [dreg:s10], $0x5FFFF  }
0xb4: {  	[dreg:$0x1] =	wrdreg $0xFFFFFFFF  }
0xb5: {  	[dreg:$0x0] =	wrdreg $0x60  }
0xb6: {  	[dreg:$0x2] =	wrdreg s15  }
0xb7: {  	[dreg:$0x3] =	wrdreg s4  }
0xb8: {  	[dreg:$0x4] =	wrdreg s5  }
0xb9: {  	[dreg:$0x5] =	wrdreg s16  }
0xba: {  	[dreg:$0x6] =	wrdreg s24  }
0xbb: {  	[dreg:$0x7] =	wrdreg $0x1B8800  }
0xbc: {  	[dreg:$0x8] =	wrdreg $0x9  }
0xbd: {  	_ =	task.clear_ibuf [dreg:s10], $0x9FFFF;
	_ =	strace $0x90000046  }
0xbe: {  	s29 =	simm.s32 $0x9;
	_ =	strace $0x80000048  }
0xbf: {  	_ =	swait.ge [sflag:s29], $0x1  }
0xc0: {  	[sflag:s29] =	ssyncadd.s32 $0xFFFFFFFF  }
0xc1: {  	_ =	strace $0x90000048  }
0xc2: {  	_ =	sfence  }
0xc3: {  	s30 =	sld [smem:$0x0];
	_ =	sdelay $0x2  }
0xc4: {  	s31 =	sshll.u32 s1, $0xD;
	s1 =	sshrl.u32 s1, $0x2  }
0xc5: {  	s3 =	sand.u32 $0x4000, s31;
	s1 =	sadd.s32 s1, s30  }
0xc6: {  	s0 =	sor.u32 s3, s0;
	s1 =	sshll.u32 s1, $0x11  }
0xc7: {  	s0 =	sor.u32 s1, s0  }
0xc8: {  	s0 =	sadd.s32 $0x8F2B, s0  }
0xc9: {  	[sflag:s0] =	ssyncadd.remote.s32 $0x1  }
0xca: {  	_ =	sfence.sel $0xFFFF  }
0xcb: {  	[dreg:$0x0] =	wrdreg $0xFFFFFFFF;
	(pc) =	sbr.abs _section_cstart, $3  }
0xcc: {  	[dreg:$0x1] =	wrdreg $0xFFFFFFFF  }
0xcd: {  	_ =	task.clear_ibuf [dreg:s10], $0x2FFFF;
	_ =	strace $0x9FFFFFFF  }
0xce: {  	(tm) =	ssettm $0x7FFFFFFF  }
0xcf: {  	_ =	shalt  }
tec
execute0_lowered:
.L_overlay_start_1:
0x0: {  	(tag) =	ssettag $0x1  }
0x1: {  	s0 =	rddreg [dreg:$0x0];
	v0 =	vimm.s32 $0xFEDCBA98;
	v1 =	vimm.s32 $0x76543210;
	v2 =	vimm.s32 $0xBA98FEDC  }
0x2: {  	s1 =	rddreg [dreg:$0x1];
	v3 =	vimm.s32 $0x32107654;
	v4 =	vimm.s32 $0xDCFE98BA;
	v5 =	vimm.s32 $0x54761032  }
0x3: {  	s3 =	srdreg.scid;
	s2 =	rddreg [dreg:$0x3];
	v6 =	vimm.s32 $0xEFCDAB89;
	v7 =	vimm.s32 $0x67452301;
	v0 =	vunpack.c.l.s4.s8 v0  }
0x4: {  	s6 =	stileid.u32;
	s9 =	rddreg [dreg:$0x4];
	s4 =	simm.s32 $0x0;
	v2 =	vunpack.c.l.s4.s8 v2;
	v3 =	vunpack.c.l.s4.s8 v3;
	v4 =	vunpack.c.l.s4.s8 v4  }
0x5: {  	s13 =	simm.s32 $0x3800;
	s14 =	simm.s32 $0x80;
	s15 =	simm.s32 $0xB800;
	v5 =	vunpack.c.l.s4.s8 v5;
	v6 =	vunpack.c.l.s4.s8 v6;
	v7 =	vunpack.c.l.s4.s8 v7  }
0x6: {  	s16 =	simm.s32 $0x7800;
	s17 =	simm.s32 $0xF800;
	s18 =	simm.s32 $0x1;
	v2 =	vunpack.c.0.s8.s32 v2;
	v3 =	vunpack.c.0.s8.s32 v3;
	v4 =	vunpack.c.0.s8.s32 v4  }
0x7: {  	s19 =	simm.s32 $0x3;
	s20 =	simm.s32 $0x13800;
	s21 =	simm.s32 $0x2;
	v5 =	vunpack.c.0.s8.s32 v5;
	v6 =	vunpack.c.0.s8.s32 v6;
	v7 =	vunpack.c.0.s8.s32 v7  }
0x8: {  	s22 =	simm.s32 $0x4;
	s23 =	simm.s32 $0x17800;
	s24 =	simm.s32 $0x5;
	v1 =	vunpack.c.l.s4.s8 v1;
	v2 =	vcombine.low v3, v2  }
0x9: {  	s25 =	simm.s32 $0x6;
	s7 =	sand.u32 $0x1, s3;
	s30 =	sshll.u32 s6, $0x1;
	v0 =	vunpack.c.0.s8.s32 v0;
	v3 =	vcombine.low v5, v4;
	v4 =	vcombine.low v7, v6  }
0xa: {  	s28 =	simm.s32 $0x0;
	s3 =	rddreg [dreg:$0x5];
	s8 =	sor.u32 s7, s30;
	v1 =	vunpack.c.0.s8.s32 v1  }
0xb: {  	[smem:$0x7FF] =	sst s4;
	p0 =	sne.s32 s6, $0x0;
	s5 =	smul.u32 $0x50, s8;
	v0 =	vand.u32 $0xF, v0;
	v60 =	vand.u32 $0xF, v4  }
0xc: {  	s7 =	ssub.s32 $0x2, s7;
	_ =	strace $0x80000047;
	s10 =	smul.u32 $0x500, s8;
	v63 =	vcombine.low v0, v1;
	v50 =	vand.u32 $0xF, v3;
	[tilespmem:$0x1FFC0] =	vst v60  }
0xd: {  	s11 =	sshrl.u32 s7, $0x1;
	s12 =	smul.u32 $0x28000, s8;
	s31 =	sshll.u32 s8, $0x4;
	[tilespmem:$0x1FFD0] =	vst v50  }
0xe: {  	s11 =	ssub.s32 s7, s11;
	s9 =	sadd.s32 s9, s31;
	s7 =	sadd.s32 s1, s10;
	v0 =	vand.u32 $0xF, v2;
	[tilespmem:$0x1FFE0] =	vst v63  }
0xf: {  	s8 =	sadd.s32 s0, s12;
	s10 =	smax.u32 s11, $0x1;
	s11 =	simm.s32 $0x7;
	[tilespmem:$0x1FFF0] =	vst v0;
	v3 =	vmov v0  }
.LBB2_1:
.Ltmp0:
0x10: {  	(pc) =	sbr.rel @p0 .LBB2_5-.Ltmp0, $1  }
0x11: {  	_ =	sdelay $0x3  }
0x12: {  	s1 =	simm.s32 $0x0;
	s6 =	rddreg [dreg:$0x2]  }
0x13: {  	[tilespmem:s1], [sflag:$0x7] =	stream.linear.gather [hbm4b:s6+s1], $0xD00, $0x38;
	[tilespmem:$0x1B950] =	vst v63  }
0x14: {  	_ =	swait.ge [sflag:s11], $0xD00  }
0x15: {  	[sflag:s11] =	ssyncset.done $0x0  }
0x16: {  	s1 =	simm.s32 $0x0;
	[sflag:s11] =	ssyncadd.s32 $0xFFFFF300  }
0x17: {  	v6 =	vld [tilespmem:s1+$0x0]  }
0x18: {  	v8 =	vld [tilespmem:s1+$0x10]  }
0x19: {  	v7 =	vld [tilespmem:s1+$0x20]  }
0x1a: {  	v5 =	vld [tilespmem:s1+$0x30]  }
0x1b: {  	v4 =	vld [tilespmem:s1+$0x40]  }
0x1c: {  	v9 =	vmax.f32 v6, $0.0e+00;
	v6 =	vld [tilespmem:s1+$0x50]  }
0x1d: {  	s6 =	simm.s32 $0x200;
	[tilespmem:s1+$0x0] =	vst v9;
	v9 =	vmax.f32 v8, $0.0e+00;
	v8 =	vld [tilespmem:s1+$0x60]  }
.LBB2_3:
0x1e: {  	s12 =	sshra.s32 s6, $0x2;
	p1 =	sne.s32 s6, $0x3200;
	[tilespmem:s1+$0x10] =	vst v9;
	v7 =	vmax.f32 v7, $0.0e+00;
	v9 =	vld [tilespmem:s1+$0x70]  }
0x1f: {  	v10 =	vld [tilespmem:s12+$0x0];
	[tilespmem:s1+$0x20] =	vst v7;
	v5 =	vmax.f32 v5, $0.0e+00  }
0x20: {  	v11 =	vld [tilespmem:s12+$0x10];
	[tilespmem:s1+$0x30] =	vst v5;
	v4 =	vmax.f32 v4, $0.0e+00  }
.Ltmp1:
0x21: {  	v7 =	vld [tilespmem:s12+$0x20];
	[tilespmem:s1+$0x40] =	vst v4;
	v4 =	vmax.f32 v6, $0.0e+00;
	(pc) =	sbr.rel @p1 .LBB2_3-.Ltmp1, $4  }
0x22: {  	v5 =	vld [tilespmem:s12+$0x30];
	[tilespmem:s1+$0x50] =	vst v4;
	v6 =	vmax.f32 v8, $0.0e+00  }
0x23: {  	v4 =	vld [tilespmem:s12+$0x40];
	[tilespmem:s1+$0x60] =	vst v6;
	v8 =	vmax.f32 v9, $0.0e+00  }
0x24: {  	v9 =	vmax.f32 v10, $0.0e+00;
	v6 =	vld [tilespmem:s12+$0x50];
	[tilespmem:s1+$0x70] =	vst v8;
	s1 =	smov.u32 s12  }
0x25: {  	s6 =	sadd.s32 $0x200, s6;
	[tilespmem:s1+$0x0] =	vst v9;
	v9 =	vmax.f32 v11, $0.0e+00;
	v8 =	vld [tilespmem:s1+$0x60]  }
0x26: {  	[tilespmem:s1+$0x10] =	vst v9;
	v7 =	vmax.f32 v7, $0.0e+00;
	v62 =	vld [tilespmem:s1+$0x70]  }
0x27: {  	[tilespmem:s1+$0x20] =	vst v7;
	v5 =	vmax.f32 v5, $0.0e+00  }
0x28: {  	[tilespmem:s1+$0x30] =	vst v5;
	v4 =	vmax.f32 v4, $0.0e+00  }
0x29: {  	[tilespmem:s1+$0x40] =	vst v4;
	v4 =	vmax.f32 v6, $0.0e+00  }
0x2a: {  	[tilespmem:s1+$0x50] =	vst v4;
	v4 =	vmax.f32 v8, $0.0e+00  }
0x2b: {  	[tilespmem:s1+$0x60] =	vst v4;
	v4 =	vmax.f32 v62, $0.0e+00  }
0x2c: {  	[tilespmem:s1+$0x70] =	vst v4  }
0x2d: {  	[spmem:s3] =	stream.linear.scatter [tilespmem:s4], [sflag:$0x7], $0xD00, $0x38;
	[tilespmem:$0x1B950] =	vst v63  }
0x2e: {  	_ =	swait.ge [sflag:s11], $0xD00  }
0x2f: {  	[sflag:s11] =	ssyncset.done $0x0  }
0x30: {  	[sflag:s11] =	ssyncadd.s32 $0xFFFFF300  }
.LBB2_5:
0x31: {  	s29 =	simm.s32 $0x0;
	s1 =	simm.s32 $0x1000  }
0x32: {  	[tilespmem:s1], [sflag:$0x7] =	stream.linear.gather [hbm4b:s7+s29], $0x2800, $0x38;
	[tilespmem:$0x1B950] =	vst v63  }
0x33: {  	_ =	swait.ge [sflag:s11], $0x2800  }
0x34: {  	[sflag:s11] =	ssyncset.done $0x0  }
0x35: {  	[sflag:s11] =	ssyncadd.s32 $0xFFFFD800  }
0x36: {  	[bflag:$0x0] =	sbarrier.arrive $0xFFFF  }
0x37: {  	[tilespmem:s13], [sflag:$0x1] =	stream.linear.gather [hbm4b:s8+s29], $0x4000, $0x38;
	[tilespmem:$0x1B950] =	vst v63  }
0x38: {  	v4 =	vimm.f32 $0.0e+00;
	v5 =	vimm.f32 $0.0e+00;
	v27 =	vimm.f32 $0.0e+00  }
0x39: {  	v23 =	vimm.f32 $0.0e+00;
	v28 =	vimm.f32 $0.0e+00;
	v7 =	vimm.f32 $0.0e+00;
	[tilespmem:s15], [sflag:$0x3] =	stream.indirect.gather [spmem:s3], $0x80, s1, s14, $0xb8;
	[tilespmem:$0x1B950] =	vst v63  }
.LBB2_6:
0x3a: {  	s1 =	sshllo.u32 s29, $0x1  }
0x3b: {  	s6 =	sadd.s32 s5, s1  }
0x3c: {  	s6 =	sshll.u32 s6, $0xB  }
0x3d: {  	s1 =	sshll.u32 s1, $0x7;
	s30 =	sand.u32 $0x1FFFF800, s6  }
0x3e: {  	s1 =	sand.u32 $0x3FFFFF80, s1;
	s6 =	sadd.s32 s0, s30  }
0x3f: {  	[tilespmem:s16], [sflag:$0x2] =	stream.linear.gather [hbm4b:s6+s4], $0x4000, $0x38;
	[tilespmem:$0x1B950] =	vst v63  }
0x40: {  	s1 =	sadd.s32 $0x1000, s1  }
0x41: {  	[tilespmem:s17], [sflag:$0x4] =	stream.indirect.gather [spmem:s3], $0x80, s1, s14, $0xb8;
	[tilespmem:$0x1B950] =	vst v63  }
0x42: {  	_ =	swait.ge [sflag:s18], $0x4000  }
0x43: {  	[sflag:s18] =	ssyncset.done $0x0  }
0x44: {  	[sflag:s18] =	ssyncadd.s32 $0xFFFFC000  }
0x45: {  	_ =	swait.ge [sflag:s19], $0x4000  }
0x46: {  	p1 =	seq.s32 s29, $0x0;
	[sflag:s19] =	ssyncset.done $0x0  }
0x47: {  	s1 =	simm.s32 @!p1 $0x5;
	[sflag:s19] =	ssyncadd.s32 $0xFFFFC000  }
0x48: {  	_ =	swait.ge @!p1 [sflag:s1], $0x4000  }
0x49: {  	[sflag:s1] =	ssyncset.done @!p1 $0x0  }
0x4a: {  	s31 =	simm.s32 $0x0;
	[sflag:s1] =	ssyncadd.s32 @!p1 $0xFFFFC000  }
0x4b: {  	v6 =	vld [tilespmem:s31+$0xB880]  }
0x4c: {  	v8 =	vld [tilespmem:s31+$0xB8A0]  }
0x4d: {  	v9 =	vld [tilespmem:s31+$0xB890]  }
0x4e: {  	v10 =	vld [tilespmem:s31+$0x3880]  }
0x4f: {  	v11 =	vld [tilespmem:s31+$0x3890]  }
0x50: {  	v12 =	vld [tilespmem:s31+$0x38A0];
	_ =	sdelay $0x1  }
0x51: {  	v13 =	vld [tilespmem:s31+$0x38B0]  }
0x52: {  	v14 =	vld [tilespmem:s31+$0xB8B0]  }
0x53: {  	v15 =	vld [tilespmem:s31+$0xB8C0];
	v31 =	vmul.f32 v6, v10;
	v22 =	vmul.f32 v9, v11  }
0x54: {  	v16 =	vld [tilespmem:s31+$0x38C0];
	v25 =	vmul.f32 v8, v12  }
0x55: {  	v18 =	vld [tilespmem:s31+$0xB8D0];
	v17 =	vmul.f32 v31, v31;
	v19 =	vmul.f32 v22, v22  }
0x56: {  	v21 =	vld [tilespmem:s31+$0x38D0]  }
0x57: {  	v24 =	vld [tilespmem:s31+$0xB8E0];
	v20 =	vmul.f32 v14, v13;
	v17 =	vadd.f32 v19, v17;
	v19 =	vmul.f32 v25, v25  }
0x58: {  	v33 =	vld [tilespmem:s31+$0x38E0]  }
0x59: {  	v34 =	vld [tilespmem:s31+$0xB8F0];
	v26 =	vmul.f32 v15, v16;
	v29 =	vmul.f32 v20, v20;
	v17 =	vadd.f32 v19, v17  }
0x5a: {  	v19 =	vld [tilespmem:s31+$0x38F0]  }
0x5b: {  	v32 =	vmul.f32 v26, v26;
	v17 =	vadd.f32 v29, v17;
	v29 =	vmul.f32 v18, v21;
	_ =	sdelay $0x1  }
0x5c: {  	v30 =	vmul.f32 v24, v33;
	v17 =	vadd.f32 v32, v17;
	v52 =	vmul.f32 v29, v29;
	_ =	sdelay $0x1  }
0x5d: {  	v35 =	vmul.f32 v30, v30;
	v32 =	vmul.f32 v34, v19;
	v17 =	vadd.f32 v52, v17  }
0x5e: {  	v6 =	vadd.f32 v6, v27  }
0x5f: {  	v53 =	vmul.f32 v32, v32;
	v17 =	vadd.f32 v35, v17  }
0x60: {  	v6 =	vadd.f32 v9, v6  }
0x61: {  	v39 =	vld [tilespmem:s31+$0x3820];
	v9 =	vmul.f32 v10, v10;
	v17 =	vadd.f32 v53, v17  }
0x62: {  	v40 =	vld [tilespmem:s31+$0x3800];
	v6 =	vadd.f32 v8, v6  }
0x63: {  	v41 =	vld [tilespmem:s31+$0x3840];
	v8 =	vadd.f32 v9, v28;
	v9 =	vmul.f32 v11, v11;
	v35 =	vperm.xlane v17, v63  }
0x64: {  	v27 =	vld [tilespmem:s31+$0xB820]  }
0x65: {  	v12 =	vmul.f32 v12, v12;
	v10 =	vld [tilespmem:s31+$0xB800];
	v9 =	vadd.f32 v9, v8;
	v17 =	vadd.f32 v17, v35  }
0x66: {  	v54 =	vld [tilespmem:s31+$0xB810];
	v16 =	vmul.f32 v16, v16;
	v6 =	vadd.f32 v14, v6  }
0x67: {  	v14 =	vld [tilespmem:s31+$0x3810];
	v9 =	vadd.f32 v12, v9;
	v12 =	vmul.f32 v13, v13;
	v11 =	vperm.xlane v17, v3  }
0x68: {  	v33 =	vmul.f32 v33, v33;
	v51 =	vmul.f32 v41, v41  }
0x69: {  	v37 =	vld [tilespmem:s31+$0x3830];
	v8 =	vmul.f32 v27, v39;
	v12 =	vadd.f32 v12, v9;
	v17 =	vadd.f32 v17, v11  }
0x6a: {  	v38 =	vld [tilespmem:s31+$0xB830];
	v6 =	vadd.f32 v15, v6;
	v15 =	vadd.f32 v10, v23;
	v10 =	vmul.f32 v10, v40  }
0x6b: {  	s6 =	simm.s32 $0x100;
	v42 =	vld [tilespmem:s31+$0xB860];
	v21 =	vmul.f32 v21, v21;
	v12 =	vadd.f32 v16, v12;
	v13 =	vperm.xlane v17, v50  }
0x6c: {  	v48 =	vld [tilespmem:s6+$0xB880];
	v6 =	vadd.f32 v18, v6;
	v15 =	vadd.f32 v54, v15;
	v9 =	vmul.f32 v54, v14  }
0x6d: {  	v61 =	vld [tilespmem:s6+$0xB890];
	v44 =	vmul.f32 v19, v19;
	v12 =	vadd.f32 v21, v12;
	v13 =	vadd.f32 v17, v13  }
0x6e: {  	v23 =	vld [tilespmem:s31+$0x3850];
	v6 =	vadd.f32 v24, v6;
	v24 =	vmul.f32 v10, v10;
	v28 =	vmul.f32 v9, v9  }
0x6f: {  	v15 =	vadd.f32 v27, v15;
	v33 =	vadd.f32 v33, v12;
	v17 =	vld [tilespmem:s31+$0xB840];
	v55 =	vperm.xlane v13, v60  }
0x70: {  	v18 =	vld [tilespmem:s31+$0xB850];
	v16 =	vmul.f32 v8, v8;
	v34 =	vadd.f32 v34, v6;
	v24 =	vadd.f32 v28, v24  }
0x71: {  	v33 =	vadd.f32 v44, v33;
	v44 =	vld [tilespmem:s6+$0xB8A0];
	v11 =	vmul.f32 v38, v37;
	v0 =	vadd.f32 v13, v55  }
0x72: {  	v14 =	vmul.f32 v14, v14;
	v34 =	vadd.f32 v48, v34;
	v16 =	vadd.f32 v16, v24;
	v35 =	vld [tilespmem:s31+$0x3860]  }
0x73: {  	v24 =	vmul.f32 v11, v11;
	v21 =	vmul.f32 $5.000000000e-01, v0;
	v19 =	vshra.s32 v0, $0x1  }
0x74: {  	v43 =	vld [tilespmem:s31+$0xB870];
	v15 =	vadd.f32 v38, v15;
	v13 =	vmul.f32 v17, v41;
	v45 =	vsub.s32 $0x5F3759DF, v19  }
0x75: {  	v36 =	vld [tilespmem:s6+$0x3830];
	v34 =	vadd.f32 v61, v34;
	v16 =	vadd.f32 v24, v16;
	v56 =	vmul.f32 v45, v21  }
0x76: {  	v27 =	vld [tilespmem:s31+$0x3870];
	v15 =	vadd.f32 v17, v15;
	v19 =	vmul.f32 v18, v23;
	v24 =	vmul.f32 v13, v13  }
0x77: {  	v58 =	vld [tilespmem:s6+$0x38A0];
	v34 =	vadd.f32 v44, v34;
	v12 =	vmul.f32 v42, v35;
	v17 =	vmul.f32 v45, v56  }
0x78: {  	v46 =	vld [tilespmem:s6+$0x38B0];
	v15 =	vadd.f32 v18, v15;
	v57 =	vmul.f32 v19, v19;
	v16 =	vadd.f32 v24, v16  }
0x79: {  	v28 =	vld [tilespmem:s6+$0xB830];
	v37 =	vmul.f32 v37, v37;
	v18 =	vmul.f32 v40, v40;
	v17 =	vsub.f32 $1.500000000e+00, v17  }
0x7a: {  	v47 =	vld [tilespmem:s6+$0xB8B0];
	v49 =	vmul.f32 v12, v12;
	v15 =	vadd.f32 v42, v15;
	v24 =	vadd.f32 v57, v16  }
0x7b: {  	v42 =	vld [tilespmem:s6+$0x3890];
	v7 =	vadd.f32 v18, v7;
	v16 =	vmul.f32 v43, v27;
	v59 =	vmul.f32 v45, v17  }
0x7c: {  	v38 =	vmul.f32 v23, v23;
	v18 =	vmul.f32 v44, v58;
	v17 =	vadd.f32 v49, v24;
	v49 =	vld [tilespmem:s6+$0x3880]  }
0x7d: {  	v7 =	vadd.f32 v14, v7;
	v23 =	vmul.f32 v16, v16;
	v21 =	vmul.f32 v59, v21  }
0x7e: {  	v24 =	vmul.f32 v39, v39;
	v39 =	vadd.f32 v43, v15;
	v15 =	vmul.f32 v28, v36  }
0x7f: {  	v41 =	vld [tilespmem:s6+$0xB8C0];
	[tilespmem:$0x1FFB0] =	vst v0;
	v23 =	vadd.f32 v23, v17;
	v17 =	vmul.f32 v47, v46;
	v21 =	vmul.f32 v21, v59  }
0x80: {  	v0 =	vmovc v50;
	v50 =	vld [tilespmem:s6+$0x38C0];
	v55 =	vadd.f32 v24, v7;
	v24 =	vmul.f32 v61, v42;
	v61 =	vmul.f32 v18, v18  }
0x81: {  	v56 =	vld [tilespmem:s6+$0x38E0];
	v52 =	vperm.xlane v23, v63;
	v54 =	vsub.f32 $1.500000000e+00, v21;
	v21 =	vmul.f32 v48, v49  }
0x82: {  	v34 =	vadd.f32 v47, v34;
	v43 =	vld [tilespmem:s6+$0xB8E0];
	v1 =	vmul.f32 v24, v24;
	v2 =	vmul.f32 v17, v17  }
0x83: {  	v45 =	vld [tilespmem:s6+$0x38D0];
	v23 =	vadd.f32 v23, v52;
	v7 =	vmul.f32 v54, v59;
	v62 =	vmul.f32 v21, v21  }
0x84: {  	v40 =	vadd.f32 v37, v55;
	v48 =	vmul.f32 v58, v58;
	v49 =	vmul.f32 v49, v49;
	v54 =	vld [tilespmem:s6+$0xB8D0]  }
0x85: {  	v53 =	vld [tilespmem:s6+$0xB820];
	v25 =	vmul.f32 v7, v25;
	v37 =	vadd.f32 v1, v62;
	v62 =	vperm.xlane v23, v3  }
0x86: {  	v34 =	vadd.f32 v41, v34;
	v14 =	vld [tilespmem:s6+$0x3820];
	v30 =	vmul.f32 v7, v30;
	v1 =	vmul.f32 v7, v26  }
0x87: {  	v57 =	vld [tilespmem:s6+$0xB8F0];
	v58 =	vmul.f32 v7, v29;
	[tilespmem:s31+$0x138A0] =	vst v25;
	v25 =	vmul.f32 v41, v50;
	v37 =	vadd.f32 v61, v37  }
0x88: {  	v33 =	vadd.f32 v49, v33;
	v29 =	vmul.f32 v43, v56;
	v32 =	vmul.f32 v7, v32;
	v55 =	vld [tilespmem:s6+$0x38F0]  }
0x89: {  	[tilespmem:s31+$0x138E0] =	vst v30;
	v26 =	vmul.f32 v54, v45;
	v30 =	vmul.f32 v25, v25;
	v37 =	vadd.f32 v2, v37  }
0x8a: {  	v31 =	vmul.f32 v7, v31;
	v44 =	vadd.f32 v23, v62;
	v23 =	vmul.f32 v42, v42;
	[tilespmem:s31+$0x138C0] =	vst v1  }
0x8b: {  	v22 =	vmul.f32 v7, v22;
	[tilespmem:s31+$0x138D0] =	vst v58;
	v2 =	vmul.f32 v26, v26;
	v30 =	vadd.f32 v30, v37  }
0x8c: {  	v58 =	vmul.f32 v29, v29;
	v52 =	vperm.xlane v44, v0;
	v33 =	vadd.f32 v23, v33;
	v49 =	vld [tilespmem:s6+$0xB800]  }
0x8d: {  	v62 =	vadd.f32 v54, v34;
	v37 =	vadd.f32 v2, v30;
	v30 =	vmul.f32 v57, v55  }
0x8e: {  	v1 =	vmul.f32 v46, v46;
	v41 =	vld [tilespmem:s6+$0xB810];
	v42 =	vadd.f32 v44, v52;
	v61 =	vadd.f32 v48, v33  }
0x8f: {  	v50 =	vmul.f32 v50, v50;
	[tilespmem:s31+$0x138F0] =	vst v32;
	v37 =	vadd.f32 v58, v37;
	v59 =	vmul.f32 v30, v30  }
0x90: {  	v43 =	vadd.f32 v43, v62;
	v2 =	vld [tilespmem:s6+$0xB850];
	[tilespmem:s31+$0x13880] =	vst v31;
	v31 =	vperm.xlane v42, v60;
	v32 =	vadd.f32 v1, v61  }
0x91: {  	v20 =	vmul.f32 v7, v20;
	v39 =	vadd.f32 v49, v39;
	v44 =	vadd.f32 v59, v37  }
0x92: {  	v52 =	vld [tilespmem:s6+$0x3850];
	[tilespmem:s31+$0x13890] =	vst v22;
	v22 =	vmul.f32 v45, v45;
	v33 =	vadd.f32 v42, v31;
	v31 =	vadd.f32 v50, v32  }
0x93: {  	v23 =	vmul.f32 v53, v14;
	v34 =	vld [tilespmem:s6+$0x3810];
	v39 =	vadd.f32 v41, v39;
	v54 =	vperm.xlane v44, v63  }
0x94: {  	v47 =	vld [tilespmem:s6+$0xB840];
	v32 =	vadd.f32 v57, v43;
	v57 =	vmul.f32 v35, v35;
	v22 =	vadd.f32 v22, v31  }
0x95: {  	v37 =	vmul.f32 v23, v23;
	v39 =	vadd.f32 v53, v39;
	v58 =	vadd.f32 v44, v54  }
0x96: {  	v31 =	vmul.f32 v56, v56;
	v59 =	vmul.f32 v55, v55;
	v61 =	vshra.s32 v33, $0x1  }
0x97: {  	v1 =	vsub.s32 $0x5F3759DF, v61;
	v39 =	vadd.f32 v28, v39;
	v44 =	vperm.xlane v58, v3  }
0x98: {  	v46 =	vld [tilespmem:s6+$0xB860];
	v22 =	vadd.f32 v31, v22;
	v28 =	vmul.f32 v2, v52;
	v41 =	vmul.f32 v41, v34  }
0x99: {  	v53 =	vld [tilespmem:s6+$0x3800];
	v39 =	vadd.f32 v47, v39;
	v62 =	vadd.f32 v58, v44;
	v44 =	vmul.f32 $5.000000000e-01, v33  }
0x9a: {  	v31 =	vadd.f32 v59, v22;
	v22 =	vadd.f32 v51, v40;
	v40 =	vmul.f32 v36, v36  }
0x9b: {  	[tilespmem:s31+$0x138B0] =	vst v20;
	v59 =	vmul.f32 v27, v27;
	v20 =	vadd.f32 v2, v39;
	v2 =	vmul.f32 v1, v44  }
0x9c: {  	v45 =	vld [tilespmem:s6+$0xB870];
	v50 =	vmul.f32 v28, v28;
	v51 =	vmul.f32 v41, v41;
	v22 =	vadd.f32 v38, v22  }
0x9d: {  	v56 =	vperm.xlane v62, v0;
	v58 =	vmul.f32 v1, v2  }
0x9e: {  	v42 =	vmul.f32 v49, v53;
	v61 =	vadd.f32 v57, v22;
	v20 =	vadd.f32 v46, v20  }
0x9f: {  	v38 =	vmul.f32 v53, v53;
	v48 =	vadd.f32 v62, v56;
	v62 =	vsub.f32 $1.500000000e+00, v58  }
0xa0: {  	v39 =	vld [tilespmem:s6+$0x3840];
	v35 =	vmul.f32 v42, v42;
	v22 =	vmul.f32 v52, v52;
	v43 =	vadd.f32 v59, v61  }
0xa1: {  	s26 =	simm.s32 $0x800;
	s1 =	sshll.u32 s29, $0x1;
	v36 =	vmovc v15;
	v27 =	vadd.f32 v45, v20;
	v20 =	vld [tilespmem:s6+$0x3870];
	v49 =	vperm.xlane v48, v60;
	v52 =	vmul.f32 v1, v62  }
.LBB2_7:
0xa2: {  	v54 =	vmul.f32 v34, v34;
	v53 =	vadd.f32 v51, v35;
	v43 =	vadd.f32 v38, v43  }
0xa3: {  	s12 =	sshra.s32 s26, $0x2;
	v14 =	vmul.f32 v14, v14;
	v35 =	vld [tilespmem:s6+$0x3860];
	v48 =	vadd.f32 v48, v49;
	v55 =	vmul.f32 v52, v44  }
0xa4: {  	v36 =	vmul.f32 v36, v15;
	v38 =	vld [tilespmem:s12+$0x3830];
	v37 =	vadd.f32 v37, v53;
	v43 =	vadd.f32 v54, v43  }
0xa5: {  	v44 =	vld [tilespmem:s12+$0xB830];
	v53 =	vmul.f32 $5.000000000e-01, v48;
	v62 =	vshra.s32 v48, $0x1;
	v55 =	vmul.f32 v55, v52  }
0xa6: {  	v57 =	vld [tilespmem:s12+$0xB8B0];
	v49 =	vmul.f32 v47, v39;
	v54 =	vsub.s32 $0x5F3759DF, v62;
	v58 =	vmul.f32 v45, v20  }
0xa7: {  	v59 =	vld [tilespmem:s12+$0xB8A0];
	v14 =	vadd.f32 v14, v43;
	v56 =	vmul.f32 v54, v53;
	v1 =	vsub.f32 $1.500000000e+00, v55  }
0xa8: {  	v61 =	vld [tilespmem:s12+$0x3880];
	v36 =	vadd.f32 v36, v37;
	v0 =	vmul.f32 v49, v49;
	v43 =	vmul.f32 v46, v35  }
0xa9: {  	v47 =	vld [tilespmem:s12+$0x38B0];
	v40 =	vadd.f32 v40, v14;
	v14 =	vmul.f32 v54, v56;
	v45 =	vmul.f32 v1, v52  }
0xaa: {  	v39 =	vmul.f32 v39, v39;
	v55 =	vld [tilespmem:s12+$0xB880];
	v36 =	vadd.f32 v0, v36;
	v2 =	vmul.f32 v43, v43  }
0xab: {  	v46 =	vld [tilespmem:s12+$0xB820];
	v0 =	vmul.f32 v58, v58;
	v60 =	vsub.f32 $1.500000000e+00, v14;
	v33 =	vmul.f32 v45, v33  }
0xac: {  	v52 =	vld [tilespmem:s12+$0x38A0];
	v1 =	vmul.f32 v45, v10;
	v39 =	vadd.f32 v39, v40;
	v40 =	vmul.f32 v38, v38  }
0xad: {  	v56 =	vld [tilespmem:s12+$0xB890];
	v50 =	vadd.f32 v50, v36;
	v36 =	vmul.f32 v44, v38;
	v54 =	vmul.f32 v54, v60  }
0xae: {  	v14 =	vld [tilespmem:s12+$0x3820];
	v10 =	vmov v42;
	v60 =	vmul.f32 v45, v9;
	v33 =	vmul.f32 v33, v45  }
0xaf: {  	v42 =	vld [tilespmem:s12+$0x3890];
	v9 =	vmovc v41;
	v41 =	vmul.f32 v57, v47;
	v47 =	vmul.f32 v47, v47;
	v62 =	vadd.f32 v2, v50  }
0xb0: {  	v6 =	vld [tilespmem:$0x1FFF0];
	v50 =	vmul.f32 v55, v61;
	v53 =	vmul.f32 v54, v53;
	v5 =	vadd.f32 v33, v5  }
0xb1: {  	v34 =	vld [tilespmem:s12+$0xB8E0];
	v33 =	vmul.f32 v59, v52;
	v52 =	vmul.f32 v52, v52;
	v37 =	vadd.f32 v0, v62  }
0xb2: {  	v51 =	vld [tilespmem:s12+$0xB8C0];
	v32 =	vadd.f32 v55, v32;
	[tilespmem:s31+$0x13810] =	vst v60;
	v60 =	vmul.f32 v41, v41;
	v0 =	vmul.f32 v45, v8  }
0xb3: {  	[tilespmem:s31+$0x13800] =	vst v1;
	v2 =	vmul.f32 v53, v54;
	v62 =	vperm.xlane v37, v63  }
0xb4: {  	v32 =	vadd.f32 v56, v32;
	v8 =	vmovc v23;
	v23 =	vmul.f32 v46, v14;
	v56 =	vmul.f32 v56, v42  }
0xb5: {  	v42 =	vmul.f32 v42, v42;
	[tilespmem:s31+$0x13820] =	vst v0;
	v1 =	vsub.f32 $1.500000000e+00, v2;
	v53 =	vadd.f32 v37, v62  }
0xb6: {  	v32 =	vadd.f32 v59, v32;
	v55 =	vmul.f32 v56, v56;
	v2 =	vmul.f32 v61, v61;
	v61 =	vld [tilespmem:s12+$0x38C0]  }
0xb7: {  	v59 =	vld [tilespmem:s12+$0xB8D0];
	v54 =	vmul.f32 v1, v54;
	v63 =	vperm.xlane v53, v6  }
0xb8: {  	v32 =	vadd.f32 v57, v32;
	v0 =	vld [tilespmem:s12+$0x38D0];
	v62 =	vmul.f32 v50, v50;
	v37 =	vmul.f32 v23, v23  }
0xb9: {  	v3 =	vld [tilespmem:$0x1FFD0];
	v31 =	vadd.f32 v2, v31;
	v53 =	vadd.f32 v53, v63;
	v63 =	vmul.f32 v54, v18;
	v18 =	vmovc v33  }
0xba: {  	v57 =	vld [tilespmem:s12+$0xB8F0];
	v55 =	vadd.f32 v55, v62;
	v29 =	vmul.f32 v54, v29;
	v33 =	vmul.f32 v33, v18  }
0xbb: {  	v62 =	vld [tilespmem:s12+$0x38E0];
	v1 =	vmul.f32 v54, v25;
	v2 =	vmul.f32 v54, v26;
	v31 =	vadd.f32 v42, v31;
	[tilespmem:s6+$0x138A0] =	vst v63  }
0xbc: {  	v24 =	vmul.f32 v54, v24;
	v25 =	vmul.f32 v51, v61;
	v33 =	vadd.f32 v33, v55;
	v55 =	vld [tilespmem:s12+$0x38F0];
	[tilespmem:s6+$0x138E0] =	vst v29  }
0xbd: {  	v26 =	vmul.f32 v59, v0;
	v31 =	vadd.f32 v52, v31;
	[tilespmem:s6+$0x138C0] =	vst v1;
	v1 =	vmul.f32 v45, v11  }
0xbe: {  	v63 =	vperm.xlane v53, v3;
	v42 =	vmul.f32 v25, v25;
	[tilespmem:s6+$0x138D0] =	vst v2;
	v2 =	vadd.f32 v51, v32  }
0xbf: {  	v52 =	vld [tilespmem:$0x1FFB0];
	v32 =	vmul.f32 v26, v26;
	v11 =	vadd.f32 v60, v33;
	[tilespmem:s31+$0x13830] =	vst v1;
	v1 =	vmul.f32 v45, v13  }
0xc0: {  	v30 =	vmul.f32 v54, v30;
	v29 =	vmul.f32 v34, v62;
	v60 =	vld [tilespmem:$0x1FFC0];
	v33 =	vadd.f32 v53, v63  }
0xc1: {  	v13 =	vmov v49;
	v49 =	vld [tilespmem:s12+$0xB800];
	v11 =	vadd.f32 v42, v11;
	[tilespmem:s31+$0x13840] =	vst v1;
	v1 =	vmul.f32 v45, v19  }
0xc2: {  	v51 =	vmul.f32 v29, v29;
	v2 =	vadd.f32 v59, v2;
	v59 =	vmul.f32 v45, v16  }
0xc3: {  	v19 =	vmul.f32 v57, v55;
	v53 =	vadd.f32 v32, v11;
	v32 =	vmov v48;
	v48 =	vld [tilespmem:s12+$0xB810];
	[tilespmem:s31+$0x13850] =	vst v1  }
0xc4: {  	v22 =	vadd.f32 v22, v39;
	v21 =	vmul.f32 v54, v21;
	v52 =	vmul.f32 v7, v52;
	[tilespmem:s31+$0x13870] =	vst v59  }
0xc5: {  	v63 =	vld [tilespmem:$0x1FFE0];
	v2 =	vadd.f32 v34, v2;
	[tilespmem:$0x1FFB0] =	vst v32;
	v32 =	vadd.f32 v51, v53;
	v51 =	vmul.f32 v19, v19  }
0xc6: {  	v52 =	vmul.f32 v52, v7;
	v42 =	vperm.xlane v33, v60;
	[tilespmem:s6+$0x138F0] =	vst v30;
	v30 =	vadd.f32 v47, v31  }
0xc7: {  	v31 =	vmul.f32 v61, v61;
	v59 =	vadd.f32 v49, v27;
	v27 =	vadd.f32 v51, v32;
	v51 =	vld [tilespmem:s12+$0xB850];
	[tilespmem:s6+$0x13880] =	vst v21  }
0xc8: {  	v0 =	vmul.f32 v0, v0;
	v4 =	vadd.f32 v52, v4;
	v33 =	vadd.f32 v33, v42;
	v53 =	vld [tilespmem:s12+$0x3850];
	[tilespmem:s6+$0x13890] =	vst v24  }
0xc9: {  	v42 =	vadd.f32 v31, v30;
	v31 =	vmul.f32 v55, v55;
	v1 =	vadd.f32 v48, v59;
	v47 =	vld [tilespmem:s12+$0xB840]  }
0xca: {  	v32 =	vadd.f32 v57, v2;
	v57 =	vmul.f32 v62, v62;
	v61 =	vperm.xlane v27, v63;
	v34 =	vld [tilespmem:s12+$0x3810]  }
0xcb: {  	v62 =	vmul.f32 v45, v12;
	v59 =	vshra.s32 v33, $0x1;
	v2 =	vld [tilespmem:s12+$0x3800];
	v1 =	vadd.f32 v46, v1  }
0xcc: {  	v16 =	vmovc v58;
	v7 =	vmovc v54;
	v0 =	vadd.f32 v0, v42;
	v52 =	vsub.s32 $0x5F3759DF, v59;
	v27 =	vadd.f32 v27, v61  }
0xcd: {  	v30 =	vmovc v19;
	v19 =	vmovc v28;
	v61 =	vmul.f32 v7, v17;
	v1 =	vadd.f32 v44, v1;
	v44 =	vmul.f32 $5.000000000e-01, v33  }
0xce: {  	v46 =	vld [tilespmem:s12+$0xB860];
	v0 =	vadd.f32 v57, v0;
	v17 =	vmovc v41;
	v58 =	vperm.xlane v27, v6;
	v28 =	vmul.f32 v51, v53  }
0xcf: {  	[tilespmem:s6+$0x138B0] =	vst v61;
	v61 =	vmul.f32 v20, v20;
	v1 =	vadd.f32 v47, v1;
	v41 =	vmul.f32 v48, v34  }
0xd0: {  	v24 =	vmovc v56;
	v42 =	vmul.f32 v49, v2;
	v56 =	vmul.f32 v52, v44;
	v27 =	vadd.f32 v27, v58  }
0xd1: {  	p2 =	sne.s32 s26, $0xFC00;
	v45 =	vld [tilespmem:s12+$0xB870];
	v38 =	vmul.f32 v2, v2;
	v58 =	vmul.f32 v35, v35;
	v1 =	vadd.f32 v51, v1  }
.Ltmp2:
0xd2: {  	v21 =	vmovc v50;
	v31 =	vadd.f32 v31, v0;
	v59 =	vmul.f32 v52, v56;
	v57 =	vperm.xlane v27, v3;
	(pc) =	sbr.rel @p2 .LBB2_7-.Ltmp2, $4  }
0xd3: {  	v12 =	vmovc v43;
	v50 =	vmul.f32 v28, v28;
	v43 =	vadd.f32 v58, v22;
	v0 =	vadd.f32 v46, v1  }
0xd4: {  	[tilespmem:s31+$0x13860] =	vst v62;
	s31 =	smov.u32 s6;
	s6 =	smov.u32 s12;
	v35 =	vmul.f32 v42, v42;
	v62 =	vsub.f32 $1.500000000e+00, v59;
	v48 =	vadd.f32 v27, v57  }
0xd5: {  	v11 =	vmovc v15;
	v39 =	vld [tilespmem:s6+$0x3840];
	v51 =	vmul.f32 v41, v41;
	v22 =	vmul.f32 v53, v53;
	v43 =	vadd.f32 v61, v43  }
0xd6: {  	s26 =	sadd.s32 $0x400, s26;
	v15 =	vmovc v36;
	v20 =	vld [tilespmem:s6+$0x3870];
	v27 =	vadd.f32 v45, v0;
	v52 =	vmul.f32 v52, v62;
	v49 =	vperm.xlane v48, v60  }
0xd7: {  	_ = 	snop  }
0xd8: {  	v0 =	vadd.f32 v51, v35  }
0xd9: {  	v35 =	vld [tilespmem:s6+$0x3860]  }
0xda: {  	v1 =	vmul.f32 v36, v15;
	v0 =	vadd.f32 v37, v0;
	v2 =	vmul.f32 v47, v39;
	_ =	sdelay $0x1  }
0xdb: {  	v0 =	vadd.f32 v1, v0;
	v55 =	vmul.f32 v2, v2;
	_ =	sdelay $0x1  }
0xdc: {  	v1 =	vmul.f32 v46, v35;
	v0 =	vadd.f32 v55, v0;
	_ =	sdelay $0x1  }
0xdd: {  	v37 =	vmul.f32 v45, v20;
	v56 =	vmul.f32 v1, v1;
	v0 =	vadd.f32 v50, v0;
	_ =	sdelay $0x1  }
0xde: {  	v57 =	vmul.f32 v37, v37;
	v0 =	vadd.f32 v56, v0;
	_ =	sdelay $0x1  }
0xdf: {  	v0 =	vadd.f32 v57, v0  }
0xe0: {  	v3 =	vld [tilespmem:$0x1FFF0]  }
0xe1: {  	v58 =	vperm.xlane v0, v63  }
0xe2: {  	v36 =	vadd.f32 v48, v49  }
0xe3: {  	v0 =	vadd.f32 v0, v58  }
0xe4: {  	v59 =	vshra.s32 v36, $0x1;
	v45 =	vmul.f32 $5.000000000e-01, v36;
	v56 =	vld [tilespmem:$0x1FFD0]  }
0xe5: {  	v46 =	vsub.s32 $0x5F3759DF, v59;
	v61 =	vperm.xlane v0, v3  }
0xe6: {  	v62 =	vmul.f32 v46, v45  }
0xe7: {  	v0 =	vadd.f32 v0, v61  }
0xe8: {  	v53 =	vmul.f32 v46, v62  }
0xe9: {  	v54 =	vperm.xlane v0, v56  }
0xea: {  	v47 =	vsub.f32 $1.500000000e+00, v53  }
0xeb: {  	v44 =	vmul.f32 v52, v44;
	v0 =	vadd.f32 v0, v54  }
0xec: {  	v46 =	vmul.f32 v46, v47  }
0xed: {  	v44 =	vmul.f32 v44, v52;
	v55 =	vperm.xlane v0, v60  }
0xee: {  	v45 =	vmul.f32 v46, v45  }
0xef: {  	v57 =	vsub.f32 $1.500000000e+00, v44;
	v44 =	vadd.f32 v0, v55  }
0xf0: {  	v58 =	vmul.f32 v45, v46  }
0xf1: {  	v45 =	vmul.f32 v57, v52;
	v47 =	vshra.s32 v44, $0x1;
	v59 =	vmul.f32 $5.000000000e-01, v44  }
0xf2: {  	v0 =	vsub.f32 $1.500000000e+00, v58;
	v47 =	vsub.s32 $0x5F3759DF, v47  }
0xf3: {  	v10 =	vmul.f32 v45, v10;
	v61 =	vmul.f32 v47, v59  }
0xf4: {  	v62 =	vmul.f32 v45, v9;
	v9 =	vmul.f32 v0, v46  }
0xf5: {  	[tilespmem:s31+$0x13800] =	vst v10;
	v46 =	vmul.f32 v45, v8;
	v8 =	vmul.f32 v47, v61  }
0xf6: {  	[tilespmem:s31+$0x13810] =	vst v62;
	v10 =	vmul.f32 v9, v18  }
0xf7: {  	[tilespmem:s31+$0x13820] =	vst v46;
	v51 =	vmul.f32 v9, v29;
	v8 =	vsub.f32 $1.500000000e+00, v8  }
0xf8: {  	[tilespmem:s6+$0x138A0] =	vst v10;
	v10 =	vmul.f32 v9, v26  }
0xf9: {  	v18 =	vmul.f32 v9, v25;
	[tilespmem:s6+$0x138E0] =	vst v51;
	v52 =	vmul.f32 v47, v8  }
0xfa: {  	[tilespmem:s6+$0x138D0] =	vst v10;
	v10 =	vmul.f32 v45, v13  }
0xfb: {  	[tilespmem:s6+$0x138C0] =	vst v18;
	v8 =	vmul.f32 v45, v11;
	v11 =	vmul.f32 v52, v59  }
0xfc: {  	[tilespmem:s31+$0x13840] =	vst v10;
	v10 =	vmul.f32 v45, v16  }
0xfd: {  	[tilespmem:s31+$0x13830] =	vst v8;
	v8 =	vmul.f32 v45, v19;
	v11 =	vmul.f32 v11, v52  }
0xfe: {  	v13 =	vmul.f32 v9, v21;
	[tilespmem:s31+$0x13870] =	vst v10  }
0xff: {  	[tilespmem:s31+$0x13850] =	vst v8;
	v8 =	vmul.f32 v9, v30;
	v10 =	vsub.f32 $1.500000000e+00, v11  }
0x100: {  	[tilespmem:s6+$0x13880] =	vst v13;
	v11 =	vmul.f32 v9, v24  }
0x101: {  	[tilespmem:s6+$0x138F0] =	vst v8;
	v8 =	vmul.f32 v9, v17;
	v0 =	vmul.f32 v10, v52  }
0x102: {  	[tilespmem:s6+$0x13890] =	vst v11;
	v10 =	vmul.f32 v45, v12  }
0x103: {  	[tilespmem:s6+$0x138B0] =	vst v8;
	v8 =	vmul.f32 v0, v42  }
0x104: {  	[tilespmem:s31+$0x13860] =	vst v10;
	v10 =	vmul.f32 v0, v41  }
0x105: {  	v2 =	vmul.f32 v0, v2;
	[tilespmem:s6+$0x13800] =	vst v8  }
0x106: {  	v53 =	vmul.f32 v0, v37;
	[tilespmem:s6+$0x13810] =	vst v10  }
0x107: {  	v1 =	vmul.f32 v0, v1;
	[tilespmem:s6+$0x13840] =	vst v2  }
0x108: {  	v8 =	vmul.f32 v0, v23;
	[tilespmem:s6+$0x13870] =	vst v53  }
0x109: {  	s12 =	sadd.s32 s5, s1;
	v10 =	vmul.f32 v0, v15;
	[tilespmem:s6+$0x13860] =	vst v1  }
0x10a: {  	s12 =	sshll.u32 s12, $0xB;
	[tilespmem:s6+$0x13820] =	vst v8;
	v8 =	vmul.f32 v0, v28  }
0x10b: {  	s26 =	sadd.s32 s2, s12;
	s12 =	smin.u32 s1, $0x4D;
	[tilespmem:s6+$0x13830] =	vst v10  }
0x10c: {  	s1 =	sadd.s32 $0x2, s12;
	[tilespmem:s6+$0x13850] =	vst v8  }
0x10d: {  	[hbm4b:s26+s4] =	stream.linear.scatter [tilespmem:s20], [sflag:$0x5], $0x4000, $0x38;
	[tilespmem:$0x1B950] =	vst v63  }
0x10e: {  	s26 =	sadd.s32 s5, s1  }
0x10f: {  	s6 =	sshll.u32 s26, $0xB  }
0x110: {  	s1 =	sshll.u32 s1, $0x7;
	s6 =	sadd.s32 s0, s6  }
0x111: {  	[tilespmem:s13], [sflag:$0x1] =	stream.linear.gather [hbm4b:s6+s4], $0x4000, $0x38;
	[tilespmem:$0x1B950] =	vst v63  }
0x112: {  	s1 =	sadd.s32 $0x1000, s1  }
0x113: {  	[tilespmem:s15], [sflag:$0x3] =	stream.indirect.gather [spmem:s3], $0x80, s1, s14, $0xb8;
	[tilespmem:$0x1B950] =	vst v63  }
0x114: {  	_ =	swait.ge [sflag:s21], $0x4000  }
0x115: {  	[sflag:s21] =	ssyncset.done $0x0  }
0x116: {  	[sflag:s21] =	ssyncadd.s32 $0xFFFFC000  }
0x117: {  	_ =	swait.ge [sflag:s22], $0x4000  }
0x118: {  	[sflag:s22] =	ssyncset.done $0x0  }
0x119: {  	s1 =	simm.s32 @!p1 $0x6;
	[sflag:s22] =	ssyncadd.s32 $0xFFFFC000  }
0x11a: {  	_ =	swait.ge @!p1 [sflag:s1], $0x4000  }
0x11b: {  	[sflag:s1] =	ssyncset.done @!p1 $0x0  }
0x11c: {  	s31 =	simm.s32 $0x0;
	v6 =	vld [tilespmem:$0x1FFB0];
	[sflag:s1] =	ssyncadd.s32 @!p1 $0xFFFFC000  }
0x11d: {  	v54 =	vld [tilespmem:s31+$0xF880]  }
0x11e: {  	v61 =	vld [tilespmem:s31+$0xF8A0]  }
0x11f: {  	v8 =	vld [tilespmem:s31+$0xF890]  }
0x120: {  	v10 =	vld [tilespmem:s31+$0x7880]  }
0x121: {  	v11 =	vld [tilespmem:s31+$0x7890]  }
0x122: {  	v12 =	vld [tilespmem:s31+$0x78A0]  }
0x123: {  	v13 =	vld [tilespmem:s31+$0x78B0]  }
0x124: {  	v15 =	vld [tilespmem:s31+$0xF8B0]  }
0x125: {  	v16 =	vld [tilespmem:s31+$0xF8C0]  }
0x126: {  	v17 =	vld [tilespmem:s31+$0x78C0];
	v28 =	vmul.f32 v54, v10;
	v26 =	vmul.f32 v8, v11  }
0x127: {  	v14 =	vmul.f32 v14, v14;
	v19 =	vld [tilespmem:s31+$0xF8D0];
	v24 =	vmul.f32 v61, v12  }
0x128: {  	v62 =	vld [tilespmem:s31+$0x78D0];
	v18 =	vmul.f32 v28, v28;
	v21 =	vmul.f32 v26, v26  }
0x129: {  	v20 =	vmul.f32 v20, v20;
	v33 =	vmul.f32 v45, v33;
	v30 =	vadd.f32 v38, v43;
	v55 =	vld [tilespmem:s31+$0xF8E0]  }
0x12a: {  	v38 =	vld [tilespmem:s31+$0x78E0];
	v23 =	vmul.f32 v15, v13;
	v18 =	vadd.f32 v21, v18;
	v21 =	vmul.f32 v24, v24  }
0x12b: {  	v29 =	vmul.f32 v34, v34;
	v51 =	vmul.f32 v9, v36  }
0x12c: {  	v58 =	vld [tilespmem:s31+$0xF8F0];
	v25 =	vmul.f32 v16, v17;
	v57 =	vmul.f32 v23, v23;
	v18 =	vadd.f32 v21, v18  }
0x12d: {  	v47 =	vmul.f32 v39, v39;
	v59 =	vld [tilespmem:s31+$0x78F0];
	v1 =	vadd.f32 v54, v32;
	v21 =	vadd.f32 v29, v30  }
0x12e: {  	v30 =	vmul.f32 v25, v25;
	v29 =	vmul.f32 v19, v62;
	v18 =	vadd.f32 v57, v18  }
0x12f: {  	v6 =	vmul.f32 v7, v6;
	v37 =	vmul.f32 v55, v38;
	v1 =	vadd.f32 v8, v1  }
0x130: {  	v8 =	vld [tilespmem:s31+$0xF800];
	v14 =	vadd.f32 v14, v21;
	v21 =	vmul.f32 v29, v29;
	v18 =	vadd.f32 v30, v18  }
0x131: {  	v6 =	vmul.f32 v6, v7;
	v48 =	vmul.f32 v37, v37  }
0x132: {  	v14 =	vadd.f32 v40, v14;
	v30 =	vmul.f32 v58, v59;
	v18 =	vadd.f32 v21, v18  }
0x133: {  	v53 =	vld [tilespmem:s31+$0xF810];
	v6 =	vadd.f32 v6, v4;
	v4 =	vmul.f32 v0, v44;
	v1 =	vadd.f32 v61, v1  }
0x134: {  	v14 =	vadd.f32 v47, v14;
	v49 =	vmul.f32 v30, v30;
	v18 =	vadd.f32 v48, v18  }
0x135: {  	v54 =	vadd.f32 v15, v1;
	v15 =	vadd.f32 v8, v27;
	v21 =	vmul.f32 v33, v45  }
0x136: {  	v7 =	vmul.f32 v35, v35;
	v27 =	vld [tilespmem:s31+$0x7840];
	v14 =	vadd.f32 v22, v14;
	v18 =	vadd.f32 v49, v18  }
0x137: {  	v52 =	vmul.f32 v51, v9;
	v0 =	vmul.f32 v4, v0;
	v5 =	vadd.f32 v21, v5  }
0x138: {  	v36 =	vld [tilespmem:s31+$0x7820];
	v2 =	vadd.f32 v53, v15;
	v7 =	vadd.f32 v7, v14;
	v50 =	vperm.xlane v18, v63  }
0x139: {  	v9 =	vmul.f32 v11, v11;
	v32 =	vld [tilespmem:s31+$0x7800];
	v4 =	vadd.f32 v0, v5;
	v0 =	vadd.f32 v16, v54  }
0x13a: {  	v14 =	vld [tilespmem:s31+$0xF820];
	v20 =	vadd.f32 v20, v7;
	v7 =	vmul.f32 v10, v10;
	v10 =	vadd.f32 v18, v50  }
0x13b: {  	v51 =	vmul.f32 v27, v27;
	v5 =	vadd.f32 v52, v6;
	v0 =	vadd.f32 v19, v0;
	v19 =	vld [tilespmem:s31+$0x7850]  }
0x13c: {  	v1 =	vld [tilespmem:s31+$0x7810];
	v6 =	vmul.f32 v12, v12;
	v7 =	vadd.f32 v7, v31;
	v11 =	vperm.xlane v10, v3  }
0x13d: {  	v12 =	vmul.f32 v13, v13;
	v52 =	vmul.f32 v38, v38;
	v0 =	vadd.f32 v55, v0  }
0x13e: {  	v21 =	vld [tilespmem:s31+$0x7830];
	v31 =	vmul.f32 v62, v62;
	v9 =	vadd.f32 v9, v7;
	v10 =	vadd.f32 v10, v11  }
0x13f: {  	v22 =	vld [tilespmem:s31+$0xF830];
	v2 =	vadd.f32 v14, v2;
	v7 =	vmul.f32 v14, v36;
	v14 =	vmul.f32 v59, v59  }
0x140: {  	s6 =	simm.s32 $0x100;
	v40 =	vmul.f32 v19, v19;
	v6 =	vadd.f32 v6, v9;
	v13 =	vperm.xlane v10, v56  }
0x141: {  	v54 =	vld [tilespmem:s6+$0xF880];
	v0 =	vadd.f32 v58, v0;
	v9 =	vmul.f32 v8, v32;
	v8 =	vmul.f32 v53, v1  }
0x142: {  	v58 =	vld [tilespmem:s6+$0x78A0];
	v6 =	vadd.f32 v12, v6;
	v12 =	vmul.f32 v17, v17;
	v10 =	vadd.f32 v10, v13  }
0x143: {  	v17 =	vmul.f32 v9, v9;
	v15 =	vmul.f32 v8, v8  }
0x144: {  	v2 =	vadd.f32 v22, v2;
	v11 =	vmul.f32 v22, v21;
	v13 =	vld [tilespmem:s31+$0xF840];
	v18 =	vperm.xlane v10, v60  }
0x145: {  	v55 =	vmul.f32 v7, v7;
	v1 =	vmul.f32 v1, v1;
	v15 =	vadd.f32 v15, v17  }
0x146: {  	v16 =	vld [tilespmem:s31+$0xF850];
	v0 =	vadd.f32 v54, v0;
	v59 =	vmul.f32 v11, v11;
	v62 =	vadd.f32 v10, v18  }
0x147: {  	v34 =	vld [tilespmem:s31+$0x7860];
	v45 =	vmul.f32 v58, v58;
	v12 =	vadd.f32 v12, v6;
	v15 =	vadd.f32 v55, v15  }
0x148: {  	v33 =	vld [tilespmem:s31+$0xF860];
	v55 =	vmul.f32 v21, v21;
	v17 =	vmul.f32 $5.000000000e-01, v62;
	v18 =	vshra.s32 v62, $0x1  }
0x149: {  	v43 =	vld [tilespmem:s6+$0x78B0];
	v10 =	vadd.f32 v31, v12;
	v2 =	vadd.f32 v13, v2;
	v61 =	vsub.s32 $0x5F3759DF, v18  }
0x14a: {  	v57 =	vld [tilespmem:s31+$0xF870];
	v15 =	vadd.f32 v59, v15;
	v6 =	vmul.f32 v13, v27;
	v22 =	vmul.f32 v61, v17  }
0x14b: {  	v31 =	vld [tilespmem:s31+$0x7870];
	v18 =	vmul.f32 v16, v19;
	v2 =	vadd.f32 v16, v2;
	v16 =	vmul.f32 v32, v32  }
0x14c: {  	v44 =	vld [tilespmem:s6+$0xF8B0];
	v42 =	vadd.f32 v52, v10;
	v53 =	vmul.f32 v6, v6;
	v13 =	vmul.f32 v61, v22  }
0x14d: {  	v35 =	vld [tilespmem:s6+$0x7830];
	[tilespmem:$0x1FFA0] =	vst v6;
	v6 =	vmul.f32 v33, v34;
	v19 =	vmul.f32 v36, v36;
	v16 =	vadd.f32 v16, v20  }
0x14e: {  	v49 =	vld [tilespmem:s6+$0x7880];
	v15 =	vadd.f32 v53, v15;
	v22 =	vmul.f32 v18, v18;
	v13 =	vsub.f32 $1.500000000e+00, v13  }
0x14f: {  	v47 =	vld [tilespmem:s6+$0xF8A0];
	v42 =	vadd.f32 v14, v42;
	v21 =	vmul.f32 v6, v6;
	v1 =	vadd.f32 v1, v16  }
0x150: {  	v38 =	vld [tilespmem:s6+$0xF830];
	v14 =	vmul.f32 v57, v31;
	v15 =	vadd.f32 v22, v15;
	v59 =	vmul.f32 v61, v13  }
0x151: {  	v2 =	vadd.f32 v33, v2;
	v33 =	vld [tilespmem:s6+$0x7890];
	v16 =	vmul.f32 v44, v43;
	v1 =	vadd.f32 v19, v1  }
0x152: {  	v61 =	vld [tilespmem:s6+$0xF890];
	v13 =	vadd.f32 v21, v15;
	v15 =	vmul.f32 v14, v14;
	v17 =	vmul.f32 v59, v17  }
0x153: {  	v2 =	vadd.f32 v57, v2;
	v19 =	vmul.f32 v54, v49;
	v1 =	vadd.f32 v55, v1  }
0x154: {  	v46 =	vld [tilespmem:s6+$0xF8D0];
	v39 =	vmul.f32 v16, v16;
	v20 =	vadd.f32 v15, v13;
	v15 =	vmul.f32 v17, v59  }
0x155: {  	v41 =	vld [tilespmem:s6+$0x78D0];
	v49 =	vmul.f32 v49, v49;
	v13 =	vmul.f32 v38, v35;
	v1 =	vadd.f32 v51, v1  }
0x156: {  	v48 =	vld [tilespmem:s6+$0x78C0];
	v57 =	vperm.xlane v20, v63;
	v17 =	vmul.f32 v47, v58;
	v15 =	vsub.f32 $1.500000000e+00, v15  }
0x157: {  	v36 =	vld [tilespmem:s6+$0xF8E0];
	v58 =	vmul.f32 v19, v19;
	v22 =	vmul.f32 v61, v33  }
0x158: {  	v53 =	vld [tilespmem:s6+$0x78E0];
	v0 =	vadd.f32 v61, v0;
	v1 =	vadd.f32 v40, v1;
	v15 =	vmul.f32 v15, v59  }
0x159: {  	v27 =	vld [tilespmem:s6+$0xF8C0];
	v40 =	vmul.f32 v35, v35;
	v20 =	vadd.f32 v20, v57;
	v61 =	vmul.f32 v17, v17  }
0x15a: {  	v50 =	vld [tilespmem:s6+$0xF820];
	v42 =	vadd.f32 v49, v42;
	v59 =	vmul.f32 v22, v22;
	v24 =	vmul.f32 v15, v24  }
0x15b: {  	v54 =	vld [tilespmem:s6+$0xF8F0];
	v0 =	vadd.f32 v47, v0;
	v57 =	vperm.xlane v20, v3;
	v37 =	vmul.f32 v15, v37  }
0x15c: {  	v21 =	vld [tilespmem:s6+$0x7820];
	v32 =	vadd.f32 v59, v58;
	v58 =	vmul.f32 v15, v25;
	v55 =	vmul.f32 v15, v29;
	[tilespmem:s31+$0x178A0] =	vst v24  }
0x15d: {  	v0 =	vadd.f32 v44, v0;
	v25 =	vmul.f32 v46, v41;
	v29 =	vmul.f32 v36, v53;
	v52 =	vld [tilespmem:s6+$0x78F0];
	[tilespmem:s31+$0x178E0] =	vst v37  }
0x15e: {  	v30 =	vmul.f32 v15, v30;
	v24 =	vmul.f32 v27, v48;
	v32 =	vadd.f32 v61, v32;
	[tilespmem:s31+$0x178C0] =	vst v58  }
0x15f: {  	v28 =	vmul.f32 v15, v28;
	v61 =	vadd.f32 v20, v57;
	v20 =	vmul.f32 v33, v33;
	[tilespmem:s31+$0x178D0] =	vst v55  }
0x160: {  	v0 =	vadd.f32 v27, v0;
	v59 =	vmul.f32 v24, v24;
	v32 =	vadd.f32 v39, v32;
	v49 =	vld [tilespmem:s6+$0xF800]  }
0x161: {  	v26 =	vmul.f32 v15, v26;
	v58 =	vperm.xlane v61, v56;
	v42 =	vadd.f32 v20, v42  }
0x162: {  	v57 =	vmul.f32 v25, v25;
	v0 =	vadd.f32 v46, v0;
	v39 =	vld [tilespmem:s6+$0xF810];
	v32 =	vadd.f32 v59, v32  }
0x163: {  	v55 =	vmul.f32 v43, v43;
	[tilespmem:s31+$0x178F0] =	vst v30;
	v37 =	vadd.f32 v61, v58;
	v30 =	vadd.f32 v45, v42  }
0x164: {  	v59 =	vmul.f32 v29, v29;
	v33 =	vadd.f32 v57, v32;
	v32 =	vmul.f32 v54, v52  }
0x165: {  	v45 =	vld [tilespmem:s6+$0xF850];
	[tilespmem:s31+$0x17880] =	vst v28;
	v28 =	vperm.xlane v37, v60;
	v30 =	vadd.f32 v55, v30;
	v2 =	vadd.f32 v49, v2  }
0x166: {  	v57 =	vmul.f32 v48, v48;
	v55 =	vld [tilespmem:s6+$0x7850];
	[tilespmem:s31+$0x17890] =	vst v26;
	v27 =	vadd.f32 v59, v33;
	v61 =	vmul.f32 v32, v32  }
0x167: {  	v20 =	vmul.f32 v50, v21;
	v47 =	vld [tilespmem:s6+$0xF840];
	v33 =	vadd.f32 v37, v28;
	v2 =	vadd.f32 v39, v2  }
0x168: {  	v26 =	vmul.f32 v41, v41;
	v41 =	vld [tilespmem:s6+$0x7800];
	v28 =	vadd.f32 v57, v30;
	v27 =	vadd.f32 v61, v27  }
0x169: {  	v23 =	vmul.f32 v15, v23;
	v0 =	vadd.f32 v36, v0;
	v43 =	vld [tilespmem:s6+$0x7810];
	v2 =	vadd.f32 v50, v2  }
0x16a: {  	v36 =	vmul.f32 v20, v20;
	v59 =	vadd.f32 v26, v28;
	v58 =	vperm.xlane v27, v63  }
0x16b: {  	v28 =	vmul.f32 v53, v53;
	v26 =	vmul.f32 v45, v55;
	v2 =	vadd.f32 v38, v2  }
0x16c: {  	v61 =	vmul.f32 v52, v52;
	v44 =	vmul.f32 $5.000000000e-01, v33;
	v30 =	vadd.f32 v27, v58  }
0x16d: {  	v37 =	vmul.f32 v41, v41;
	v50 =	vmul.f32 v26, v26;
	v2 =	vadd.f32 v47, v2  }
0x16e: {  	v46 =	vld [tilespmem:s6+$0xF860];
	v53 =	vshra.s32 v33, $0x1;
	v38 =	vmul.f32 v39, v43;
	v52 =	vperm.xlane v30, v3  }
0x16f: {  	v27 =	vadd.f32 v54, v0;
	v54 =	vadd.f32 v45, v2;
	v2 =	vsub.s32 $0x5F3759DF, v53  }
0x170: {  	[tilespmem:s31+$0x178B0] =	vst v23;
	v0 =	vadd.f32 v28, v59;
	v30 =	vadd.f32 v30, v52;
	v23 =	vmul.f32 v2, v44  }
0x171: {  	v39 =	vmul.f32 v49, v41;
	v58 =	vmul.f32 v34, v34;
	v45 =	vld [tilespmem:s6+$0xF870]  }
0x172: {  	v28 =	vadd.f32 v61, v0;
	v57 =	vperm.xlane v30, v56;
	v23 =	vmul.f32 v2, v23  }
0x173: {  	v59 =	vmul.f32 v31, v31;
	v1 =	vadd.f32 v58, v1;
	v0 =	vadd.f32 v46, v54  }
0x174: {  	v31 =	vmul.f32 v55, v55;
	v48 =	vadd.f32 v30, v57;
	v61 =	vsub.f32 $1.500000000e+00, v23  }
0x175: {  	v42 =	vld [tilespmem:s6+$0x7840];
	v34 =	vmul.f32 v39, v39;
	v51 =	vmul.f32 v38, v38;
	v41 =	vadd.f32 v59, v1  }
0x176: {  	s1 =	simm.s32 $0x800;
	v35 =	vmovc v13;
	v23 =	vadd.f32 v45, v0;
	v30 =	vld [tilespmem:s6+$0x7870];
	v49 =	vperm.xlane v48, v60;
	v52 =	vmul.f32 v2, v61  }
.LBB2_9:
0x177: {  	v1 =	vmul.f32 v43, v43;
	v12 =	vmov v6;
	v6 =	vld [tilespmem:$0x1FFF0]  }
0x178: {  	s12 =	sshra.s32 s1, $0x2;
	v2 =	vmul.f32 v21, v21;
	v0 =	vadd.f32 v51, v34;
	v34 =	vld [tilespmem:s6+$0x7860];
	v21 =	vadd.f32 v37, v41  }
0x179: {  	v43 =	vld [tilespmem:s12+$0xF8E0];
	v48 =	vadd.f32 v48, v49  }
0x17a: {  	v35 =	vmul.f32 v35, v13;
	v51 =	vld [tilespmem:s12+$0xF8C0];
	v0 =	vadd.f32 v36, v0;
	v1 =	vadd.f32 v1, v21  }
0x17b: {  	v37 =	vld [tilespmem:s12+$0x7830];
	v36 =	vmul.f32 $5.000000000e-01, v48;
	v21 =	vshra.s32 v48, $0x1;
	v49 =	vmul.f32 v47, v42  }
0x17c: {  	v59 =	vmul.f32 v52, v44;
	v44 =	vld [tilespmem:s12+$0xF830];
	v53 =	vsub.s32 $0x5F3759DF, v21  }
0x17d: {  	v54 =	vld [tilespmem:s12+$0xF8B0];
	v0 =	vadd.f32 v35, v0;
	v61 =	vmul.f32 v53, v36;
	v60 =	vmul.f32 v49, v49  }
0x17e: {  	v55 =	vld [tilespmem:s12+$0xF880];
	v21 =	vmul.f32 v59, v52;
	v1 =	vadd.f32 v2, v1  }
0x17f: {  	v47 =	vld [tilespmem:s12+$0x78B0];
	v41 =	vmul.f32 v46, v34;
	v35 =	vmul.f32 v53, v61;
	v0 =	vadd.f32 v60, v0  }
0x180: {  	v57 =	vld [tilespmem:s12+$0xF8A0];
	v56 =	vmul.f32 v45, v30;
	v40 =	vadd.f32 v40, v1;
	v60 =	vsub.f32 $1.500000000e+00, v21  }
0x181: {  	v58 =	vld [tilespmem:s12+$0x7880];
	v61 =	vmul.f32 v41, v41;
	v1 =	vsub.f32 $1.500000000e+00, v35;
	v0 =	vadd.f32 v50, v0  }
0x182: {  	v42 =	vmul.f32 v42, v42;
	v46 =	vld [tilespmem:s12+$0xF820];
	v45 =	vmul.f32 v60, v52  }
0x183: {  	v60 =	vmul.f32 v56, v56;
	v52 =	vld [tilespmem:s12+$0xF890];
	v1 =	vmul.f32 v53, v1;
	v0 =	vadd.f32 v61, v0  }
0x184: {  	v10 =	vmov v38;
	v38 =	vmul.f32 v54, v47;
	v50 =	vld [tilespmem:s12+$0x78A0];
	v61 =	vmul.f32 v45, v9  }
0x185: {  	v33 =	vmul.f32 v45, v33;
	v9 =	vmovc v39;
	v39 =	vld [tilespmem:s12+$0x7890];
	v36 =	vmul.f32 v1, v36;
	v0 =	vadd.f32 v60, v0  }
0x186: {  	v27 =	vadd.f32 v55, v27;
	v21 =	vld [tilespmem:s12+$0x7820];
	v60 =	vmul.f32 v45, v8;
	[tilespmem:s31+$0x17800] =	vst v61;
	v61 =	vmul.f32 v45, v7  }
0x187: {  	v7 =	vmul.f32 v36, v1;
	v59 =	vperm.xlane v0, v63  }
0x188: {  	v53 =	vmul.f32 v55, v58;
	v33 =	vmul.f32 v33, v45;
	v27 =	vadd.f32 v52, v27  }
0x189: {  	v55 =	vmul.f32 v58, v58;
	[tilespmem:s31+$0x17810] =	vst v60;
	v36 =	vsub.f32 $1.500000000e+00, v7;
	v0 =	vadd.f32 v0, v59  }
0x18a: {  	v3 =	vld [tilespmem:$0x1FFD0];
	v4 =	vadd.f32 v33, v4;
	v33 =	vmul.f32 v57, v50;
	[tilespmem:s31+$0x17820] =	vst v61;
	v52 =	vmul.f32 v52, v39  }
0x18b: {  	v58 =	vld [tilespmem:s12+$0x78C0];
	v27 =	vadd.f32 v57, v27;
	v1 =	vmul.f32 v36, v1;
	v60 =	vperm.xlane v0, v6  }
0x18c: {  	v28 =	vadd.f32 v55, v28;
	v57 =	vld [tilespmem:s12+$0xF8D0];
	v59 =	vmul.f32 v53, v53;
	v55 =	vmul.f32 v52, v52  }
0x18d: {  	v61 =	vld [tilespmem:s12+$0x78D0];
	v27 =	vadd.f32 v54, v27;
	v0 =	vadd.f32 v0, v60;
	v60 =	vmul.f32 v1, v17;
	v17 =	vmovc v33  }
0x18e: {  	v54 =	vld [tilespmem:s12+$0xF8F0];
	v55 =	vadd.f32 v55, v59;
	v29 =	vmul.f32 v1, v29;
	v33 =	vmul.f32 v33, v17  }
0x18f: {  	v35 =	vmul.f32 v44, v37;
	v7 =	vmov v62;
	v62 =	vmul.f32 v1, v24;
	v59 =	vld [tilespmem:s12+$0x78E0];
	[tilespmem:s6+$0x178A0] =	vst v60  }
0x190: {  	v47 =	vmul.f32 v47, v47;
	v63 =	vmul.f32 v1, v25;
	v33 =	vadd.f32 v33, v55;
	v55 =	vld [tilespmem:s12+$0x78F0];
	[tilespmem:s6+$0x178E0] =	vst v29  }
0x191: {  	v40 =	vadd.f32 v42, v40;
	v2 =	vmul.f32 v38, v38;
	v11 =	vmul.f32 v45, v11;
	[tilespmem:s6+$0x178C0] =	vst v62  }
0x192: {  	v8 =	vmov v20;
	v20 =	vmul.f32 v46, v21;
	v39 =	vmul.f32 v39, v39;
	[tilespmem:s6+$0x178D0] =	vst v63  }
0x193: {  	v31 =	vadd.f32 v31, v40;
	v40 =	vmul.f32 v37, v37;
	v50 =	vmul.f32 v50, v50;
	[tilespmem:s31+$0x17830] =	vst v11;
	v11 =	vld [tilespmem:$0x1FFA0]  }
0x194: {  	v36 =	vmul.f32 v20, v20;
	v28 =	vadd.f32 v39, v28;
	v22 =	vmul.f32 v1, v22  }
0x195: {  	v27 =	vadd.f32 v51, v27;
	v32 =	vmul.f32 v1, v32;
	v60 =	vperm.xlane v0, v3  }
0x196: {  	v28 =	vadd.f32 v50, v28;
	v19 =	vmul.f32 v1, v19;
	v24 =	vmul.f32 v51, v58  }
0x197: {  	v25 =	vmul.f32 v57, v61;
	v51 =	vmul.f32 v15, v7;
	v0 =	vadd.f32 v0, v60;
	v60 =	vld [tilespmem:$0x1FFC0]  }
0x198: {  	v39 =	vmul.f32 v24, v24;
	v62 =	vmovc v49;
	v2 =	vadd.f32 v2, v33;
	v49 =	vld [tilespmem:s12+$0xF800];
	v11 =	vmul.f32 v45, v11  }
0x199: {  	v7 =	vmovc v8;
	v8 =	vmov v10;
	v10 =	vmul.f32 v45, v14;
	v27 =	vadd.f32 v57, v27  }
0x19a: {  	v29 =	vmul.f32 v43, v59;
	v33 =	vmul.f32 v25, v25;
	v2 =	vadd.f32 v39, v2;
	[tilespmem:s31+$0x17840] =	vst v11  }
0x19b: {  	v14 =	vmovc v56;
	v28 =	vadd.f32 v47, v28;
	[tilespmem:$0x1FFA0] =	vst v62;
	v62 =	vmov v48;
	v11 =	vmul.f32 v45, v18;
	v48 =	vld [tilespmem:s12+$0xF810]  }
0x19c: {  	v50 =	vmul.f32 v29, v29;
	v2 =	vadd.f32 v33, v2;
	v18 =	vmul.f32 v54, v55;
	[tilespmem:s31+$0x17870] =	vst v10  }
0x19d: {  	v63 =	vld [tilespmem:$0x1FFE0];
	v27 =	vadd.f32 v43, v27;
	v39 =	vperm.xlane v0, v60;
	v23 =	vadd.f32 v49, v23;
	[tilespmem:s31+$0x17850] =	vst v11  }
0x19e: {  	v2 =	vadd.f32 v50, v2;
	v50 =	vmul.f32 v61, v61;
	v57 =	vmul.f32 v18, v18;
	[tilespmem:s6+$0x178F0] =	vst v32  }
0x19f: {  	v27 =	vadd.f32 v54, v27;
	v54 =	vmul.f32 v59, v59;
	v10 =	vmul.f32 v51, v15;
	v56 =	vld [tilespmem:s12+$0xF850];
	[tilespmem:s6+$0x17880] =	vst v19  }
0x1a0: {  	v15 =	vmov v1;
	v2 =	vadd.f32 v57, v2;
	v57 =	vld [tilespmem:s12+$0x7850];
	[tilespmem:s6+$0x17890] =	vst v22;
	v23 =	vadd.f32 v48, v23  }
0x1a1: {  	v33 =	vadd.f32 v0, v39;
	v59 =	vmul.f32 v15, v16;
	v32 =	vmul.f32 v58, v58;
	v47 =	vld [tilespmem:s12+$0xF840]  }
0x1a2: {  	v5 =	vadd.f32 v10, v5;
	v61 =	vperm.xlane v2, v63;
	v43 =	vld [tilespmem:s12+$0x7810];
	v23 =	vadd.f32 v46, v23  }
0x1a3: {  	v58 =	vshra.s32 v33, $0x1;
	v39 =	vadd.f32 v32, v28;
	v28 =	vmul.f32 v55, v55  }
0x1a4: {  	v22 =	vmovc v52;
	v52 =	vsub.s32 $0x5F3759DF, v58;
	v1 =	vld [tilespmem:s12+$0x7800];
	v2 =	vadd.f32 v2, v61;
	v23 =	vadd.f32 v44, v23  }
0x1a5: {  	v16 =	vmovc v38;
	v58 =	vmul.f32 v30, v30;
	v0 =	vadd.f32 v50, v39;
	v46 =	vld [tilespmem:s12+$0xF860];
	v61 =	vmul.f32 v45, v12  }
0x1a6: {  	v32 =	vmovc v18;
	v18 =	vmovc v26;
	v55 =	vperm.xlane v2, v6;
	v44 =	vmul.f32 $5.000000000e-01, v33;
	v23 =	vadd.f32 v47, v23  }
0x1a7: {  	[tilespmem:s6+$0x178B0] =	vst v59;
	v0 =	vadd.f32 v54, v0;
	v26 =	vmul.f32 v56, v57;
	v38 =	vmul.f32 v48, v43  }
0x1a8: {  	v45 =	vld [tilespmem:s12+$0xF870];
	v2 =	vadd.f32 v2, v55;
	v55 =	vmul.f32 v52, v44;
	v23 =	vadd.f32 v56, v23  }
0x1a9: {  	p1 =	sne.s32 s1, $0xFC00;
	v28 =	vadd.f32 v28, v0;
	v39 =	vmul.f32 v49, v1;
	v56 =	vmul.f32 v34, v34  }
.Ltmp3:
0x1aa: {  	v6 =	vmovc v41;
	v41 =	vmul.f32 v52, v55;
	v0 =	vadd.f32 v46, v23;
	v23 =	vperm.xlane v2, v3;
	(pc) =	sbr.rel @p1 .LBB2_9-.Ltmp3, $4  }
0x1ab: {  	v37 =	vmul.f32 v1, v1;
	v50 =	vmul.f32 v26, v26;
	v59 =	vadd.f32 v56, v31  }
0x1ac: {  	v11 =	vmovc v13;
	[tilespmem:s31+$0x17860] =	vst v61;
	s31 =	smov.u32 s6;
	s6 =	smov.u32 s12;
	v51 =	vmul.f32 v38, v38;
	v61 =	vsub.f32 $1.500000000e+00, v41;
	v48 =	vadd.f32 v2, v23  }
0x1ad: {  	v13 =	vmovc v35;
	v42 =	vld [tilespmem:s6+$0x7840];
	v34 =	vmul.f32 v39, v39;
	v31 =	vmul.f32 v57, v57;
	v23 =	vadd.f32 v45, v0  }
0x1ae: {  	s1 =	sadd.s32 $0x400, s1;
	v19 =	vmovc v53;
	v30 =	vld [tilespmem:s6+$0x7870];
	v41 =	vadd.f32 v58, v59;
	v52 =	vmul.f32 v52, v61;
	v49 =	vperm.xlane v48, v60  }
0x1af: {  	_ = 	snop  }
0x1b0: {  	v0 =	vadd.f32 v51, v34  }
0x1b1: {  	v1 =	vld [tilespmem:s6+$0x7860]  }
0x1b2: {  	v2 =	vmul.f32 v35, v13;
	v0 =	vadd.f32 v36, v0;
	v34 =	vmul.f32 v47, v42;
	_ =	sdelay $0x1  }
0x1b3: {  	v0 =	vadd.f32 v2, v0;
	v2 =	vmul.f32 v34, v34;
	_ =	sdelay $0x1  }
0x1b4: {  	v0 =	vadd.f32 v2, v0;
	v2 =	vmul.f32 v46, v1;
	_ =	sdelay $0x1  }
0x1b5: {  	v36 =	vmul.f32 v45, v30;
	v0 =	vadd.f32 v50, v0;
	v61 =	vmul.f32 v2, v2  }
0x1b6: {  	v45 =	vadd.f32 v48, v49  }
0x1b7: {  	v10 =	vmul.f32 v36, v36;
	v0 =	vadd.f32 v61, v0  }
0x1b8: {  	v12 =	vmul.f32 $5.000000000e-01, v45;
	v51 =	vshra.s32 v45, $0x1  }
0x1b9: {  	v46 =	vsub.s32 $0x5F3759DF, v51;
	v0 =	vadd.f32 v10, v0  }
0x1ba: {  	v3 =	vld [tilespmem:$0x1FFF0];
	v54 =	vmul.f32 v46, v12  }
0x1bb: {  	v35 =	vperm.xlane v0, v63  }
0x1bc: {  	v55 =	vmul.f32 v46, v54  }
0x1bd: {  	v0 =	vadd.f32 v0, v35  }
0x1be: {  	v50 =	vld [tilespmem:$0x1FFD0];
	v47 =	vsub.f32 $1.500000000e+00, v55  }
0x1bf: {  	v44 =	vmul.f32 v52, v44;
	v53 =	vperm.xlane v0, v3  }
0x1c0: {  	v46 =	vmul.f32 v46, v47  }
0x1c1: {  	v44 =	vmul.f32 v44, v52;
	v0 =	vadd.f32 v0, v53  }
0x1c2: {  	v35 =	vmul.f32 v46, v12  }
0x1c3: {  	v44 =	vsub.f32 $1.500000000e+00, v44;
	v56 =	vperm.xlane v0, v50  }
0x1c4: {  	v35 =	vmul.f32 v35, v46  }
0x1c5: {  	v44 =	vmul.f32 v44, v52;
	v0 =	vadd.f32 v0, v56  }
0x1c6: {  	v35 =	vsub.f32 $1.500000000e+00, v35  }
0x1c7: {  	v9 =	vmul.f32 v44, v9;
	v57 =	vperm.xlane v0, v60  }
0x1c8: {  	v8 =	vmul.f32 v44, v8;
	v35 =	vmul.f32 v35, v46  }
0x1c9: {  	v7 =	vmul.f32 v44, v7;
	[tilespmem:s31+$0x17800] =	vst v9;
	v0 =	vadd.f32 v0, v57  }
0x1ca: {  	[tilespmem:s31+$0x17810] =	vst v8;
	v8 =	vmul.f32 v35, v17  }
0x1cb: {  	[tilespmem:s31+$0x17820] =	vst v7;
	v47 =	vshra.s32 v0, $0x1;
	v58 =	vmul.f32 $5.000000000e-01, v0  }
0x1cc: {  	[tilespmem:s6+$0x178A0] =	vst v8;
	v8 =	vmul.f32 v35, v25;
	v47 =	vsub.s32 $0x5F3759DF, v47  }
0x1cd: {  	v59 =	vmul.f32 v47, v58  }
0x1ce: {  	[tilespmem:s6+$0x178D0] =	vst v8;
	v8 =	vld [tilespmem:$0x1FFA0]  }
0x1cf: {  	v61 =	vmul.f32 v47, v59;
	_ =	sdelay $0x1  }
0x1d0: {  	v7 =	vmul.f32 v35, v29;
	v9 =	vsub.f32 $1.500000000e+00, v61  }
0x1d1: {  	v12 =	vmul.f32 v35, v24  }
0x1d2: {  	[tilespmem:s6+$0x178E0] =	vst v7;
	v8 =	vmul.f32 v44, v8;
	v7 =	vmul.f32 v47, v9  }
0x1d3: {  	v17 =	vmul.f32 v44, v11;
	[tilespmem:s6+$0x178C0] =	vst v12  }
0x1d4: {  	[tilespmem:s31+$0x17840] =	vst v8;
	v8 =	vmul.f32 v44, v14;
	v46 =	vmul.f32 v7, v58  }
0x1d5: {  	[tilespmem:s31+$0x17830] =	vst v17;
	v47 =	vmul.f32 v44, v18  }
0x1d6: {  	v48 =	vmul.f32 v35, v32;
	[tilespmem:s31+$0x17870] =	vst v8;
	v11 =	vmul.f32 v46, v7  }
0x1d7: {  	v49 =	vmul.f32 v43, v43;
	v12 =	vmul.f32 v35, v19;
	[tilespmem:s31+$0x17850] =	vst v47  }
0x1d8: {  	v52 =	vadd.f32 v37, v41;
	v51 =	vmul.f32 v35, v22;
	[tilespmem:s6+$0x178F0] =	vst v48;
	v8 =	vsub.f32 $1.500000000e+00, v11  }
0x1d9: {  	v10 =	vmul.f32 v21, v21;
	v53 =	vmul.f32 v35, v16;
	[tilespmem:s6+$0x17880] =	vst v12  }
0x1da: {  	v9 =	vadd.f32 v49, v52;
	[tilespmem:s6+$0x17890] =	vst v51;
	v7 =	vmul.f32 v8, v7;
	v8 =	vmul.f32 v44, v6  }
0x1db: {  	v1 =	vmul.f32 v1, v1;
	v58 =	vmul.f32 v44, v33;
	[tilespmem:s6+$0x178B0] =	vst v53  }
0x1dc: {  	v56 =	vmul.f32 v42, v42;
	v9 =	vadd.f32 v10, v9;
	[tilespmem:s31+$0x17860] =	vst v8;
	v8 =	vmul.f32 v7, v38  }
0x1dd: {  	v61 =	vmul.f32 v58, v44;
	v54 =	vmul.f32 v7, v39  }
0x1de: {  	v9 =	vadd.f32 v40, v9;
	v6 =	vmul.f32 v15, v62;
	[tilespmem:s6+$0x17810] =	vst v8;
	v8 =	vmul.f32 v7, v13  }
0x1df: {  	v62 =	vmul.f32 v35, v45;
	v55 =	vmul.f32 v7, v20;
	[tilespmem:s6+$0x17800] =	vst v54  }
0x1e0: {  	s29 =	sadd.s32 $0x1, s29;
	v9 =	vadd.f32 v56, v9;
	v57 =	vmul.f32 v7, v34;
	[tilespmem:s6+$0x17830] =	vst v8;
	v8 =	vmul.f32 v7, v26  }
0x1e1: {  	p1 =	sne.s32 s29, $0x28;
	v2 =	vmul.f32 v7, v2;
	v0 =	vmul.f32 v7, v0;
	[tilespmem:s6+$0x17820] =	vst v55  }
.Ltmp4:
0x1e2: {  	v59 =	vmul.f32 v7, v36;
	v6 =	vmul.f32 v6, v15;
	[tilespmem:s6+$0x17850] =	vst v8;
	v8 =	vadd.f32 v31, v9;
	(pc) =	sbr.rel @p1 .LBB2_6-.Ltmp4, $4  }
0x1e3: {  	[tilespmem:s6+$0x17860] =	vst v2;
	v2 =	vadd.f32 v61, v4;
	v4 =	vmul.f32 v30, v30;
	v0 =	vmul.f32 v0, v7  }
0x1e4: {  	[tilespmem:s6+$0x17840] =	vst v57;
	v6 =	vadd.f32 v6, v5;
	v1 =	vadd.f32 v1, v8;
	v8 =	vmul.f32 v62, v35  }
0x1e5: {  	s1 =	sadd.s32 s2, s30;
	[tilespmem:s6+$0x17870] =	vst v59;
	v5 =	vadd.f32 v0, v2  }
0x1e6: {  	[hbm4b:s1+s4] =	stream.linear.scatter [tilespmem:s23], [sflag:$0x6], $0x4000, $0x38;
	v7 =	vadd.f32 v4, v1;
	v4 =	vadd.f32 v8, v6;
	[tilespmem:$0x1B950] =	vst v63  }
0x1e7: {  	_ =	swait.ge [sflag:s18], $0x4000  }
0x1e8: {  	[sflag:s18] =	ssyncset.done $0x0  }
0x1e9: {  	[sflag:s18] =	ssyncadd.s32 $0xFFFFC000  }
0x1ea: {  	_ =	swait.ge [sflag:s19], $0x4000  }
0x1eb: {  	[sflag:s19] =	ssyncset.done $0x0  }
0x1ec: {  	[sflag:s19] =	ssyncadd.s32 $0xFFFFC000  }
0x1ed: {  	_ =	swait.ge [sflag:s24], $0x4000  }
0x1ee: {  	[sflag:s24] =	ssyncset.done $0x0  }
0x1ef: {  	[sflag:s24] =	ssyncadd.s32 $0xFFFFC000  }
0x1f0: {  	_ =	swait.ge [sflag:s25], $0x4000  }
0x1f1: {  	v0 =	vadd.f32 v27, v23;
	[sflag:s25] =	ssyncset.done $0x0  }
0x1f2: {  	v1 =	vadd.f32 v28, v7;
	[sflag:s25] =	ssyncadd.s32 $0xFFFFC000  }
0x1f3: {  	s28 =	sadd.s32 $0x1, s28;
	v2 =	vadd.f32 v4, v5;
	[tilespmem:$0x1B800] =	vst v0  }
0x1f4: {  	p1 =	sne.s32 s28, s10;
	[tilespmem:$0x1B810] =	vst v1  }
.Ltmp5:
0x1f5: {  	s1 =	simm.s32 $0x1B800;
	[tilespmem:$0x1B820] =	vst v2;
	(pc) =	sbr.rel @p1 .LBB2_1-.Ltmp5, $4  }
0x1f6: {  	[hbm4b:s9+s4] =	stream.linear.scatter [tilespmem:s1], [sflag:$0x7], $0x80, $0x38;
	[tilespmem:$0x1B950] =	vst v63  }
0x1f7: {  	_ =	swait.ge [sflag:s11], $0x80  }
0x1f8: {  	[sflag:s11] =	ssyncset.done $0x0  }
0x1f9: {  	[sflag:s11] =	ssyncadd.s32 $0xFFFFFF80  }
0x1fa: {  	_ =	sfence.sel $0x180000  }
0x1fb: {  	[bflag:$0x0] =	sbarrier.arrive $0xFFFF  }
0x1fc: {  	_ =	strace $0x90000047  }
0x1fd: {  	[bflag:$0x2] =	sbarrier.arrive $0xFFFF  }
0x1fe: {  	s0 =	rddreg [dreg:$0x6]  }
0x1ff: {  	s0 =	sadd.s32 @!p0 $0x100000, s0  }
0x200: {  	[sflag:s0] =	ssyncadd.tile.s32 @!p0 $0x1;
	_ =	shalt  }
.Lfunc_end2:
_tile_overlayer_lowered:
.L_overlay_start_2:
0x201: {  	(tag) =	ssettag $0x2  }
0x202: {  	s0 =	rddreg [dreg:$0x0];
	s2 =	stileid.u32  }
0x203: {  	s1 =	rddreg [dreg:$0x1];
	p0 =	sne.s32 s2, $0x0  }
0x204: {  	s3 =	rddreg [dreg:$0x2];
	[bflag:$0x3] =	sbarrier.arrive $0xFFFF;
	s2 =	simm.s32 @!p0 $0x1C08  }
0x205: {  	[timem:s3], [sflag:s2] =	dma.local @!p0 [hbm:s0], s1  }
0x206: {  	s0 =	simm.s32 @!p0 $0x8  }
0x207: {  	_ =	swait.ge @!p0 [sflag:s0], s1  }
0x208: {  	s1 =	ssub.s32 @!p0 $0x0, s1;
	[sflag:s0] =	ssyncset.done @!p0 $0x0  }
0x209: {  	[sflag:s0] =	ssyncadd.s32 @!p0 s1  }
0x20a: {  	[bflag:$0x3] =	sbarrier.arrive $0xFFFF  }
0x20b: {  	_ =	shalt  }

</sc_bundles>
